<compile_context>
chip_gen: v7x
topology: tpu7x:2x2x1
jax: 0.10.2.dev20260603
libtpu: 0.0.44.dev20260713+nightly
codegen_flags: <defaults>
</compile_context>

<pallas_src>
import functools

import jax
import jax.numpy as jnp
from jax import lax
from jax.experimental import pallas as pl
from jax.experimental.pallas import tpu as pltpu, tpu_sc as plsc

N = 4096
C = 64
NBINS = 16
L = 16
JQ = N // 4
NSC = 512
G = NSC // 8
RC = 16
NR = G // RC
BI = 128
GRID_F = RC * NBINS * C
DUMP = GRID_F
UNROLL = 8

_GDN = lax.GatherDimensionNumbers(offset_dims=(), collapsed_slice_dims=(0,),
                                  start_index_map=(0,))


def _lane_bcast(vec, kk):
    idx = jnp.full((L, 1), kk, jnp.int32)
    return lax.gather(vec, idx, dimension_numbers=_GDN, slice_sizes=(1,),
                      mode=lax.GatherScatterMode.PROMISE_IN_BOUNDS)


def _sc_body(attr_hbm, xh, yh, zh, zeros_hbm, out_hbm,
             xc, yc, zc, attrq, jl, dl, grids, spm):
    cid = lax.axis_index("c")
    sid = lax.axis_index("s")
    h = sid // 4
    q = sid % 4
    pltpu.sync_copy(xh, xc)
    pltpu.sync_copy(yh, yc)
    pltpu.sync_copy(zh, zc)
    pltpu.sync_copy(attr_hbm.at[pl.ds(q * JQ * C, JQ * C)], attrq)
    iota = lax.iota(jnp.int32, L)
    iota64 = iota * C
    c16 = [iota + L * t for t in range(4)]
    zvec = jnp.zeros((L,), jnp.int32)
    jq0 = q * JQ
    c00 = cid * (NSC // 2) + h * G

    def round_body(r, _):
        pltpu.sync_copy(zeros_hbm, grids)
        cr0 = c00 + r * RC

        def center_body(k, _):
            i = cr0 + k
            ivec = jnp.broadcast_to(i, (L,)).astype(jnp.int32)
            xi = plsc.load_gather(xc, [ivec])
            yi = plsc.load_gather(yc, [ivec])
            zi = plsc.load_gather(zc, [ivec])
            dbase = k * (NBINS * C)

            def group_body(g0, countm1):
                for u in range(UNROLL):
                    g = g0 * UNROLL + u
                    sl = pl.ds(jq0 + g * L, L)
                    dx = xc[sl] - xi
                    dy = yc[sl] - yi
                    dz = zc[sl] - zi
                    d2 = dx * dx + dy * dy + dz * dz
                    jv = jq0 + g * L + iota
                    valid = (d2 <= 1.0) & (jv != ivec)
                    dest = (jnp.where(d2 >= 0.25, dbase + 8 * C, dbase)
                            + jnp.where(dx > 0, 4 * C, 0)
                            + jnp.where(dy > 0, 2 * C, 0)
                            + jnp.where(dz > 0, C, 0))
                    jst = g * (L * C) + iota64
                    pos = countm1 + plsc.cumsum(valid.astype(jnp.int32))
                    plsc.store_scatter(jl, [pos], jst, mask=valid)
                    plsc.store_scatter(dl, [pos], dest, mask=valid)
                    countm1 = countm1 + plsc.all_reduce_population_count(valid)
                return countm1

            countm1 = lax.fori_loop(0, JQ // (L * UNROLL), group_body,
                                    zvec - 1)
            count = countm1 + 1
            dumpv = jnp.broadcast_to(DUMP, (L,)).astype(jnp.int32)
            plsc.store_scatter(jl, [count + iota], zvec)
            plsc.store_scatter(dl, [count + iota], dumpv)
            cnt = jnp.max(count)
            np16 = (cnt + L - 1) // L

            def pair_body(p, _):
                jvec = jl[pl.ds(p * L, L)]
                destv = dl[pl.ds(p * L, L)]
                for kk in range(L):
                    jb = _lane_bcast(jvec, kk)
                    db = _lane_bcast(destv, kk)
                    for t in range(4):
                        v = plsc.load_gather(attrq, [jb + c16[t]])
                        plsc.addupdate_scatter(grids, [db + c16[t]], v)
                return 0

            lax.fori_loop(0, np16, pair_body, 0)
            return 0

        lax.fori_loop(0, RC, center_body, 0)

        pltpu.sync_copy(grids.at[pl.ds(0, GRID_F)], spm.at[sid])
        plsc.subcore_barrier()
        slice_f = (RC // 4) * NBINS * C
        for p in range(4):
            pltpu.sync_copy(spm.at[h * 4 + p, pl.ds(q * slice_f, slice_f)],
                            grids.at[pl.ds(p * slice_f, slice_f)])

        def red_body(t, _):
            sl0 = pl.ds(t * L, L)
            acc = (grids[sl0]
                   + grids[pl.ds(slice_f + t * L, L)]
                   + grids[pl.ds(2 * slice_f + t * L, L)]
                   + grids[pl.ds(3 * slice_f + t * L, L)])
            grids[sl0] = acc
            return 0

        lax.fori_loop(0, slice_f // L, red_body, 0)
        out0 = (cr0 + q * (RC // 4)) * (NBINS * C)
        pltpu.sync_copy(grids.at[pl.ds(0, slice_f)],
                        out_hbm.at[pl.ds(out0, slice_f)])
        plsc.subcore_barrier()
        return 0

    lax.fori_loop(0, NR, round_body, 0)


def _sc_point_conv(in_attributes, point_cloud):
    xs = point_cloud[:, 0].reshape(N)
    ys = point_cloud[:, 1].reshape(N)
    zs = point_cloud[:, 2].reshape(N)
    attr_flat = in_attributes.reshape(N * C)
    zeros = jnp.zeros((GRID_F + C,), jnp.float32)
    mesh = plsc.VectorSubcoreMesh(core_axis_name="c", subcore_axis_name="s")
    k = functools.partial(
        pl.kernel,
        out_type=jax.ShapeDtypeStruct((NSC * NBINS * C,), jnp.float32),
        mesh=mesh,
        compiler_params=pltpu.CompilerParams(needs_layout_passes=False,
                                             use_tc_tiling_on_sc=False),
        scratch_types=[
            pltpu.VMEM((N,), jnp.float32),
            pltpu.VMEM((N,), jnp.float32),
            pltpu.VMEM((N,), jnp.float32),
            pltpu.VMEM((JQ * C,), jnp.float32),
            pltpu.VMEM((JQ + L,), jnp.int32),
            pltpu.VMEM((JQ + L,), jnp.int32),
            pltpu.VMEM((GRID_F + C,), jnp.float32),
            pltpu.VMEM_SHARED((16, GRID_F), jnp.float32),
        ],
    )(_sc_body)
    out = k(attr_flat, xs, ys, zs, zeros)
    return out.reshape(NSC, NBINS, C)


def _tc_body(xyz_ref, pci_ref, attr_ref, out_ref):
    i0 = NSC + pl.program_id(0) * BI
    xyz = xyz_ref[...]
    xj = xyz[0, :][None, :]
    yj = xyz[1, :][None, :]
    zj = xyz[2, :][None, :]
    pci = pci_ref[...]
    dx = xj - pci[:, 0:1]
    dy = yj - pci[:, 1:2]
    dz = zj - pci[:, 2:3]
    d2 = dx * dx + dy * dy + dz * dz + 1e-12
    dist = jnp.sqrt(d2)
    shell = (dist >= 0.5).astype(jnp.int32)
    octant = (4 * (dx > 0).astype(jnp.int32)
              + 2 * (dy > 0).astype(jnp.int32)
              + (dz > 0).astype(jnp.int32))
    bin_idx = shell * 8 + octant
    jidx = lax.broadcasted_iota(jnp.int32, (BI, N), 1)
    iidx = lax.broadcasted_iota(jnp.int32, (BI, N), 0) + i0
    valid = (dist <= 1.0) & (jidx != iidx)
    bin_eff = jnp.where(valid, bin_idx, NBINS)
    attr = attr_ref[...]
    for b in range(NBINS):
        mask = (bin_eff == b).astype(jnp.float32)
        out_ref[:, b, :] = jnp.dot(mask, attr,
                                   preferred_element_type=jnp.float32)


def _tc_point_conv(in_attributes, point_cloud):
    xyz = point_cloud.T.reshape(3, N)
    pci = jnp.pad(point_cloud[NSC:], ((0, 0), (0, 5)))
    grid = ((N - NSC) // BI,)
    return pl.pallas_call(
        _tc_body,
        grid=grid,
        in_specs=[
            pl.BlockSpec((3, N), lambda i: (0, 0)),
            pl.BlockSpec((BI, 8), lambda i: (i, 0)),
            pl.BlockSpec((N, C), lambda i: (0, 0)),
        ],
        out_specs=pl.BlockSpec((BI, NBINS, C), lambda i: (i + NSC // BI, 0, 0)),
        out_shape=jax.ShapeDtypeStruct((N, NBINS, C), jnp.float32),
    )(xyz, pci, in_attributes)


@jax.jit
def kernel(in_attributes, point_cloud):
    out_sc = _sc_point_conv(in_attributes, point_cloud)
    out_tc = _tc_point_conv(in_attributes, point_cloud)
    return lax.dynamic_update_slice(out_tc, out_sc, (0, 0, 0))

# --- scband reference (transcript-rebuilt; emitter-appended) ---
"""Pipeline reference for scband-point-conv-88175678587631 (READ-ONLY COPY).

The authoritative reference and input builder live on the scoring server;
editing this copy changes nothing except your own understanding.
"""

import jax, jax.numpy as jnp
import numpy as np

KERNEL_RADIUS = 1.0
KERNEL_SIZE = 2
CHANNELS = 64
N = 4096


def setup_inputs(seed: int = 0) -> dict:
    key = jax.random.key(seed)
    k1, k2 = jax.random.split(key)
    in_attributes = jax.random.normal(k1, (N, CHANNELS), dtype=jnp.float32)
    point_cloud = jax.random.normal(k2, (N, 3), dtype=jnp.float32)
    return {"in_attributes": in_attributes, "point_cloud": point_cloud}


def _bin_indices(point_cloud, kernel_radius, kernel_size):
    # offsets from each center point i to every other point j: [N, N, 3]
    d = point_cloud[None, :, :] - point_cloud[:, None, :]
    dist = jnp.sqrt(jnp.sum(d * d, axis=-1) + 1e-12)  # [N, N]
    # octant id (which of 8 quadrants of 3D space the neighbor falls in)
    octant = (4 * (d[..., 0] > 0).astype(jnp.int32)
              + 2 * (d[..., 1] > 0).astype(jnp.int32)
              + (d[..., 2] > 0).astype(jnp.int32))
    # radial shell id within the kernel radius
    shell_width = kernel_radius / kernel_size
    shell = jnp.clip((dist / shell_width).astype(jnp.int32), 0, kernel_size - 1)
    bin_idx = shell * 8 + octant  # [N, N] in [0, kernel_size*8)
    n = point_cloud.shape[0]
    eye = jnp.eye(n, dtype=bool)
    valid = (dist <= kernel_radius) & (~eye)
    return bin_idx, valid


def reference(in_attributes, point_cloud):
    """pointConv forward: sort/accumulate neighbor attributes into a
    per-point grid of kernel_size*8 spatial bins (histogram binning +
    scatter-add of channel attributes).

    Returns out_grid_attributes: float32[N, kernel_size*8, channels].
    """
    num_bins = KERNEL_SIZE * 8
    bin_idx, valid = _bin_indices(point_cloud, KERNEL_RADIUS, KERNEL_SIZE)
    outs = []
    for b in range(num_bins):
        mask = (valid & (bin_idx == b)).astype(in_attributes.dtype)  # [N, N]
        # scatter-add of neighbor attributes into bin b, expressed as
        # a masked aggregation: out[i, b, :] = sum_j mask[i, j] * attr[j]
        outs.append(mask @ in_attributes)  # [N, C]
    out_grid_attributes = jnp.stack(outs, axis=1)  # [N, num_bins, C]
    return out_grid_attributes

if __name__ == "__main__":
    import jax
    _d = setup_inputs()
    print(jax.jit(kernel)(*tuple(_d.values())))

</pallas_src>

<mosaic_0001>
#map = affine_map<(d0, d1) -> (0)>
module attributes {stable_mosaic.version = 14 : i64} {
  func.func @_sc_body(%arg0: i32, %arg1: i32, %arg2: memref<262144xf32, #tpu.memory_space<hbm>>, %arg3: memref<4096xf32, #tpu.memory_space<hbm>>, %arg4: memref<4096xf32, #tpu.memory_space<hbm>>, %arg5: memref<4096xf32, #tpu.memory_space<hbm>>, %arg6: memref<16448xf32, #tpu.memory_space<hbm>>, %arg7: memref<524288xf32, #tpu.memory_space<hbm>>, %arg8: memref<4096xf32, #tpu.memory_space<vmem>>, %arg9: memref<4096xf32, #tpu.memory_space<vmem>>, %arg10: memref<4096xf32, #tpu.memory_space<vmem>>, %arg11: memref<65536xf32, #tpu.memory_space<vmem>>, %arg12: memref<1040xi32, #tpu.memory_space<vmem>>, %arg13: memref<1040xi32, #tpu.memory_space<vmem>>, %arg14: memref<16448xf32, #tpu.memory_space<vmem>>, %arg15: memref<16x16384xf32, #tpu.memory_space<vmem_shared>>) attributes {dimension_semantics = [#tpu.dimension_semantics<core_parallel>, #tpu.dimension_semantics<subcore_parallel>], iteration_bounds = array<i64: 2, 16>, scalar_prefetch = 0 : i64, scratch_operands = 8 : i64, tpu.core_type = #tpu.core_type<sc_vector_subcore>, window_params = [{transform_indices = #map}, {transform_indices = #map}, {transform_indices = #map}, {transform_indices = #map}, {transform_indices = #map}, {transform_indices = #map}]} {
    %jit3A = arith.constant 4 : i32
    %div3A = arith.divsi %arg1, %jit3A : i32
    %sign3A = arith.constant 0 : i32
    %sign3A_0 = arith.cmpi sgt, %arg1, %sign3A : i32
    %sign3A_1 = arith.extui %sign3A_0 : i1 to i32
    %sign3A_2 = arith.constant 0 : i32
    %sign3A_3 = arith.cmpi slt, %arg1, %sign3A_2 : i32
    %sign3A_4 = arith.extui %sign3A_3 : i1 to i32
    %sign3A_5 = arith.subi %sign3A_1, %sign3A_4 : i32
    %sign3A_6 = arith.constant 0 : i32
    %sign3A_7 = arith.cmpi sgt, %jit3A, %sign3A_6 : i32
    %sign3A_8 = arith.extui %sign3A_7 : i1 to i32
    %sign3A_9 = arith.constant 0 : i32
    %sign3A_10 = arith.cmpi slt, %jit3A, %sign3A_9 : i32
    %sign3A_11 = arith.extui %sign3A_10 : i1 to i32
    %sign3A_12 = arith.subi %sign3A_8, %sign3A_11 : i32
    %ne3A = arith.cmpi ne, %sign3A_5, %sign3A_12 : i32
    %rem3A = arith.remsi %arg1, %jit3A : i32
    %ne3A_13 = arith.constant 0 : i32
    %ne3A_14 = arith.cmpi ne, %rem3A, %ne3A_13 : i32
    %and3A = arith.andi %ne3A, %ne3A_14 : i1
    %sub3A = arith.constant 1 : i32
    %sub3A_15 = arith.subi %div3A, %sub3A : i32
    %select_n3A = arith.select %and3A, %sub3A_15, %div3A : i32
    %jit3A_16 = arith.constant 4 : i32
    %eq3A = arith.constant 0 : i32
    %eq3A_17 = arith.cmpi eq, %jit3A_16, %eq3A : i32
    %jit3A_18 = arith.constant 1 : i32
    %select_n3A_19 = arith.select %eq3A_17, %jit3A_18, %jit3A_16 : i32
    %rem3A_20 = arith.remsi %arg1, %select_n3A_19 : i32
    %ne3A_21 = arith.constant 0 : i32
    %ne3A_22 = arith.cmpi ne, %rem3A_20, %ne3A_21 : i32
    %lt3A = arith.constant 0 : i32
    %lt3A_23 = arith.cmpi slt, %rem3A_20, %lt3A : i32
    %lt3A_24 = arith.constant 0 : i32
    %lt3A_25 = arith.cmpi slt, %select_n3A_19, %lt3A_24 : i32
    %ne3A_26 = arith.xori %lt3A_23, %lt3A_25 : i1
    %and3A_27 = arith.andi %ne3A_26, %ne3A_22 : i1
    %add3A = arith.addi %rem3A_20, %select_n3A_19 : i32
    %select_n3A_28 = arith.select %and3A_27, %add3A, %rem3A_20 : i32
    "tpu.region"() ({
      %run_scoped3A = tpu.sem_alloc : memref<!tpu.dma_semaphore, #tpu.memory_space<semaphore_mem>>
      tpu.enqueue_dma source(%arg3 : memref<4096xf32, #tpu.memory_space<hbm>>) target(%arg8 : memref<4096xf32, #tpu.memory_space<vmem>>) target_semaphore(%run_scoped3A : memref<!tpu.dma_semaphore, #tpu.memory_space<semaphore_mem>>)
      tpu.wait_dma2 semaphore(%run_scoped3A : memref<!tpu.dma_semaphore, #tpu.memory_space<semaphore_mem>>) src(%arg3 : memref<4096xf32, #tpu.memory_space<hbm>>) dst(%arg8 : memref<4096xf32, #tpu.memory_space<vmem>>)
      tpu.yield
    }) : () -> ()
    "tpu.region"() ({
      %run_scoped3A = tpu.sem_alloc : memref<!tpu.dma_semaphore, #tpu.memory_space<semaphore_mem>>
      tpu.enqueue_dma source(%arg4 : memref<4096xf32, #tpu.memory_space<hbm>>) target(%arg9 : memref<4096xf32, #tpu.memory_space<vmem>>) target_semaphore(%run_scoped3A : memref<!tpu.dma_semaphore, #tpu.memory_space<semaphore_mem>>)
      tpu.wait_dma2 semaphore(%run_scoped3A : memref<!tpu.dma_semaphore, #tpu.memory_space<semaphore_mem>>) src(%arg4 : memref<4096xf32, #tpu.memory_space<hbm>>) dst(%arg9 : memref<4096xf32, #tpu.memory_space<vmem>>)
      tpu.yield
    }) : () -> ()
    "tpu.region"() ({
      %run_scoped3A = tpu.sem_alloc : memref<!tpu.dma_semaphore, #tpu.memory_space<semaphore_mem>>
      tpu.enqueue_dma source(%arg5 : memref<4096xf32, #tpu.memory_space<hbm>>) target(%arg10 : memref<4096xf32, #tpu.memory_space<vmem>>) target_semaphore(%run_scoped3A : memref<!tpu.dma_semaphore, #tpu.memory_space<semaphore_mem>>)
      tpu.wait_dma2 semaphore(%run_scoped3A : memref<!tpu.dma_semaphore, #tpu.memory_space<semaphore_mem>>) src(%arg5 : memref<4096xf32, #tpu.memory_space<hbm>>) dst(%arg10 : memref<4096xf32, #tpu.memory_space<vmem>>)
      tpu.yield
    }) : () -> ()
    %mul3A = arith.constant 1024 : i32
    %mul3A_29 = arith.muli %select_n3A_28, %mul3A : i32
    %mul3A_30 = arith.constant 64 : i32
    %mul3A_31 = arith.muli %mul3A_29, %mul3A_30 : i32
    "tpu.region"() ({
      %run_scoped3A = tpu.sem_alloc : memref<!tpu.dma_semaphore, #tpu.memory_space<semaphore_mem>>
      %dma_start3A = tpu.memref_slice %arg2[%mul3A_31] : memref<262144xf32, #tpu.memory_space<hbm>> -> memref<65536xf32, #tpu.memory_space<hbm>>
      %dma_start3A_61 = tpu.memref_slice %arg2[%mul3A_31] : memref<262144xf32, #tpu.memory_space<hbm>> -> memref<65536xf32, #tpu.memory_space<hbm>>
      tpu.enqueue_dma source(%dma_start3A_61 : memref<65536xf32, #tpu.memory_space<hbm>>) target(%arg11 : memref<65536xf32, #tpu.memory_space<vmem>>) target_semaphore(%run_scoped3A : memref<!tpu.dma_semaphore, #tpu.memory_space<semaphore_mem>>)
      %dma_wait3A = tpu.memref_slice %arg2[%mul3A_31] : memref<262144xf32, #tpu.memory_space<hbm>> -> memref<65536xf32, #tpu.memory_space<hbm>>
      %dma_wait3A_62 = tpu.memref_slice %arg2[%mul3A_31] : memref<262144xf32, #tpu.memory_space<hbm>> -> memref<65536xf32, #tpu.memory_space<hbm>>
      tpu.wait_dma2 semaphore(%run_scoped3A : memref<!tpu.dma_semaphore, #tpu.memory_space<semaphore_mem>>) src(%dma_wait3A_62 : memref<65536xf32, #tpu.memory_space<hbm>>) dst(%arg11 : memref<65536xf32, #tpu.memory_space<vmem>>)
      tpu.yield
    }) : () -> ()
    %iota3A = tpu.iota {dimensions = array<i32: 0>} : vector<16xi32>
    %mul3A_32 = arith.constant 64 : i32
    %mul3A_33 = vector.broadcast %mul3A_32 : i32 to vector<16xi32>
    %mul3A_34 = arith.muli %iota3A, %mul3A_33 : vector<16xi32>
    %add3A_35 = arith.constant 0 : i32
    %add3A_36 = vector.broadcast %add3A_35 : i32 to vector<16xi32>
    %add3A_37 = arith.addi %iota3A, %add3A_36 : vector<16xi32>
    %add3A_38 = arith.constant 16 : i32
    %add3A_39 = vector.broadcast %add3A_38 : i32 to vector<16xi32>
    %add3A_40 = arith.addi %iota3A, %add3A_39 : vector<16xi32>
    %add3A_41 = arith.constant 32 : i32
    %add3A_42 = vector.broadcast %add3A_41 : i32 to vector<16xi32>
    %add3A_43 = arith.addi %iota3A, %add3A_42 : vector<16xi32>
    %add3A_44 = arith.constant 48 : i32
    %add3A_45 = vector.broadcast %add3A_44 : i32 to vector<16xi32>
    %add3A_46 = arith.addi %iota3A, %add3A_45 : vector<16xi32>
    %broadcast_in_dim3A = arith.constant 0 : i32
    %broadcast_in_dim3A_47 = vector.broadcast %broadcast_in_dim3A : i32 to vector<16xi32>
    %mul3A_48 = arith.constant 1024 : i32
    %mul3A_49 = arith.muli %select_n3A_28, %mul3A_48 : i32
    %mul3A_50 = arith.constant 256 : i32
    %mul3A_51 = arith.muli %arg0, %mul3A_50 : i32
    %mul3A_52 = arith.constant 64 : i32
    %mul3A_53 = arith.muli %select_n3A, %mul3A_52 : i32
    %add3A_54 = arith.addi %mul3A_51, %mul3A_53 : i32
    %scan3A = arith.constant 0 : i32
    %scan3A_55 = arith.constant 0 : i32
    %scan3A_56 = arith.constant 4 : i32
    %scan3A_57 = arith.addi %scan3A_55, %scan3A_56 : i32
    %scan3A_58 = arith.constant 1 : i32
    %scan3A_59 = scf.for %scan3A_61 = %scan3A_55 to %scan3A_57 step %scan3A_58 iter_args(%scan3A_62 = %scan3A) -> (i32)  : i32 {
      "tpu.region"() ({
        %run_scoped3A = tpu.sem_alloc : memref<!tpu.dma_semaphore, #tpu.memory_space<semaphore_mem>>
        tpu.enqueue_dma source(%arg6 : memref<16448xf32, #tpu.memory_space<hbm>>) target(%arg14 : memref<16448xf32, #tpu.memory_space<vmem>>) target_semaphore(%run_scoped3A : memref<!tpu.dma_semaphore, #tpu.memory_space<semaphore_mem>>)
        tpu.wait_dma2 semaphore(%run_scoped3A : memref<!tpu.dma_semaphore, #tpu.memory_space<semaphore_mem>>) src(%arg6 : memref<16448xf32, #tpu.memory_space<hbm>>) dst(%arg14 : memref<16448xf32, #tpu.memory_space<vmem>>)
        tpu.yield
      }) : () -> ()
      %mul3A_63 = arith.constant 16 : i32
      %mul3A_64 = arith.muli %scan3A_61, %mul3A_63 : i32
      %add3A_65 = arith.addi %add3A_54, %mul3A_64 : i32
      %scan3A_66 = arith.constant 0 : i32
      %scan3A_67 = arith.constant 0 : i32
      %scan3A_68 = arith.constant 16 : i32
      %scan3A_69 = arith.addi %scan3A_67, %scan3A_68 : i32
      %scan3A_70 = arith.constant 1 : i32
      %scan3A_71 = scf.for %scan3A_111 = %scan3A_67 to %scan3A_69 step %scan3A_70 iter_args(%scan3A_112 = %scan3A_66) -> (i32)  : i32 {
        %add3A_113 = arith.addi %add3A_65, %scan3A_111 : i32
        %broadcast_in_dim3A_114 = vector.broadcast %add3A_113 : i32 to vector<16xi32>
        %gather3A = tpu.vector_load_idx %arg8[%broadcast_in_dim3A_114] : memref<4096xf32, #tpu.memory_space<vmem>>[vector<16xi32>], vector<16xf32>,
        %gather3A_115 = tpu.vector_load_idx %arg9[%broadcast_in_dim3A_114] : memref<4096xf32, #tpu.memory_space<vmem>>[vector<16xi32>], vector<16xf32>,
        %gather3A_116 = tpu.vector_load_idx %arg10[%broadcast_in_dim3A_114] : memref<4096xf32, #tpu.memory_space<vmem>>[vector<16xi32>], vector<16xf32>,
        %mul3A_117 = arith.constant 1024 : i32
        %mul3A_118 = arith.muli %scan3A_111, %mul3A_117 : i32
        %sub3A_119 = arith.constant 1 : i32
        %sub3A_120 = vector.broadcast %sub3A_119 : i32 to vector<16xi32>
        %sub3A_121 = arith.subi %broadcast_in_dim3A_47, %sub3A_120 : vector<16xi32>
        %scan3A_122 = arith.constant 0 : i32
        %scan3A_123 = arith.constant 8 : i32
        %scan3A_124 = arith.addi %scan3A_122, %scan3A_123 : i32
        %scan3A_125 = arith.constant 1 : i32
        %scan3A_126 = scf.for %scan3A_182 = %scan3A_122 to %scan3A_124 step %scan3A_125 iter_args(%scan3A_183 = %sub3A_121) -> (vector<16xi32>)  : i32 {
          %mul3A_184 = arith.constant 8 : i32
          %mul3A_185 = arith.muli %scan3A_182, %mul3A_184 : i32
          %add3A_186 = arith.constant 0 : i32
          %add3A_187 = arith.addi %mul3A_185, %add3A_186 : i32
          %mul3A_188 = arith.constant 16 : i32
          %mul3A_189 = arith.muli %add3A_187, %mul3A_188 : i32
          %add3A_190 = arith.addi %mul3A_49, %mul3A_189 : i32
          %get3A = arith.index_cast %add3A_190 : i32 to index
          %get3A_191 = tpu.vector_load %arg8[%get3A] {strides = array<i32>} : memref<4096xf32, #tpu.memory_space<vmem>>, vector<16xf32>,
          %sub3A_192 = arith.subf %get3A_191, %gather3A : vector<16xf32>
          %get3A_193 = arith.index_cast %add3A_190 : i32 to index
          %get3A_194 = tpu.vector_load %arg9[%get3A_193] {strides = array<i32>} : memref<4096xf32, #tpu.memory_space<vmem>>, vector<16xf32>,
          %sub3A_195 = arith.subf %get3A_194, %gather3A_115 : vector<16xf32>
          %get3A_196 = arith.index_cast %add3A_190 : i32 to index
          %get3A_197 = tpu.vector_load %arg10[%get3A_196] {strides = array<i32>} : memref<4096xf32, #tpu.memory_space<vmem>>, vector<16xf32>,
          %sub3A_198 = arith.subf %get3A_197, %gather3A_116 : vector<16xf32>
          %mul3A_199 = arith.mulf %sub3A_192, %sub3A_192 : vector<16xf32>
          %mul3A_200 = arith.mulf %sub3A_195, %sub3A_195 : vector<16xf32>
          %add3A_201 = arith.addf %mul3A_199, %mul3A_200 : vector<16xf32>
          %mul3A_202 = arith.mulf %sub3A_198, %sub3A_198 : vector<16xf32>
          %add3A_203 = arith.addf %add3A_201, %mul3A_202 : vector<16xf32>
          %mul3A_204 = arith.constant 16 : i32
          %mul3A_205 = arith.muli %add3A_187, %mul3A_204 : i32
          %add3A_206 = arith.addi %mul3A_49, %mul3A_205 : i32
          %add3A_207 = vector.broadcast %add3A_206 : i32 to vector<16xi32>
          %add3A_208 = arith.addi %add3A_207, %iota3A : vector<16xi32>
          %le3A = arith.constant 1.000000e+00 : f32
          %le3A_209 = vector.broadcast %le3A : f32 to vector<16xf32>
          %le3A_210 = arith.cmpf ole, %add3A_203, %le3A_209 : vector<16xf32>
          %ne3A_211 = arith.cmpi ne, %add3A_208, %broadcast_in_dim3A_114 : vector<16xi32>
          %and3A_212 = arith.andi %le3A_210, %ne3A_211 : vector<16xi1>
          %ge3A = arith.constant 2.500000e-01 : f32
          %ge3A_213 = vector.broadcast %ge3A : f32 to vector<16xf32>
          %ge3A_214 = arith.cmpf oge, %add3A_203, %ge3A_213 : vector<16xf32>
          %add3A_215 = arith.constant 512 : i32
          %add3A_216 = arith.addi %mul3A_118, %add3A_215 : i32
          %broadcast_in_dim3A_217 = vector.broadcast %add3A_216 : i32 to vector<16xi32>
          %broadcast_in_dim3A_218 = vector.broadcast %mul3A_118 : i32 to vector<16xi32>
          %select_n3A_219 = arith.select %ge3A_214, %broadcast_in_dim3A_217, %broadcast_in_dim3A_218 : vector<16xi1>, vector<16xi32>
          %gt3A = arith.constant 0.000000e+00 : f32
          %gt3A_220 = vector.broadcast %gt3A : f32 to vector<16xf32>
          %gt3A_221 = arith.cmpf ogt, %sub3A_192, %gt3A_220 : vector<16xf32>
          %jit3A_222 = arith.constant 256 : i32
          %jit3A_223 = arith.constant 0 : i32
          %broadcast_in_dim3A_224 = vector.broadcast %jit3A_222 : i32 to vector<16xi32>
          %broadcast_in_dim3A_225 = vector.broadcast %jit3A_223 : i32 to vector<16xi32>
          %select_n3A_226 = arith.select %gt3A_221, %broadcast_in_dim3A_224, %broadcast_in_dim3A_225 : vector<16xi1>, vector<16xi32>
          %add3A_227 = arith.addi %select_n3A_219, %select_n3A_226 : vector<16xi32>
          %gt3A_228 = arith.constant 0.000000e+00 : f32
          %gt3A_229 = vector.broadcast %gt3A_228 : f32 to vector<16xf32>
          %gt3A_230 = arith.cmpf ogt, %sub3A_195, %gt3A_229 : vector<16xf32>
          %jit3A_231 = arith.constant 128 : i32
          %jit3A_232 = arith.constant 0 : i32
          %broadcast_in_dim3A_233 = vector.broadcast %jit3A_231 : i32 to vector<16xi32>
          %broadcast_in_dim3A_234 = vector.broadcast %jit3A_232 : i32 to vector<16xi32>
          %select_n3A_235 = arith.select %gt3A_230, %broadcast_in_dim3A_233, %broadcast_in_dim3A_234 : vector<16xi1>, vector<16xi32>
          %add3A_236 = arith.addi %add3A_227, %select_n3A_235 : vector<16xi32>
          %gt3A_237 = arith.constant 0.000000e+00 : f32
          %gt3A_238 = vector.broadcast %gt3A_237 : f32 to vector<16xf32>
          %gt3A_239 = arith.cmpf ogt, %sub3A_198, %gt3A_238 : vector<16xf32>
          %jit3A_240 = arith.constant 64 : i32
          %jit3A_241 = arith.constant 0 : i32
          %broadcast_in_dim3A_242 = vector.broadcast %jit3A_240 : i32 to vector<16xi32>
          %broadcast_in_dim3A_243 = vector.broadcast %jit3A_241 : i32 to vector<16xi32>
          %select_n3A_244 = arith.select %gt3A_239, %broadcast_in_dim3A_242, %broadcast_in_dim3A_243 : vector<16xi1>, vector<16xi32>
          %add3A_245 = arith.addi %add3A_236, %select_n3A_244 : vector<16xi32>
          %mul3A_246 = arith.constant 1024 : i32
          %mul3A_247 = arith.muli %add3A_187, %mul3A_246 : i32
          %add3A_248 = vector.broadcast %mul3A_247 : i32 to vector<16xi32>
          %add3A_249 = arith.addi %add3A_248, %mul3A_34 : vector<16xi32>
          %convert_element_type3A = arith.extui %and3A_212 : vector<16xi1> to vector<16xi32>
          %broadcast_in_dim3A_250 = arith.constant true
          %broadcast_in_dim3A_251 = vector.broadcast %broadcast_in_dim3A_250 : i1 to vector<16xi1>
          %masked_cumsum3A = tpu.scan <sum>, %convert_element_type3A masked %broadcast_in_dim3A_251 : vector<16xi32>, vector<16xi1> -> vector<16xi32>
          %add3A_252 = arith.addi %scan3A_183, %masked_cumsum3A : vector<16xi32>
          tpu.vector_store_idx %arg12[%add3A_252], %add3A_249 masked %and3A_212 : memref<1040xi32, #tpu.memory_space<vmem>>[vector<16xi32>], vector<16xi32>, vector<16xi1>
          tpu.vector_store_idx %arg13[%add3A_252], %add3A_245 masked %and3A_212 : memref<1040xi32, #tpu.memory_space<vmem>>[vector<16xi32>], vector<16xi32>, vector<16xi1>
          %all_reduce_population_count3A = tpu.all_reduce %and3A_212 {dim = 0 : i64, kind = #tpu.reduction_kind<sum>} : vector<16xi1> -> vector<16xi32>
          %add3A_253 = arith.addi %scan3A_183, %all_reduce_population_count3A : vector<16xi32>
          %mul3A_254 = arith.constant 8 : i32
          %mul3A_255 = arith.muli %scan3A_182, %mul3A_254 : i32
          %add3A_256 = arith.constant 1 : i32
          %add3A_257 = arith.addi %mul3A_255, %add3A_256 : i32
          %mul3A_258 = arith.constant 16 : i32
          %mul3A_259 = arith.muli %add3A_257, %mul3A_258 : i32
          %add3A_260 = arith.addi %mul3A_49, %mul3A_259 : i32
          %get3A_261 = arith.index_cast %add3A_260 : i32 to index
          %get3A_262 = tpu.vector_load %arg8[%get3A_261] {strides = array<i32>} : memref<4096xf32, #tpu.memory_space<vmem>>, vector<16xf32>,
          %sub3A_263 = arith.subf %get3A_262, %gather3A : vector<16xf32>
          %get3A_264 = arith.index_cast %add3A_260 : i32 to index
          %get3A_265 = tpu.vector_load %arg9[%get3A_264] {strides = array<i32>} : memref<4096xf32, #tpu.memory_space<vmem>>, vector<16xf32>,
          %sub3A_266 = arith.subf %get3A_265, %gather3A_115 : vector<16xf32>
          %get3A_267 = arith.index_cast %add3A_260 : i32 to index
          %get3A_268 = tpu.vector_load %arg10[%get3A_267] {strides = array<i32>} : memref<4096xf32, #tpu.memory_space<vmem>>, vector<16xf32>,
          %sub3A_269 = arith.subf %get3A_268, %gather3A_116 : vector<16xf32>
          %mul3A_270 = arith.mulf %sub3A_263, %sub3A_263 : vector<16xf32>
          %mul3A_271 = arith.mulf %sub3A_266, %sub3A_266 : vector<16xf32>
          %add3A_272 = arith.addf %mul3A_270, %mul3A_271 : vector<16xf32>
          %mul3A_273 = arith.mulf %sub3A_269, %sub3A_269 : vector<16xf32>
          %add3A_274 = arith.addf %add3A_272, %mul3A_273 : vector<16xf32>
          %mul3A_275 = arith.constant 16 : i32
          %mul3A_276 = arith.muli %add3A_257, %mul3A_275 : i32
          %add3A_277 = arith.addi %mul3A_49, %mul3A_276 : i32
          %add3A_278 = vector.broadcast %add3A_277 : i32 to vector<16xi32>
          %add3A_279 = arith.addi %add3A_278, %iota3A : vector<16xi32>
          %le3A_280 = arith.constant 1.000000e+00 : f32
          %le3A_281 = vector.broadcast %le3A_280 : f32 to vector<16xf32>
          %le3A_282 = arith.cmpf ole, %add3A_274, %le3A_281 : vector<16xf32>
          %ne3A_283 = arith.cmpi ne, %add3A_279, %broadcast_in_dim3A_114 : vector<16xi32>
          %and3A_284 = arith.andi %le3A_282, %ne3A_283 : vector<16xi1>
          %ge3A_285 = arith.constant 2.500000e-01 : f32
          %ge3A_286 = vector.broadcast %ge3A_285 : f32 to vector<16xf32>
          %ge3A_287 = arith.cmpf oge, %add3A_274, %ge3A_286 : vector<16xf32>
          %add3A_288 = arith.constant 512 : i32
          %add3A_289 = arith.addi %mul3A_118, %add3A_288 : i32
          %broadcast_in_dim3A_290 = vector.broadcast %add3A_289 : i32 to vector<16xi32>
          %broadcast_in_dim3A_291 = vector.broadcast %mul3A_118 : i32 to vector<16xi32>
          %select_n3A_292 = arith.select %ge3A_287, %broadcast_in_dim3A_290, %broadcast_in_dim3A_291 : vector<16xi1>, vector<16xi32>
          %gt3A_293 = arith.constant 0.000000e+00 : f32
          %gt3A_294 = vector.broadcast %gt3A_293 : f32 to vector<16xf32>
          %gt3A_295 = arith.cmpf ogt, %sub3A_263, %gt3A_294 : vector<16xf32>
          %jit3A_296 = arith.constant 256 : i32
          %jit3A_297 = arith.constant 0 : i32
          %broadcast_in_dim3A_298 = vector.broadcast %jit3A_296 : i32 to vector<16xi32>
          %broadcast_in_dim3A_299 = vector.broadcast %jit3A_297 : i32 to vector<16xi32>
          %select_n3A_300 = arith.select %gt3A_295, %broadcast_in_dim3A_298, %broadcast_in_dim3A_299 : vector<16xi1>, vector<16xi32>
          %add3A_301 = arith.addi %select_n3A_292, %select_n3A_300 : vector<16xi32>
          %gt3A_302 = arith.constant 0.000000e+00 : f32
          %gt3A_303 = vector.broadcast %gt3A_302 : f32 to vector<16xf32>
          %gt3A_304 = arith.cmpf ogt, %sub3A_266, %gt3A_303 : vector<16xf32>
          %jit3A_305 = arith.constant 128 : i32
          %jit3A_306 = arith.constant 0 : i32
          %broadcast_in_dim3A_307 = vector.broadcast %jit3A_305 : i32 to vector<16xi32>
          %broadcast_in_dim3A_308 = vector.broadcast %jit3A_306 : i32 to vector<16xi32>
          %select_n3A_309 = arith.select %gt3A_304, %broadcast_in_dim3A_307, %broadcast_in_dim3A_308 : vector<16xi1>, vector<16xi32>
          %add3A_310 = arith.addi %add3A_301, %select_n3A_309 : vector<16xi32>
          %gt3A_311 = arith.constant 0.000000e+00 : f32
          %gt3A_312 = vector.broadcast %gt3A_311 : f32 to vector<16xf32>
          %gt3A_313 = arith.cmpf ogt, %sub3A_269, %gt3A_312 : vector<16xf32>
          %jit3A_314 = arith.constant 64 : i32
          %jit3A_315 = arith.constant 0 : i32
          %broadcast_in_dim3A_316 = vector.broadcast %jit3A_314 : i32 to vector<16xi32>
          %broadcast_in_dim3A_317 = vector.broadcast %jit3A_315 : i32 to vector<16xi32>
          %select_n3A_318 = arith.select %gt3A_313, %broadcast_in_dim3A_316, %broadcast_in_dim3A_317 : vector<16xi1>, vector<16xi32>
          %add3A_319 = arith.addi %add3A_310, %select_n3A_318 : vector<16xi32>
          %mul3A_320 = arith.constant 1024 : i32
          %mul3A_321 = arith.muli %add3A_257, %mul3A_320 : i32
          %add3A_322 = vector.broadcast %mul3A_321 : i32 to vector<16xi32>
          %add3A_323 = arith.addi %add3A_322, %mul3A_34 : vector<16xi32>
          %convert_element_type3A_324 = arith.extui %and3A_284 : vector<16xi1> to vector<16xi32>
          %broadcast_in_dim3A_325 = arith.constant true
          %broadcast_in_dim3A_326 = vector.broadcast %broadcast_in_dim3A_325 : i1 to vector<16xi1>
          %masked_cumsum3A_327 = tpu.scan <sum>, %convert_element_type3A_324 masked %broadcast_in_dim3A_326 : vector<16xi32>, vector<16xi1> -> vector<16xi32>
          %add3A_328 = arith.addi %add3A_253, %masked_cumsum3A_327 : vector<16xi32>
          tpu.vector_store_idx %arg12[%add3A_328], %add3A_323 masked %and3A_284 : memref<1040xi32, #tpu.memory_space<vmem>>[vector<16xi32>], vector<16xi32>, vector<16xi1>
          tpu.vector_store_idx %arg13[%add3A_328], %add3A_319 masked %and3A_284 : memref<1040xi32, #tpu.memory_space<vmem>>[vector<16xi32>], vector<16xi32>, vector<16xi1>
          %all_reduce_population_count3A_329 = tpu.all_reduce %and3A_284 {dim = 0 : i64, kind = #tpu.reduction_kind<sum>} : vector<16xi1> -> vector<16xi32>
          %add3A_330 = arith.addi %add3A_253, %all_reduce_population_count3A_329 : vector<16xi32>
          %mul3A_331 = arith.constant 8 : i32
          %mul3A_332 = arith.muli %scan3A_182, %mul3A_331 : i32
          %add3A_333 = arith.constant 2 : i32
          %add3A_334 = arith.addi %mul3A_332, %add3A_333 : i32
          %mul3A_335 = arith.constant 16 : i32
          %mul3A_336 = arith.muli %add3A_334, %mul3A_335 : i32
          %add3A_337 = arith.addi %mul3A_49, %mul3A_336 : i32
          %get3A_338 = arith.index_cast %add3A_337 : i32 to index
          %get3A_339 = tpu.vector_load %arg8[%get3A_338] {strides = array<i32>} : memref<4096xf32, #tpu.memory_space<vmem>>, vector<16xf32>,
          %sub3A_340 = arith.subf %get3A_339, %gather3A : vector<16xf32>
          %get3A_341 = arith.index_cast %add3A_337 : i32 to index
          %get3A_342 = tpu.vector_load %arg9[%get3A_341] {strides = array<i32>} : memref<4096xf32, #tpu.memory_space<vmem>>, vector<16xf32>,
          %sub3A_343 = arith.subf %get3A_342, %gather3A_115 : vector<16xf32>
          %get3A_344 = arith.index_cast %add3A_337 : i32 to index
          %get3A_345 = tpu.vector_load %arg10[%get3A_344] {strides = array<i32>} : memref<4096xf32, #tpu.memory_space<vmem>>, vector<16xf32>,
          %sub3A_346 = arith.subf %get3A_345, %gather3A_116 : vector<16xf32>
          %mul3A_347 = arith.mulf %sub3A_340, %sub3A_340 : vector<16xf32>
          %mul3A_348 = arith.mulf %sub3A_343, %sub3A_343 : vector<16xf32>
          %add3A_349 = arith.addf %mul3A_347, %mul3A_348 : vector<16xf32>
          %mul3A_350 = arith.mulf %sub3A_346, %sub3A_346 : vector<16xf32>
          %add3A_351 = arith.addf %add3A_349, %mul3A_350 : vector<16xf32>
          %mul3A_352 = arith.constant 16 : i32
          %mul3A_353 = arith.muli %add3A_334, %mul3A_352 : i32
          %add3A_354 = arith.addi %mul3A_49, %mul3A_353 : i32
          %add3A_355 = vector.broadcast %add3A_354 : i32 to vector<16xi32>
          %add3A_356 = arith.addi %add3A_355, %iota3A : vector<16xi32>
          %le3A_357 = arith.constant 1.000000e+00 : f32
          %le3A_358 = vector.broadcast %le3A_357 : f32 to vector<16xf32>
          %le3A_359 = arith.cmpf ole, %add3A_351, %le3A_358 : vector<16xf32>
          %ne3A_360 = arith.cmpi ne, %add3A_356, %broadcast_in_dim3A_114 : vector<16xi32>
          %and3A_361 = arith.andi %le3A_359, %ne3A_360 : vector<16xi1>
          %ge3A_362 = arith.constant 2.500000e-01 : f32
          %ge3A_363 = vector.broadcast %ge3A_362 : f32 to vector<16xf32>
          %ge3A_364 = arith.cmpf oge, %add3A_351, %ge3A_363 : vector<16xf32>
          %add3A_365 = arith.constant 512 : i32
          %add3A_366 = arith.addi %mul3A_118, %add3A_365 : i32
          %broadcast_in_dim3A_367 = vector.broadcast %add3A_366 : i32 to vector<16xi32>
          %broadcast_in_dim3A_368 = vector.broadcast %mul3A_118 : i32 to vector<16xi32>
          %select_n3A_369 = arith.select %ge3A_364, %broadcast_in_dim3A_367, %broadcast_in_dim3A_368 : vector<16xi1>, vector<16xi32>
          %gt3A_370 = arith.constant 0.000000e+00 : f32
          %gt3A_371 = vector.broadcast %gt3A_370 : f32 to vector<16xf32>
          %gt3A_372 = arith.cmpf ogt, %sub3A_340, %gt3A_371 : vector<16xf32>
          %jit3A_373 = arith.constant 256 : i32
          %jit3A_374 = arith.constant 0 : i32
          %broadcast_in_dim3A_375 = vector.broadcast %jit3A_373 : i32 to vector<16xi32>
          %broadcast_in_dim3A_376 = vector.broadcast %jit3A_374 : i32 to vector<16xi32>
          %select_n3A_377 = arith.select %gt3A_372, %broadcast_in_dim3A_375, %broadcast_in_dim3A_376 : vector<16xi1>, vector<16xi32>
          %add3A_378 = arith.addi %select_n3A_369, %select_n3A_377 : vector<16xi32>
          %gt3A_379 = arith.constant 0.000000e+00 : f32
          %gt3A_380 = vector.broadcast %gt3A_379 : f32 to vector<16xf32>
          %gt3A_381 = arith.cmpf ogt, %sub3A_343, %gt3A_380 : vector<16xf32>
          %jit3A_382 = arith.constant 128 : i32
          %jit3A_383 = arith.constant 0 : i32
          %broadcast_in_dim3A_384 = vector.broadcast %jit3A_382 : i32 to vector<16xi32>
          %broadcast_in_dim3A_385 = vector.broadcast %jit3A_383 : i32 to vector<16xi32>
          %select_n3A_386 = arith.select %gt3A_381, %broadcast_in_dim3A_384, %broadcast_in_dim3A_385 : vector<16xi1>, vector<16xi32>
          %add3A_387 = arith.addi %add3A_378, %select_n3A_386 : vector<16xi32>
          %gt3A_388 = arith.constant 0.000000e+00 : f32
          %gt3A_389 = vector.broadcast %gt3A_388 : f32 to vector<16xf32>
          %gt3A_390 = arith.cmpf ogt, %sub3A_346, %gt3A_389 : vector<16xf32>
          %jit3A_391 = arith.constant 64 : i32
          %jit3A_392 = arith.constant 0 : i32
          %broadcast_in_dim3A_393 = vector.broadcast %jit3A_391 : i32 to vector<16xi32>
          %broadcast_in_dim3A_394 = vector.broadcast %jit3A_392 : i32 to vector<16xi32>
          %select_n3A_395 = arith.select %gt3A_390, %broadcast_in_dim3A_393, %broadcast_in_dim3A_394 : vector<16xi1>, vector<16xi32>
          %add3A_396 = arith.addi %add3A_387, %select_n3A_395 : vector<16xi32>
          %mul3A_397 = arith.constant 1024 : i32
          %mul3A_398 = arith.muli %add3A_334, %mul3A_397 : i32
          %add3A_399 = vector.broadcast %mul3A_398 : i32 to vector<16xi32>
          %add3A_400 = arith.addi %add3A_399, %mul3A_34 : vector<16xi32>
          %convert_element_type3A_401 = arith.extui %and3A_361 : vector<16xi1> to vector<16xi32>
          %broadcast_in_dim3A_402 = arith.constant true
          %broadcast_in_dim3A_403 = vector.broadcast %broadcast_in_dim3A_402 : i1 to vector<16xi1>
          %masked_cumsum3A_404 = tpu.scan <sum>, %convert_element_type3A_401 masked %broadcast_in_dim3A_403 : vector<16xi32>, vector<16xi1> -> vector<16xi32>
          %add3A_405 = arith.addi %add3A_330, %masked_cumsum3A_404 : vector<16xi32>
          tpu.vector_store_idx %arg12[%add3A_405], %add3A_400 masked %and3A_361 : memref<1040xi32, #tpu.memory_space<vmem>>[vector<16xi32>], vector<16xi32>, vector<16xi1>
          tpu.vector_store_idx %arg13[%add3A_405], %add3A_396 masked %and3A_361 : memref<1040xi32, #tpu.memory_space<vmem>>[vector<16xi32>], vector<16xi32>, vector<16xi1>
          %all_reduce_population_count3A_406 = tpu.all_reduce %and3A_361 {dim = 0 : i64, kind = #tpu.reduction_kind<sum>} : vector<16xi1> -> vector<16xi32>
          %add3A_407 = arith.addi %add3A_330, %all_reduce_population_count3A_406 : vector<16xi32>
          %mul3A_408 = arith.constant 8 : i32
          %mul3A_409 = arith.muli %scan3A_182, %mul3A_408 : i32
          %add3A_410 = arith.constant 3 : i32
          %add3A_411 = arith.addi %mul3A_409, %add3A_410 : i32
          %mul3A_412 = arith.constant 16 : i32
          %mul3A_413 = arith.muli %add3A_411, %mul3A_412 : i32
          %add3A_414 = arith.addi %mul3A_49, %mul3A_413 : i32
          %get3A_415 = arith.index_cast %add3A_414 : i32 to index
          %get3A_416 = tpu.vector_load %arg8[%get3A_415] {strides = array<i32>} : memref<4096xf32, #tpu.memory_space<vmem>>, vector<16xf32>,
          %sub3A_417 = arith.subf %get3A_416, %gather3A : vector<16xf32>
          %get3A_418 = arith.index_cast %add3A_414 : i32 to index
          %get3A_419 = tpu.vector_load %arg9[%get3A_418] {strides = array<i32>} : memref<4096xf32, #tpu.memory_space<vmem>>, vector<16xf32>,
          %sub3A_420 = arith.subf %get3A_419, %gather3A_115 : vector<16xf32>
          %get3A_421 = arith.index_cast %add3A_414 : i32 to index
          %get3A_422 = tpu.vector_load %arg10[%get3A_421] {strides = array<i32>} : memref<4096xf32, #tpu.memory_space<vmem>>, vector<16xf32>,
          %sub3A_423 = arith.subf %get3A_422, %gather3A_116 : vector<16xf32>
          %mul3A_424 = arith.mulf %sub3A_417, %sub3A_417 : vector<16xf32>
          %mul3A_425 = arith.mulf %sub3A_420, %sub3A_420 : vector<16xf32>
          %add3A_426 = arith.addf %mul3A_424, %mul3A_425 : vector<16xf32>
          %mul3A_427 = arith.mulf %sub3A_423, %sub3A_423 : vector<16xf32>
          %add3A_428 = arith.addf %add3A_426, %mul3A_427 : vector<16xf32>
          %mul3A_429 = arith.constant 16 : i32
          %mul3A_430 = arith.muli %add3A_411, %mul3A_429 : i32
          %add3A_431 = arith.addi %mul3A_49, %mul3A_430 : i32
          %add3A_432 = vector.broadcast %add3A_431 : i32 to vector<16xi32>
          %add3A_433 = arith.addi %add3A_432, %iota3A : vector<16xi32>
          %le3A_434 = arith.constant 1.000000e+00 : f32
          %le3A_435 = vector.broadcast %le3A_434 : f32 to vector<16xf32>
          %le3A_436 = arith.cmpf ole, %add3A_428, %le3A_435 : vector<16xf32>
          %ne3A_437 = arith.cmpi ne, %add3A_433, %broadcast_in_dim3A_114 : vector<16xi32>
          %and3A_438 = arith.andi %le3A_436, %ne3A_437 : vector<16xi1>
          %ge3A_439 = arith.constant 2.500000e-01 : f32
          %ge3A_440 = vector.broadcast %ge3A_439 : f32 to vector<16xf32>
          %ge3A_441 = arith.cmpf oge, %add3A_428, %ge3A_440 : vector<16xf32>
          %add3A_442 = arith.constant 512 : i32
          %add3A_443 = arith.addi %mul3A_118, %add3A_442 : i32
          %broadcast_in_dim3A_444 = vector.broadcast %add3A_443 : i32 to vector<16xi32>
          %broadcast_in_dim3A_445 = vector.broadcast %mul3A_118 : i32 to vector<16xi32>
          %select_n3A_446 = arith.select %ge3A_441, %broadcast_in_dim3A_444, %broadcast_in_dim3A_445 : vector<16xi1>, vector<16xi32>
          %gt3A_447 = arith.constant 0.000000e+00 : f32
          %gt3A_448 = vector.broadcast %gt3A_447 : f32 to vector<16xf32>
          %gt3A_449 = arith.cmpf ogt, %sub3A_417, %gt3A_448 : vector<16xf32>
          %jit3A_450 = arith.constant 256 : i32
          %jit3A_451 = arith.constant 0 : i32
          %broadcast_in_dim3A_452 = vector.broadcast %jit3A_450 : i32 to vector<16xi32>
          %broadcast_in_dim3A_453 = vector.broadcast %jit3A_451 : i32 to vector<16xi32>
          %select_n3A_454 = arith.select %gt3A_449, %broadcast_in_dim3A_452, %broadcast_in_dim3A_453 : vector<16xi1>, vector<16xi32>
          %add3A_455 = arith.addi %select_n3A_446, %select_n3A_454 : vector<16xi32>
          %gt3A_456 = arith.constant 0.000000e+00 : f32
          %gt3A_457 = vector.broadcast %gt3A_456 : f32 to vector<16xf32>
          %gt3A_458 = arith.cmpf ogt, %sub3A_420, %gt3A_457 : vector<16xf32>
          %jit3A_459 = arith.constant 128 : i32
          %jit3A_460 = arith.constant 0 : i32
          %broadcast_in_dim3A_461 = vector.broadcast %jit3A_459 : i32 to vector<16xi32>
          %broadcast_in_dim3A_462 = vector.broadcast %jit3A_460 : i32 to vector<16xi32>
          %select_n3A_463 = arith.select %gt3A_458, %broadcast_in_dim3A_461, %broadcast_in_dim3A_462 : vector<16xi1>, vector<16xi32>
          %add3A_464 = arith.addi %add3A_455, %select_n3A_463 : vector<16xi32>
          %gt3A_465 = arith.constant 0.000000e+00 : f32
          %gt3A_466 = vector.broadcast %gt3A_465 : f32 to vector<16xf32>
          %gt3A_467 = arith.cmpf ogt, %sub3A_423, %gt3A_466 : vector<16xf32>
          %jit3A_468 = arith.constant 64 : i32
          %jit3A_469 = arith.constant 0 : i32
          %broadcast_in_dim3A_470 = vector.broadcast %jit3A_468 : i32 to vector<16xi32>
          %broadcast_in_dim3A_471 = vector.broadcast %jit3A_469 : i32 to vector<16xi32>
          %select_n3A_472 = arith.select %gt3A_467, %broadcast_in_dim3A_470, %broadcast_in_dim3A_471 : vector<16xi1>, vector<16xi32>
          %add3A_473 = arith.addi %add3A_464, %select_n3A_472 : vector<16xi32>
          %mul3A_474 = arith.constant 1024 : i32
          %mul3A_475 = arith.muli %add3A_411, %mul3A_474 : i32
          %add3A_476 = vector.broadcast %mul3A_475 : i32 to vector<16xi32>
          %add3A_477 = arith.addi %add3A_476, %mul3A_34 : vector<16xi32>
          %convert_element_type3A_478 = arith.extui %and3A_438 : vector<16xi1> to vector<16xi32>
          %broadcast_in_dim3A_479 = arith.constant true
          %broadcast_in_dim3A_480 = vector.broadcast %broadcast_in_dim3A_479 : i1 to vector<16xi1>
          %masked_cumsum3A_481 = tpu.scan <sum>, %convert_element_type3A_478 masked %broadcast_in_dim3A_480 : vector<16xi32>, vector<16xi1> -> vector<16xi32>
          %add3A_482 = arith.addi %add3A_407, %masked_cumsum3A_481 : vector<16xi32>
          tpu.vector_store_idx %arg12[%add3A_482], %add3A_477 masked %and3A_438 : memref<1040xi32, #tpu.memory_space<vmem>>[vector<16xi32>], vector<16xi32>, vector<16xi1>
          tpu.vector_store_idx %arg13[%add3A_482], %add3A_473 masked %and3A_438 : memref<1040xi32, #tpu.memory_space<vmem>>[vector<16xi32>], vector<16xi32>, vector<16xi1>
          %all_reduce_population_count3A_483 = tpu.all_reduce %and3A_438 {dim = 0 : i64, kind = #tpu.reduction_kind<sum>} : vector<16xi1> -> vector<16xi32>
          %add3A_484 = arith.addi %add3A_407, %all_reduce_population_count3A_483 : vector<16xi32>
          %mul3A_485 = arith.constant 8 : i32
          %mul3A_486 = arith.muli %scan3A_182, %mul3A_485 : i32
          %add3A_487 = arith.constant 4 : i32
          %add3A_488 = arith.addi %mul3A_486, %add3A_487 : i32
          %mul3A_489 = arith.constant 16 : i32
          %mul3A_490 = arith.muli %add3A_488, %mul3A_489 : i32
          %add3A_491 = arith.addi %mul3A_49, %mul3A_490 : i32
          %get3A_492 = arith.index_cast %add3A_491 : i32 to index
          %get3A_493 = tpu.vector_load %arg8[%get3A_492] {strides = array<i32>} : memref<4096xf32, #tpu.memory_space<vmem>>, vector<16xf32>,
          %sub3A_494 = arith.subf %get3A_493, %gather3A : vector<16xf32>
          %get3A_495 = arith.index_cast %add3A_491 : i32 to index
          %get3A_496 = tpu.vector_load %arg9[%get3A_495] {strides = array<i32>} : memref<4096xf32, #tpu.memory_space<vmem>>, vector<16xf32>,
          %sub3A_497 = arith.subf %get3A_496, %gather3A_115 : vector<16xf32>
          %get3A_498 = arith.index_cast %add3A_491 : i32 to index
          %get3A_499 = tpu.vector_load %arg10[%get3A_498] {strides = array<i32>} : memref<4096xf32, #tpu.memory_space<vmem>>, vector<16xf32>,
          %sub3A_500 = arith.subf %get3A_499, %gather3A_116 : vector<16xf32>
          %mul3A_501 = arith.mulf %sub3A_494, %sub3A_494 : vector<16xf32>
          %mul3A_502 = arith.mulf %sub3A_497, %sub3A_497 : vector<16xf32>
          %add3A_503 = arith.addf %mul3A_501, %mul3A_502 : vector<16xf32>
          %mul3A_504 = arith.mulf %sub3A_500, %sub3A_500 : vector<16xf32>
          %add3A_505 = arith.addf %add3A_503, %mul3A_504 : vector<16xf32>
          %mul3A_506 = arith.constant 16 : i32
          %mul3A_507 = arith.muli %add3A_488, %mul3A_506 : i32
          %add3A_508 = arith.addi %mul3A_49, %mul3A_507 : i32
          %add3A_509 = vector.broadcast %add3A_508 : i32 to vector<16xi32>
          %add3A_510 = arith.addi %add3A_509, %iota3A : vector<16xi32>
          %le3A_511 = arith.constant 1.000000e+00 : f32
          %le3A_512 = vector.broadcast %le3A_511 : f32 to vector<16xf32>
          %le3A_513 = arith.cmpf ole, %add3A_505, %le3A_512 : vector<16xf32>
          %ne3A_514 = arith.cmpi ne, %add3A_510, %broadcast_in_dim3A_114 : vector<16xi32>
          %and3A_515 = arith.andi %le3A_513, %ne3A_514 : vector<16xi1>
          %ge3A_516 = arith.constant 2.500000e-01 : f32
          %ge3A_517 = vector.broadcast %ge3A_516 : f32 to vector<16xf32>
          %ge3A_518 = arith.cmpf oge, %add3A_505, %ge3A_517 : vector<16xf32>
          %add3A_519 = arith.constant 512 : i32
          %add3A_520 = arith.addi %mul3A_118, %add3A_519 : i32
          %broadcast_in_dim3A_521 = vector.broadcast %add3A_520 : i32 to vector<16xi32>
          %broadcast_in_dim3A_522 = vector.broadcast %mul3A_118 : i32 to vector<16xi32>
          %select_n3A_523 = arith.select %ge3A_518, %broadcast_in_dim3A_521, %broadcast_in_dim3A_522 : vector<16xi1>, vector<16xi32>
          %gt3A_524 = arith.constant 0.000000e+00 : f32
          %gt3A_525 = vector.broadcast %gt3A_524 : f32 to vector<16xf32>
          %gt3A_526 = arith.cmpf ogt, %sub3A_494, %gt3A_525 : vector<16xf32>
          %jit3A_527 = arith.constant 256 : i32
          %jit3A_528 = arith.constant 0 : i32
          %broadcast_in_dim3A_529 = vector.broadcast %jit3A_527 : i32 to vector<16xi32>
          %broadcast_in_dim3A_530 = vector.broadcast %jit3A_528 : i32 to vector<16xi32>
          %select_n3A_531 = arith.select %gt3A_526, %broadcast_in_dim3A_529, %broadcast_in_dim3A_530 : vector<16xi1>, vector<16xi32>
          %add3A_532 = arith.addi %select_n3A_523, %select_n3A_531 : vector<16xi32>
          %gt3A_533 = arith.constant 0.000000e+00 : f32
          %gt3A_534 = vector.broadcast %gt3A_533 : f32 to vector<16xf32>
          %gt3A_535 = arith.cmpf ogt, %sub3A_497, %gt3A_534 : vector<16xf32>
          %jit3A_536 = arith.constant 128 : i32
          %jit3A_537 = arith.constant 0 : i32
          %broadcast_in_dim3A_538 = vector.broadcast %jit3A_536 : i32 to vector<16xi32>
          %broadcast_in_dim3A_539 = vector.broadcast %jit3A_537 : i32 to vector<16xi32>
          %select_n3A_540 = arith.select %gt3A_535, %broadcast_in_dim3A_538, %broadcast_in_dim3A_539 : vector<16xi1>, vector<16xi32>
          %add3A_541 = arith.addi %add3A_532, %select_n3A_540 : vector<16xi32>
          %gt3A_542 = arith.constant 0.000000e+00 : f32
          %gt3A_543 = vector.broadcast %gt3A_542 : f32 to vector<16xf32>
          %gt3A_544 = arith.cmpf ogt, %sub3A_500, %gt3A_543 : vector<16xf32>
          %jit3A_545 = arith.constant 64 : i32
          %jit3A_546 = arith.constant 0 : i32
          %broadcast_in_dim3A_547 = vector.broadcast %jit3A_545 : i32 to vector<16xi32>
          %broadcast_in_dim3A_548 = vector.broadcast %jit3A_546 : i32 to vector<16xi32>
          %select_n3A_549 = arith.select %gt3A_544, %broadcast_in_dim3A_547, %broadcast_in_dim3A_548 : vector<16xi1>, vector<16xi32>
          %add3A_550 = arith.addi %add3A_541, %select_n3A_549 : vector<16xi32>
          %mul3A_551 = arith.constant 1024 : i32
          %mul3A_552 = arith.muli %add3A_488, %mul3A_551 : i32
          %add3A_553 = vector.broadcast %mul3A_552 : i32 to vector<16xi32>
          %add3A_554 = arith.addi %add3A_553, %mul3A_34 : vector<16xi32>
          %convert_element_type3A_555 = arith.extui %and3A_515 : vector<16xi1> to vector<16xi32>
          %broadcast_in_dim3A_556 = arith.constant true
          %broadcast_in_dim3A_557 = vector.broadcast %broadcast_in_dim3A_556 : i1 to vector<16xi1>
          %masked_cumsum3A_558 = tpu.scan <sum>, %convert_element_type3A_555 masked %broadcast_in_dim3A_557 : vector<16xi32>, vector<16xi1> -> vector<16xi32>
          %add3A_559 = arith.addi %add3A_484, %masked_cumsum3A_558 : vector<16xi32>
          tpu.vector_store_idx %arg12[%add3A_559], %add3A_554 masked %and3A_515 : memref<1040xi32, #tpu.memory_space<vmem>>[vector<16xi32>], vector<16xi32>, vector<16xi1>
          tpu.vector_store_idx %arg13[%add3A_559], %add3A_550 masked %and3A_515 : memref<1040xi32, #tpu.memory_space<vmem>>[vector<16xi32>], vector<16xi32>, vector<16xi1>
          %all_reduce_population_count3A_560 = tpu.all_reduce %and3A_515 {dim = 0 : i64, kind = #tpu.reduction_kind<sum>} : vector<16xi1> -> vector<16xi32>
          %add3A_561 = arith.addi %add3A_484, %all_reduce_population_count3A_560 : vector<16xi32>
          %mul3A_562 = arith.constant 8 : i32
          %mul3A_563 = arith.muli %scan3A_182, %mul3A_562 : i32
          %add3A_564 = arith.constant 5 : i32
          %add3A_565 = arith.addi %mul3A_563, %add3A_564 : i32
          %mul3A_566 = arith.constant 16 : i32
          %mul3A_567 = arith.muli %add3A_565, %mul3A_566 : i32
          %add3A_568 = arith.addi %mul3A_49, %mul3A_567 : i32
          %get3A_569 = arith.index_cast %add3A_568 : i32 to index
          %get3A_570 = tpu.vector_load %arg8[%get3A_569] {strides = array<i32>} : memref<4096xf32, #tpu.memory_space<vmem>>, vector<16xf32>,
          %sub3A_571 = arith.subf %get3A_570, %gather3A : vector<16xf32>
          %get3A_572 = arith.index_cast %add3A_568 : i32 to index
          %get3A_573 = tpu.vector_load %arg9[%get3A_572] {strides = array<i32>} : memref<4096xf32, #tpu.memory_space<vmem>>, vector<16xf32>,
          %sub3A_574 = arith.subf %get3A_573, %gather3A_115 : vector<16xf32>
          %get3A_575 = arith.index_cast %add3A_568 : i32 to index
          %get3A_576 = tpu.vector_load %arg10[%get3A_575] {strides = array<i32>} : memref<4096xf32, #tpu.memory_space<vmem>>, vector<16xf32>,
          %sub3A_577 = arith.subf %get3A_576, %gather3A_116 : vector<16xf32>
          %mul3A_578 = arith.mulf %sub3A_571, %sub3A_571 : vector<16xf32>
          %mul3A_579 = arith.mulf %sub3A_574, %sub3A_574 : vector<16xf32>
          %add3A_580 = arith.addf %mul3A_578, %mul3A_579 : vector<16xf32>
          %mul3A_581 = arith.mulf %sub3A_577, %sub3A_577 : vector<16xf32>
          %add3A_582 = arith.addf %add3A_580, %mul3A_581 : vector<16xf32>
          %mul3A_583 = arith.constant 16 : i32
          %mul3A_584 = arith.muli %add3A_565, %mul3A_583 : i32
          %add3A_585 = arith.addi %mul3A_49, %mul3A_584 : i32
          %add3A_586 = vector.broadcast %add3A_585 : i32 to vector<16xi32>
          %add3A_587 = arith.addi %add3A_586, %iota3A : vector<16xi32>
          %le3A_588 = arith.constant 1.000000e+00 : f32
          %le3A_589 = vector.broadcast %le3A_588 : f32 to vector<16xf32>
          %le3A_590 = arith.cmpf ole, %add3A_582, %le3A_589 : vector<16xf32>
          %ne3A_591 = arith.cmpi ne, %add3A_587, %broadcast_in_dim3A_114 : vector<16xi32>
          %and3A_592 = arith.andi %le3A_590, %ne3A_591 : vector<16xi1>
          %ge3A_593 = arith.constant 2.500000e-01 : f32
          %ge3A_594 = vector.broadcast %ge3A_593 : f32 to vector<16xf32>
          %ge3A_595 = arith.cmpf oge, %add3A_582, %ge3A_594 : vector<16xf32>
          %add3A_596 = arith.constant 512 : i32
          %add3A_597 = arith.addi %mul3A_118, %add3A_596 : i32
          %broadcast_in_dim3A_598 = vector.broadcast %add3A_597 : i32 to vector<16xi32>
          %broadcast_in_dim3A_599 = vector.broadcast %mul3A_118 : i32 to vector<16xi32>
          %select_n3A_600 = arith.select %ge3A_595, %broadcast_in_dim3A_598, %broadcast_in_dim3A_599 : vector<16xi1>, vector<16xi32>
          %gt3A_601 = arith.constant 0.000000e+00 : f32
          %gt3A_602 = vector.broadcast %gt3A_601 : f32 to vector<16xf32>
          %gt3A_603 = arith.cmpf ogt, %sub3A_571, %gt3A_602 : vector<16xf32>
          %jit3A_604 = arith.constant 256 : i32
          %jit3A_605 = arith.constant 0 : i32
          %broadcast_in_dim3A_606 = vector.broadcast %jit3A_604 : i32 to vector<16xi32>
          %broadcast_in_dim3A_607 = vector.broadcast %jit3A_605 : i32 to vector<16xi32>
          %select_n3A_608 = arith.select %gt3A_603, %broadcast_in_dim3A_606, %broadcast_in_dim3A_607 : vector<16xi1>, vector<16xi32>
          %add3A_609 = arith.addi %select_n3A_600, %select_n3A_608 : vector<16xi32>
          %gt3A_610 = arith.constant 0.000000e+00 : f32
          %gt3A_611 = vector.broadcast %gt3A_610 : f32 to vector<16xf32>
          %gt3A_612 = arith.cmpf ogt, %sub3A_574, %gt3A_611 : vector<16xf32>
          %jit3A_613 = arith.constant 128 : i32
          %jit3A_614 = arith.constant 0 : i32
          %broadcast_in_dim3A_615 = vector.broadcast %jit3A_613 : i32 to vector<16xi32>
          %broadcast_in_dim3A_616 = vector.broadcast %jit3A_614 : i32 to vector<16xi32>
          %select_n3A_617 = arith.select %gt3A_612, %broadcast_in_dim3A_615, %broadcast_in_dim3A_616 : vector<16xi1>, vector<16xi32>
          %add3A_618 = arith.addi %add3A_609, %select_n3A_617 : vector<16xi32>
          %gt3A_619 = arith.constant 0.000000e+00 : f32
          %gt3A_620 = vector.broadcast %gt3A_619 : f32 to vector<16xf32>
          %gt3A_621 = arith.cmpf ogt, %sub3A_577, %gt3A_620 : vector<16xf32>
          %jit3A_622 = arith.constant 64 : i32
          %jit3A_623 = arith.constant 0 : i32
          %broadcast_in_dim3A_624 = vector.broadcast %jit3A_622 : i32 to vector<16xi32>
          %broadcast_in_dim3A_625 = vector.broadcast %jit3A_623 : i32 to vector<16xi32>
          %select_n3A_626 = arith.select %gt3A_621, %broadcast_in_dim3A_624, %broadcast_in_dim3A_625 : vector<16xi1>, vector<16xi32>
          %add3A_627 = arith.addi %add3A_618, %select_n3A_626 : vector<16xi32>
          %mul3A_628 = arith.constant 1024 : i32
          %mul3A_629 = arith.muli %add3A_565, %mul3A_628 : i32
          %add3A_630 = vector.broadcast %mul3A_629 : i32 to vector<16xi32>
          %add3A_631 = arith.addi %add3A_630, %mul3A_34 : vector<16xi32>
          %convert_element_type3A_632 = arith.extui %and3A_592 : vector<16xi1> to vector<16xi32>
          %broadcast_in_dim3A_633 = arith.constant true
          %broadcast_in_dim3A_634 = vector.broadcast %broadcast_in_dim3A_633 : i1 to vector<16xi1>
          %masked_cumsum3A_635 = tpu.scan <sum>, %convert_element_type3A_632 masked %broadcast_in_dim3A_634 : vector<16xi32>, vector<16xi1> -> vector<16xi32>
          %add3A_636 = arith.addi %add3A_561, %masked_cumsum3A_635 : vector<16xi32>
          tpu.vector_store_idx %arg12[%add3A_636], %add3A_631 masked %and3A_592 : memref<1040xi32, #tpu.memory_space<vmem>>[vector<16xi32>], vector<16xi32>, vector<16xi1>
          tpu.vector_store_idx %arg13[%add3A_636], %add3A_627 masked %and3A_592 : memref<1040xi32, #tpu.memory_space<vmem>>[vector<16xi32>], vector<16xi32>, vector<16xi1>
          %all_reduce_population_count3A_637 = tpu.all_reduce %and3A_592 {dim = 0 : i64, kind = #tpu.reduction_kind<sum>} : vector<16xi1> -> vector<16xi32>
          %add3A_638 = arith.addi %add3A_561, %all_reduce_population_count3A_637 : vector<16xi32>
          %mul3A_639 = arith.constant 8 : i32
          %mul3A_640 = arith.muli %scan3A_182, %mul3A_639 : i32
          %add3A_641 = arith.constant 6 : i32
          %add3A_642 = arith.addi %mul3A_640, %add3A_641 : i32
          %mul3A_643 = arith.constant 16 : i32
          %mul3A_644 = arith.muli %add3A_642, %mul3A_643 : i32
          %add3A_645 = arith.addi %mul3A_49, %mul3A_644 : i32
          %get3A_646 = arith.index_cast %add3A_645 : i32 to index
          %get3A_647 = tpu.vector_load %arg8[%get3A_646] {strides = array<i32>} : memref<4096xf32, #tpu.memory_space<vmem>>, vector<16xf32>,
          %sub3A_648 = arith.subf %get3A_647, %gather3A : vector<16xf32>
          %get3A_649 = arith.index_cast %add3A_645 : i32 to index
          %get3A_650 = tpu.vector_load %arg9[%get3A_649] {strides = array<i32>} : memref<4096xf32, #tpu.memory_space<vmem>>, vector<16xf32>,
          %sub3A_651 = arith.subf %get3A_650, %gather3A_115 : vector<16xf32>
          %get3A_652 = arith.index_cast %add3A_645 : i32 to index
          %get3A_653 = tpu.vector_load %arg10[%get3A_652] {strides = array<i32>} : memref<4096xf32, #tpu.memory_space<vmem>>, vector<16xf32>,
          %sub3A_654 = arith.subf %get3A_653, %gather3A_116 : vector<16xf32>
          %mul3A_655 = arith.mulf %sub3A_648, %sub3A_648 : vector<16xf32>
          %mul3A_656 = arith.mulf %sub3A_651, %sub3A_651 : vector<16xf32>
          %add3A_657 = arith.addf %mul3A_655, %mul3A_656 : vector<16xf32>
          %mul3A_658 = arith.mulf %sub3A_654, %sub3A_654 : vector<16xf32>
          %add3A_659 = arith.addf %add3A_657, %mul3A_658 : vector<16xf32>
          %mul3A_660 = arith.constant 16 : i32
          %mul3A_661 = arith.muli %add3A_642, %mul3A_660 : i32
          %add3A_662 = arith.addi %mul3A_49, %mul3A_661 : i32
          %add3A_663 = vector.broadcast %add3A_662 : i32 to vector<16xi32>
          %add3A_664 = arith.addi %add3A_663, %iota3A : vector<16xi32>
          %le3A_665 = arith.constant 1.000000e+00 : f32
          %le3A_666 = vector.broadcast %le3A_665 : f32 to vector<16xf32>
          %le3A_667 = arith.cmpf ole, %add3A_659, %le3A_666 : vector<16xf32>
          %ne3A_668 = arith.cmpi ne, %add3A_664, %broadcast_in_dim3A_114 : vector<16xi32>
          %and3A_669 = arith.andi %le3A_667, %ne3A_668 : vector<16xi1>
          %ge3A_670 = arith.constant 2.500000e-01 : f32
          %ge3A_671 = vector.broadcast %ge3A_670 : f32 to vector<16xf32>
          %ge3A_672 = arith.cmpf oge, %add3A_659, %ge3A_671 : vector<16xf32>
          %add3A_673 = arith.constant 512 : i32
          %add3A_674 = arith.addi %mul3A_118, %add3A_673 : i32
          %broadcast_in_dim3A_675 = vector.broadcast %add3A_674 : i32 to vector<16xi32>
          %broadcast_in_dim3A_676 = vector.broadcast %mul3A_118 : i32 to vector<16xi32>
          %select_n3A_677 = arith.select %ge3A_672, %broadcast_in_dim3A_675, %broadcast_in_dim3A_676 : vector<16xi1>, vector<16xi32>
          %gt3A_678 = arith.constant 0.000000e+00 : f32
          %gt3A_679 = vector.broadcast %gt3A_678 : f32 to vector<16xf32>
          %gt3A_680 = arith.cmpf ogt, %sub3A_648, %gt3A_679 : vector<16xf32>
          %jit3A_681 = arith.constant 256 : i32
          %jit3A_682 = arith.constant 0 : i32
          %broadcast_in_dim3A_683 = vector.broadcast %jit3A_681 : i32 to vector<16xi32>
          %broadcast_in_dim3A_684 = vector.broadcast %jit3A_682 : i32 to vector<16xi32>
          %select_n3A_685 = arith.select %gt3A_680, %broadcast_in_dim3A_683, %broadcast_in_dim3A_684 : vector<16xi1>, vector<16xi32>
          %add3A_686 = arith.addi %select_n3A_677, %select_n3A_685 : vector<16xi32>
          %gt3A_687 = arith.constant 0.000000e+00 : f32
          %gt3A_688 = vector.broadcast %gt3A_687 : f32 to vector<16xf32>
          %gt3A_689 = arith.cmpf ogt, %sub3A_651, %gt3A_688 : vector<16xf32>
          %jit3A_690 = arith.constant 128 : i32
          %jit3A_691 = arith.constant 0 : i32
          %broadcast_in_dim3A_692 = vector.broadcast %jit3A_690 : i32 to vector<16xi32>
          %broadcast_in_dim3A_693 = vector.broadcast %jit3A_691 : i32 to vector<16xi32>
          %select_n3A_694 = arith.select %gt3A_689, %broadcast_in_dim3A_692, %broadcast_in_dim3A_693 : vector<16xi1>, vector<16xi32>
          %add3A_695 = arith.addi %add3A_686, %select_n3A_694 : vector<16xi32>
          %gt3A_696 = arith.constant 0.000000e+00 : f32
          %gt3A_697 = vector.broadcast %gt3A_696 : f32 to vector<16xf32>
          %gt3A_698 = arith.cmpf ogt, %sub3A_654, %gt3A_697 : vector<16xf32>
          %jit3A_699 = arith.constant 64 : i32
          %jit3A_700 = arith.constant 0 : i32
          %broadcast_in_dim3A_701 = vector.broadcast %jit3A_699 : i32 to vector<16xi32>
          %broadcast_in_dim3A_702 = vector.broadcast %jit3A_700 : i32 to vector<16xi32>
          %select_n3A_703 = arith.select %gt3A_698, %broadcast_in_dim3A_701, %broadcast_in_dim3A_702 : vector<16xi1>, vector<16xi32>
          %add3A_704 = arith.addi %add3A_695, %select_n3A_703 : vector<16xi32>
          %mul3A_705 = arith.constant 1024 : i32
          %mul3A_706 = arith.muli %add3A_642, %mul3A_705 : i32
          %add3A_707 = vector.broadcast %mul3A_706 : i32 to vector<16xi32>
          %add3A_708 = arith.addi %add3A_707, %mul3A_34 : vector<16xi32>
          %convert_element_type3A_709 = arith.extui %and3A_669 : vector<16xi1> to vector<16xi32>
          %broadcast_in_dim3A_710 = arith.constant true
          %broadcast_in_dim3A_711 = vector.broadcast %broadcast_in_dim3A_710 : i1 to vector<16xi1>
          %masked_cumsum3A_712 = tpu.scan <sum>, %convert_element_type3A_709 masked %broadcast_in_dim3A_711 : vector<16xi32>, vector<16xi1> -> vector<16xi32>
          %add3A_713 = arith.addi %add3A_638, %masked_cumsum3A_712 : vector<16xi32>
          tpu.vector_store_idx %arg12[%add3A_713], %add3A_708 masked %and3A_669 : memref<1040xi32, #tpu.memory_space<vmem>>[vector<16xi32>], vector<16xi32>, vector<16xi1>
          tpu.vector_store_idx %arg13[%add3A_713], %add3A_704 masked %and3A_669 : memref<1040xi32, #tpu.memory_space<vmem>>[vector<16xi32>], vector<16xi32>, vector<16xi1>
          %all_reduce_population_count3A_714 = tpu.all_reduce %and3A_669 {dim = 0 : i64, kind = #tpu.reduction_kind<sum>} : vector<16xi1> -> vector<16xi32>
          %add3A_715 = arith.addi %add3A_638, %all_reduce_population_count3A_714 : vector<16xi32>
          %mul3A_716 = arith.constant 8 : i32
          %mul3A_717 = arith.muli %scan3A_182, %mul3A_716 : i32
          %add3A_718 = arith.constant 7 : i32
          %add3A_719 = arith.addi %mul3A_717, %add3A_718 : i32
          %mul3A_720 = arith.constant 16 : i32
          %mul3A_721 = arith.muli %add3A_719, %mul3A_720 : i32
          %add3A_722 = arith.addi %mul3A_49, %mul3A_721 : i32
          %get3A_723 = arith.index_cast %add3A_722 : i32 to index
          %get3A_724 = tpu.vector_load %arg8[%get3A_723] {strides = array<i32>} : memref<4096xf32, #tpu.memory_space<vmem>>, vector<16xf32>,
          %sub3A_725 = arith.subf %get3A_724, %gather3A : vector<16xf32>
          %get3A_726 = arith.index_cast %add3A_722 : i32 to index
          %get3A_727 = tpu.vector_load %arg9[%get3A_726] {strides = array<i32>} : memref<4096xf32, #tpu.memory_space<vmem>>, vector<16xf32>,
          %sub3A_728 = arith.subf %get3A_727, %gather3A_115 : vector<16xf32>
          %get3A_729 = arith.index_cast %add3A_722 : i32 to index
          %get3A_730 = tpu.vector_load %arg10[%get3A_729] {strides = array<i32>} : memref<4096xf32, #tpu.memory_space<vmem>>, vector<16xf32>,
          %sub3A_731 = arith.subf %get3A_730, %gather3A_116 : vector<16xf32>
          %mul3A_732 = arith.mulf %sub3A_725, %sub3A_725 : vector<16xf32>
          %mul3A_733 = arith.mulf %sub3A_728, %sub3A_728 : vector<16xf32>
          %add3A_734 = arith.addf %mul3A_732, %mul3A_733 : vector<16xf32>
          %mul3A_735 = arith.mulf %sub3A_731, %sub3A_731 : vector<16xf32>
          %add3A_736 = arith.addf %add3A_734, %mul3A_735 : vector<16xf32>
          %mul3A_737 = arith.constant 16 : i32
          %mul3A_738 = arith.muli %add3A_719, %mul3A_737 : i32
          %add3A_739 = arith.addi %mul3A_49, %mul3A_738 : i32
          %add3A_740 = vector.broadcast %add3A_739 : i32 to vector<16xi32>
          %add3A_741 = arith.addi %add3A_740, %iota3A : vector<16xi32>
          %le3A_742 = arith.constant 1.000000e+00 : f32
          %le3A_743 = vector.broadcast %le3A_742 : f32 to vector<16xf32>
          %le3A_744 = arith.cmpf ole, %add3A_736, %le3A_743 : vector<16xf32>
          %ne3A_745 = arith.cmpi ne, %add3A_741, %broadcast_in_dim3A_114 : vector<16xi32>
          %and3A_746 = arith.andi %le3A_744, %ne3A_745 : vector<16xi1>
          %ge3A_747 = arith.constant 2.500000e-01 : f32
          %ge3A_748 = vector.broadcast %ge3A_747 : f32 to vector<16xf32>
          %ge3A_749 = arith.cmpf oge, %add3A_736, %ge3A_748 : vector<16xf32>
          %add3A_750 = arith.constant 512 : i32
          %add3A_751 = arith.addi %mul3A_118, %add3A_750 : i32
          %broadcast_in_dim3A_752 = vector.broadcast %add3A_751 : i32 to vector<16xi32>
          %broadcast_in_dim3A_753 = vector.broadcast %mul3A_118 : i32 to vector<16xi32>
          %select_n3A_754 = arith.select %ge3A_749, %broadcast_in_dim3A_752, %broadcast_in_dim3A_753 : vector<16xi1>, vector<16xi32>
          %gt3A_755 = arith.constant 0.000000e+00 : f32
          %gt3A_756 = vector.broadcast %gt3A_755 : f32 to vector<16xf32>
          %gt3A_757 = arith.cmpf ogt, %sub3A_725, %gt3A_756 : vector<16xf32>
          %jit3A_758 = arith.constant 256 : i32
          %jit3A_759 = arith.constant 0 : i32
          %broadcast_in_dim3A_760 = vector.broadcast %jit3A_758 : i32 to vector<16xi32>
          %broadcast_in_dim3A_761 = vector.broadcast %jit3A_759 : i32 to vector<16xi32>
          %select_n3A_762 = arith.select %gt3A_757, %broadcast_in_dim3A_760, %broadcast_in_dim3A_761 : vector<16xi1>, vector<16xi32>
          %add3A_763 = arith.addi %select_n3A_754, %select_n3A_762 : vector<16xi32>
          %gt3A_764 = arith.constant 0.000000e+00 : f32
          %gt3A_765 = vector.broadcast %gt3A_764 : f32 to vector<16xf32>
          %gt3A_766 = arith.cmpf ogt, %sub3A_728, %gt3A_765 : vector<16xf32>
          %jit3A_767 = arith.constant 128 : i32
          %jit3A_768 = arith.constant 0 : i32
          %broadcast_in_dim3A_769 = vector.broadcast %jit3A_767 : i32 to vector<16xi32>
          %broadcast_in_dim3A_770 = vector.broadcast %jit3A_768 : i32 to vector<16xi32>
          %select_n3A_771 = arith.select %gt3A_766, %broadcast_in_dim3A_769, %broadcast_in_dim3A_770 : vector<16xi1>, vector<16xi32>
          %add3A_772 = arith.addi %add3A_763, %select_n3A_771 : vector<16xi32>
          %gt3A_773 = arith.constant 0.000000e+00 : f32
          %gt3A_774 = vector.broadcast %gt3A_773 : f32 to vector<16xf32>
          %gt3A_775 = arith.cmpf ogt, %sub3A_731, %gt3A_774 : vector<16xf32>
          %jit3A_776 = arith.constant 64 : i32
          %jit3A_777 = arith.constant 0 : i32
          %broadcast_in_dim3A_778 = vector.broadcast %jit3A_776 : i32 to vector<16xi32>
          %broadcast_in_dim3A_779 = vector.broadcast %jit3A_777 : i32 to vector<16xi32>
          %select_n3A_780 = arith.select %gt3A_775, %broadcast_in_dim3A_778, %broadcast_in_dim3A_779 : vector<16xi1>, vector<16xi32>
          %add3A_781 = arith.addi %add3A_772, %select_n3A_780 : vector<16xi32>
          %mul3A_782 = arith.constant 1024 : i32
          %mul3A_783 = arith.muli %add3A_719, %mul3A_782 : i32
          %add3A_784 = vector.broadcast %mul3A_783 : i32 to vector<16xi32>
          %add3A_785 = arith.addi %add3A_784, %mul3A_34 : vector<16xi32>
          %convert_element_type3A_786 = arith.extui %and3A_746 : vector<16xi1> to vector<16xi32>
          %broadcast_in_dim3A_787 = arith.constant true
          %broadcast_in_dim3A_788 = vector.broadcast %broadcast_in_dim3A_787 : i1 to vector<16xi1>
          %masked_cumsum3A_789 = tpu.scan <sum>, %convert_element_type3A_786 masked %broadcast_in_dim3A_788 : vector<16xi32>, vector<16xi1> -> vector<16xi32>
          %add3A_790 = arith.addi %add3A_715, %masked_cumsum3A_789 : vector<16xi32>
          tpu.vector_store_idx %arg12[%add3A_790], %add3A_785 masked %and3A_746 : memref<1040xi32, #tpu.memory_space<vmem>>[vector<16xi32>], vector<16xi32>, vector<16xi1>
          tpu.vector_store_idx %arg13[%add3A_790], %add3A_781 masked %and3A_746 : memref<1040xi32, #tpu.memory_space<vmem>>[vector<16xi32>], vector<16xi32>, vector<16xi1>
          %all_reduce_population_count3A_791 = tpu.all_reduce %and3A_746 {dim = 0 : i64, kind = #tpu.reduction_kind<sum>} : vector<16xi1> -> vector<16xi32>
          %add3A_792 = arith.addi %add3A_715, %all_reduce_population_count3A_791 : vector<16xi32>
          scf.yield %add3A_792 : vector<16xi32>
        }
        %scan3A_127 = arith.constant 8 : i32
        %add3A_128 = arith.constant 1 : i32
        %add3A_129 = vector.broadcast %add3A_128 : i32 to vector<16xi32>
        %add3A_130 = arith.addi %scan3A_126, %add3A_129 : vector<16xi32>
        %broadcast_in_dim3A_131 = arith.constant 16384 : i32
        %broadcast_in_dim3A_132 = vector.broadcast %broadcast_in_dim3A_131 : i32 to vector<16xi32>
        %add3A_133 = arith.addi %add3A_130, %iota3A : vector<16xi32>
        tpu.vector_store_idx %arg12[%add3A_133], %broadcast_in_dim3A_47 : memref<1040xi32, #tpu.memory_space<vmem>>[vector<16xi32>], vector<16xi32>,
        %add3A_134 = arith.addi %add3A_130, %iota3A : vector<16xi32>
        tpu.vector_store_idx %arg13[%add3A_134], %broadcast_in_dim3A_132 : memref<1040xi32, #tpu.memory_space<vmem>>[vector<16xi32>], vector<16xi32>,
        %reduce_max3A = arith.constant true
        %reduce_max3A_135 = vector.broadcast %reduce_max3A : i1 to vector<16xi1>
        %reduce_max3A_136 = arith.constant -2147483648 : i32
        %reduce_max3A_137 = vector.broadcast %reduce_max3A_136 : i32 to vector<16xi32>
        %reduce_max3A_138 = arith.xori %add3A_130, %reduce_max3A_137 : vector<16xi32>
        %reduce_max3A_139 = tpu.scan <max>, %reduce_max3A_138 masked %reduce_max3A_135 : vector<16xi32>, vector<16xi1> -> vector<16xi32>
        %reduce_max3A_140 = arith.xori %reduce_max3A_139, %reduce_max3A_137 : vector<16xi32>
        %reduce_max3A_141 = vector.extract %reduce_max3A_140[15] : i32 from vector<16xi32>
        %add3A_142 = arith.constant 16 : i32
        %add3A_143 = arith.addi %reduce_max3A_141, %add3A_142 : i32
        %sub3A_144 = arith.constant 1 : i32
        %sub3A_145 = arith.subi %add3A_143, %sub3A_144 : i32
        %jit3A_146 = arith.constant 16 : i32
        %div3A_147 = arith.divsi %sub3A_145, %jit3A_146 : i32
        %sign3A_148 = arith.constant 0 : i32
        %sign3A_149 = arith.cmpi sgt, %sub3A_145, %sign3A_148 : i32
        %sign3A_150 = arith.extui %sign3A_149 : i1 to i32
        %sign3A_151 = arith.constant 0 : i32
        %sign3A_152 = arith.cmpi slt, %sub3A_145, %sign3A_151 : i32
        %sign3A_153 = arith.extui %sign3A_152 : i1 to i32
        %sign3A_154 = arith.subi %sign3A_150, %sign3A_153 : i32
        %sign3A_155 = arith.constant 0 : i32
        %sign3A_156 = arith.cmpi sgt, %jit3A_146, %sign3A_155 : i32
        %sign3A_157 = arith.extui %sign3A_156 : i1 to i32
        %sign3A_158 = arith.constant 0 : i32
        %sign3A_159 = arith.cmpi slt, %jit3A_146, %sign3A_158 : i32
        %sign3A_160 = arith.extui %sign3A_159 : i1 to i32
        %sign3A_161 = arith.subi %sign3A_157, %sign3A_160 : i32
        %ne3A_162 = arith.cmpi ne, %sign3A_154, %sign3A_161 : i32
        %rem3A_163 = arith.remsi %sub3A_145, %jit3A_146 : i32
        %ne3A_164 = arith.constant 0 : i32
        %ne3A_165 = arith.cmpi ne, %rem3A_163, %ne3A_164 : i32
        %and3A_166 = arith.andi %ne3A_162, %ne3A_165 : i1
        %sub3A_167 = arith.constant 1 : i32
        %sub3A_168 = arith.subi %div3A_147, %sub3A_167 : i32
        %select_n3A_169 = arith.select %and3A_166, %sub3A_168, %div3A_147 : i32
        %while3A = arith.constant 0 : i32
        %while3A_170 = arith.constant 0 : i32
        %while3A_171 = arith.subi %select_n3A_169, %while3A : i32
        %while3A_172 = arith.addi %while3A, %while3A_171 : i32
        %while3A_173 = arith.constant 1 : i32
        %while3A_174 = arith.divsi %while3A_171, %while3A_173 : i32
        %while3A_175 = arith.muli %while3A_174, %while3A_173 : i32
        %while3A_176 = arith.addi %while3A, %while3A_175 : i32
        %while3A_177 = arith.constant 1 : i32
        %while3A_178 = scf.for %while3A_182 = %while3A to %while3A_176 step %while3A_177 iter_args(%while3A_183 = %while3A_170) -> (i32)  : i32 {
          %mul3A_184 = arith.constant 16 : i32
          %mul3A_185 = arith.muli %while3A_182, %mul3A_184 : i32
          %get3A = arith.index_cast %mul3A_185 : i32 to index
          %get3A_186 = tpu.vector_load %arg12[%get3A] {strides = array<i32>} : memref<1040xi32, #tpu.memory_space<vmem>>, vector<16xi32>,
          %mul3A_187 = arith.constant 16 : i32
          %mul3A_188 = arith.muli %while3A_182, %mul3A_187 : i32
          %get3A_189 = arith.index_cast %mul3A_188 : i32 to index
          %get3A_190 = tpu.vector_load %arg13[%get3A_189] {strides = array<i32>} : memref<1040xi32, #tpu.memory_space<vmem>>, vector<16xi32>,
          %broadcast_in_dim3A_191 = arith.constant 0 : i32
          %broadcast_in_dim3A_192 = vector.broadcast %broadcast_in_dim3A_191 : i32 to vector<16x1xi32>
          %gather3A_193 = vector.shape_cast %broadcast_in_dim3A_192 : vector<16x1xi32> to vector<16xi32>
          %gather3A_194 = tpu.dynamic_gather %get3A_186[%gather3A_193] in [0] : vector<16xi32>, vector<16xi32> -> vector<16xi32>
          %broadcast_in_dim3A_195 = arith.constant 0 : i32
          %broadcast_in_dim3A_196 = vector.broadcast %broadcast_in_dim3A_195 : i32 to vector<16x1xi32>
          %gather3A_197 = vector.shape_cast %broadcast_in_dim3A_196 : vector<16x1xi32> to vector<16xi32>
          %gather3A_198 = tpu.dynamic_gather %get3A_190[%gather3A_197] in [0] : vector<16xi32>, vector<16xi32> -> vector<16xi32>
          %add3A_199 = arith.addi %gather3A_194, %add3A_37 : vector<16xi32>
          %gather3A_200 = tpu.vector_load_idx %arg11[%add3A_199] : memref<65536xf32, #tpu.memory_space<vmem>>[vector<16xi32>], vector<16xf32>,
          %add3A_201 = arith.addi %gather3A_198, %add3A_37 : vector<16xi32>
          tpu.vector_store_idx %arg14[%add3A_201], %gather3A_200 {add = true} : memref<16448xf32, #tpu.memory_space<vmem>>[vector<16xi32>], vector<16xf32>,
          %add3A_202 = arith.addi %gather3A_194, %add3A_40 : vector<16xi32>
          %gather3A_203 = tpu.vector_load_idx %arg11[%add3A_202] : memref<65536xf32, #tpu.memory_space<vmem>>[vector<16xi32>], vector<16xf32>,
          %add3A_204 = arith.addi %gather3A_198, %add3A_40 : vector<16xi32>
          tpu.vector_store_idx %arg14[%add3A_204], %gather3A_203 {add = true} : memref<16448xf32, #tpu.memory_space<vmem>>[vector<16xi32>], vector<16xf32>,
          %add3A_205 = arith.addi %gather3A_194, %add3A_43 : vector<16xi32>
          %gather3A_206 = tpu.vector_load_idx %arg11[%add3A_205] : memref<65536xf32, #tpu.memory_space<vmem>>[vector<16xi32>], vector<16xf32>,
          %add3A_207 = arith.addi %gather3A_198, %add3A_43 : vector<16xi32>
          tpu.vector_store_idx %arg14[%add3A_207], %gather3A_206 {add = true} : memref<16448xf32, #tpu.memory_space<vmem>>[vector<16xi32>], vector<16xf32>,
          %add3A_208 = arith.addi %gather3A_194, %add3A_46 : vector<16xi32>
          %gather3A_209 = tpu.vector_load_idx %arg11[%add3A_208] : memref<65536xf32, #tpu.memory_space<vmem>>[vector<16xi32>], vector<16xf32>,
          %add3A_210 = arith.addi %gather3A_198, %add3A_46 : vector<16xi32>
          tpu.vector_store_idx %arg14[%add3A_210], %gather3A_209 {add = true} : memref<16448xf32, #tpu.memory_space<vmem>>[vector<16xi32>], vector<16xf32>,
          %broadcast_in_dim3A_211 = arith.constant 1 : i32
          %broadcast_in_dim3A_212 = vector.broadcast %broadcast_in_dim3A_211 : i32 to vector<16x1xi32>
          %gather3A_213 = vector.shape_cast %broadcast_in_dim3A_212 : vector<16x1xi32> to vector<16xi32>
          %gather3A_214 = tpu.dynamic_gather %get3A_186[%gather3A_213] in [0] : vector<16xi32>, vector<16xi32> -> vector<16xi32>
          %broadcast_in_dim3A_215 = arith.constant 1 : i32
          %broadcast_in_dim3A_216 = vector.broadcast %broadcast_in_dim3A_215 : i32 to vector<16x1xi32>
          %gather3A_217 = vector.shape_cast %broadcast_in_dim3A_216 : vector<16x1xi32> to vector<16xi32>
          %gather3A_218 = tpu.dynamic_gather %get3A_190[%gather3A_217] in [0] : vector<16xi32>, vector<16xi32> -> vector<16xi32>
          %add3A_219 = arith.addi %gather3A_214, %add3A_37 : vector<16xi32>
          %gather3A_220 = tpu.vector_load_idx %arg11[%add3A_219] : memref<65536xf32, #tpu.memory_space<vmem>>[vector<16xi32>], vector<16xf32>,
          %add3A_221 = arith.addi %gather3A_218, %add3A_37 : vector<16xi32>
          tpu.vector_store_idx %arg14[%add3A_221], %gather3A_220 {add = true} : memref<16448xf32, #tpu.memory_space<vmem>>[vector<16xi32>], vector<16xf32>,
          %add3A_222 = arith.addi %gather3A_214, %add3A_40 : vector<16xi32>
          %gather3A_223 = tpu.vector_load_idx %arg11[%add3A_222] : memref<65536xf32, #tpu.memory_space<vmem>>[vector<16xi32>], vector<16xf32>,
          %add3A_224 = arith.addi %gather3A_218, %add3A_40 : vector<16xi32>
          tpu.vector_store_idx %arg14[%add3A_224], %gather3A_223 {add = true} : memref<16448xf32, #tpu.memory_space<vmem>>[vector<16xi32>], vector<16xf32>,
          %add3A_225 = arith.addi %gather3A_214, %add3A_43 : vector<16xi32>
          %gather3A_226 = tpu.vector_load_idx %arg11[%add3A_225] : memref<65536xf32, #tpu.memory_space<vmem>>[vector<16xi32>], vector<16xf32>,
          %add3A_227 = arith.addi %gather3A_218, %add3A_43 : vector<16xi32>
          tpu.vector_store_idx %arg14[%add3A_227], %gather3A_226 {add = true} : memref<16448xf32, #tpu.memory_space<vmem>>[vector<16xi32>], vector<16xf32>,
          %add3A_228 = arith.addi %gather3A_214, %add3A_46 : vector<16xi32>
          %gather3A_229 = tpu.vector_load_idx %arg11[%add3A_228] : memref<65536xf32, #tpu.memory_space<vmem>>[vector<16xi32>], vector<16xf32>,
          %add3A_230 = arith.addi %gather3A_218, %add3A_46 : vector<16xi32>
          tpu.vector_store_idx %arg14[%add3A_230], %gather3A_229 {add = true} : memref<16448xf32, #tpu.memory_space<vmem>>[vector<16xi32>], vector<16xf32>,
          %broadcast_in_dim3A_231 = arith.constant 2 : i32
          %broadcast_in_dim3A_232 = vector.broadcast %broadcast_in_dim3A_231 : i32 to vector<16x1xi32>
          %gather3A_233 = vector.shape_cast %broadcast_in_dim3A_232 : vector<16x1xi32> to vector<16xi32>
          %gather3A_234 = tpu.dynamic_gather %get3A_186[%gather3A_233] in [0] : vector<16xi32>, vector<16xi32> -> vector<16xi32>
          %broadcast_in_dim3A_235 = arith.constant 2 : i32
          %broadcast_in_dim3A_236 = vector.broadcast %broadcast_in_dim3A_235 : i32 to vector<16x1xi32>
          %gather3A_237 = vector.shape_cast %broadcast_in_dim3A_236 : vector<16x1xi32> to vector<16xi32>
          %gather3A_238 = tpu.dynamic_gather %get3A_190[%gather3A_237] in [0] : vector<16xi32>, vector<16xi32> -> vector<16xi32>
          %add3A_239 = arith.addi %gather3A_234, %add3A_37 : vector<16xi32>
          %gather3A_240 = tpu.vector_load_idx %arg11[%add3A_239] : memref<65536xf32, #tpu.memory_space<vmem>>[vector<16xi32>], vector<16xf32>,
          %add3A_241 = arith.addi %gather3A_238, %add3A_37 : vector<16xi32>
          tpu.vector_store_idx %arg14[%add3A_241], %gather3A_240 {add = true} : memref<16448xf32, #tpu.memory_space<vmem>>[vector<16xi32>], vector<16xf32>,
          %add3A_242 = arith.addi %gather3A_234, %add3A_40 : vector<16xi32>
          %gather3A_243 = tpu.vector_load_idx %arg11[%add3A_242] : memref<65536xf32, #tpu.memory_space<vmem>>[vector<16xi32>], vector<16xf32>,
          %add3A_244 = arith.addi %gather3A_238, %add3A_40 : vector<16xi32>
          tpu.vector_store_idx %arg14[%add3A_244], %gather3A_243 {add = true} : memref<16448xf32, #tpu.memory_space<vmem>>[vector<16xi32>], vector<16xf32>,
          %add3A_245 = arith.addi %gather3A_234, %add3A_43 : vector<16xi32>
          %gather3A_246 = tpu.vector_load_idx %arg11[%add3A_245] : memref<65536xf32, #tpu.memory_space<vmem>>[vector<16xi32>], vector<16xf32>,
          %add3A_247 = arith.addi %gather3A_238, %add3A_43 : vector<16xi32>
          tpu.vector_store_idx %arg14[%add3A_247], %gather3A_246 {add = true} : memref<16448xf32, #tpu.memory_space<vmem>>[vector<16xi32>], vector<16xf32>,
          %add3A_248 = arith.addi %gather3A_234, %add3A_46 : vector<16xi32>
          %gather3A_249 = tpu.vector_load_idx %arg11[%add3A_248] : memref<65536xf32, #tpu.memory_space<vmem>>[vector<16xi32>], vector<16xf32>,
          %add3A_250 = arith.addi %gather3A_238, %add3A_46 : vector<16xi32>
          tpu.vector_store_idx %arg14[%add3A_250], %gather3A_249 {add = true} : memref<16448xf32, #tpu.memory_space<vmem>>[vector<16xi32>], vector<16xf32>,
          %broadcast_in_dim3A_251 = arith.constant 3 : i32
          %broadcast_in_dim3A_252 = vector.broadcast %broadcast_in_dim3A_251 : i32 to vector<16x1xi32>
          %gather3A_253 = vector.shape_cast %broadcast_in_dim3A_252 : vector<16x1xi32> to vector<16xi32>
          %gather3A_254 = tpu.dynamic_gather %get3A_186[%gather3A_253] in [0] : vector<16xi32>, vector<16xi32> -> vector<16xi32>
          %broadcast_in_dim3A_255 = arith.constant 3 : i32
          %broadcast_in_dim3A_256 = vector.broadcast %broadcast_in_dim3A_255 : i32 to vector<16x1xi32>
          %gather3A_257 = vector.shape_cast %broadcast_in_dim3A_256 : vector<16x1xi32> to vector<16xi32>
          %gather3A_258 = tpu.dynamic_gather %get3A_190[%gather3A_257] in [0] : vector<16xi32>, vector<16xi32> -> vector<16xi32>
          %add3A_259 = arith.addi %gather3A_254, %add3A_37 : vector<16xi32>
          %gather3A_260 = tpu.vector_load_idx %arg11[%add3A_259] : memref<65536xf32, #tpu.memory_space<vmem>>[vector<16xi32>], vector<16xf32>,
          %add3A_261 = arith.addi %gather3A_258, %add3A_37 : vector<16xi32>
          tpu.vector_store_idx %arg14[%add3A_261], %gather3A_260 {add = true} : memref<16448xf32, #tpu.memory_space<vmem>>[vector<16xi32>], vector<16xf32>,
          %add3A_262 = arith.addi %gather3A_254, %add3A_40 : vector<16xi32>
          %gather3A_263 = tpu.vector_load_idx %arg11[%add3A_262] : memref<65536xf32, #tpu.memory_space<vmem>>[vector<16xi32>], vector<16xf32>,
          %add3A_264 = arith.addi %gather3A_258, %add3A_40 : vector<16xi32>
          tpu.vector_store_idx %arg14[%add3A_264], %gather3A_263 {add = true} : memref<16448xf32, #tpu.memory_space<vmem>>[vector<16xi32>], vector<16xf32>,
          %add3A_265 = arith.addi %gather3A_254, %add3A_43 : vector<16xi32>
          %gather3A_266 = tpu.vector_load_idx %arg11[%add3A_265] : memref<65536xf32, #tpu.memory_space<vmem>>[vector<16xi32>], vector<16xf32>,
          %add3A_267 = arith.addi %gather3A_258, %add3A_43 : vector<16xi32>
          tpu.vector_store_idx %arg14[%add3A_267], %gather3A_266 {add = true} : memref<16448xf32, #tpu.memory_space<vmem>>[vector<16xi32>], vector<16xf32>,
          %add3A_268 = arith.addi %gather3A_254, %add3A_46 : vector<16xi32>
          %gather3A_269 = tpu.vector_load_idx %arg11[%add3A_268] : memref<65536xf32, #tpu.memory_space<vmem>>[vector<16xi32>], vector<16xf32>,
          %add3A_270 = arith.addi %gather3A_258, %add3A_46 : vector<16xi32>
          tpu.vector_store_idx %arg14[%add3A_270], %gather3A_269 {add = true} : memref<16448xf32, #tpu.memory_space<vmem>>[vector<16xi32>], vector<16xf32>,
          %broadcast_in_dim3A_271 = arith.constant 4 : i32
          %broadcast_in_dim3A_272 = vector.broadcast %broadcast_in_dim3A_271 : i32 to vector<16x1xi32>
          %gather3A_273 = vector.shape_cast %broadcast_in_dim3A_272 : vector<16x1xi32> to vector<16xi32>
          %gather3A_274 = tpu.dynamic_gather %get3A_186[%gather3A_273] in [0] : vector<16xi32>, vector<16xi32> -> vector<16xi32>
          %broadcast_in_dim3A_275 = arith.constant 4 : i32
          %broadcast_in_dim3A_276 = vector.broadcast %broadcast_in_dim3A_275 : i32 to vector<16x1xi32>
          %gather3A_277 = vector.shape_cast %broadcast_in_dim3A_276 : vector<16x1xi32> to vector<16xi32>
          %gather3A_278 = tpu.dynamic_gather %get3A_190[%gather3A_277] in [0] : vector<16xi32>, vector<16xi32> -> vector<16xi32>
          %add3A_279 = arith.addi %gather3A_274, %add3A_37 : vector<16xi32>
          %gather3A_280 = tpu.vector_load_idx %arg11[%add3A_279] : memref<65536xf32, #tpu.memory_space<vmem>>[vector<16xi32>], vector<16xf32>,
          %add3A_281 = arith.addi %gather3A_278, %add3A_37 : vector<16xi32>
          tpu.vector_store_idx %arg14[%add3A_281], %gather3A_280 {add = true} : memref<16448xf32, #tpu.memory_space<vmem>>[vector<16xi32>], vector<16xf32>,
          %add3A_282 = arith.addi %gather3A_274, %add3A_40 : vector<16xi32>
          %gather3A_283 = tpu.vector_load_idx %arg11[%add3A_282] : memref<65536xf32, #tpu.memory_space<vmem>>[vector<16xi32>], vector<16xf32>,
          %add3A_284 = arith.addi %gather3A_278, %add3A_40 : vector<16xi32>
          tpu.vector_store_idx %arg14[%add3A_284], %gather3A_283 {add = true} : memref<16448xf32, #tpu.memory_space<vmem>>[vector<16xi32>], vector<16xf32>,
          %add3A_285 = arith.addi %gather3A_274, %add3A_43 : vector<16xi32>
          %gather3A_286 = tpu.vector_load_idx %arg11[%add3A_285] : memref<65536xf32, #tpu.memory_space<vmem>>[vector<16xi32>], vector<16xf32>,
          %add3A_287 = arith.addi %gather3A_278, %add3A_43 : vector<16xi32>
          tpu.vector_store_idx %arg14[%add3A_287], %gather3A_286 {add = true} : memref<16448xf32, #tpu.memory_space<vmem>>[vector<16xi32>], vector<16xf32>,
          %add3A_288 = arith.addi %gather3A_274, %add3A_46 : vector<16xi32>
          %gather3A_289 = tpu.vector_load_idx %arg11[%add3A_288] : memref<65536xf32, #tpu.memory_space<vmem>>[vector<16xi32>], vector<16xf32>,
          %add3A_290 = arith.addi %gather3A_278, %add3A_46 : vector<16xi32>
          tpu.vector_store_idx %arg14[%add3A_290], %gather3A_289 {add = true} : memref<16448xf32, #tpu.memory_space<vmem>>[vector<16xi32>], vector<16xf32>,
          %broadcast_in_dim3A_291 = arith.constant 5 : i32
          %broadcast_in_dim3A_292 = vector.broadcast %broadcast_in_dim3A_291 : i32 to vector<16x1xi32>
          %gather3A_293 = vector.shape_cast %broadcast_in_dim3A_292 : vector<16x1xi32> to vector<16xi32>
          %gather3A_294 = tpu.dynamic_gather %get3A_186[%gather3A_293] in [0] : vector<16xi32>, vector<16xi32> -> vector<16xi32>
          %broadcast_in_dim3A_295 = arith.constant 5 : i32
          %broadcast_in_dim3A_296 = vector.broadcast %broadcast_in_dim3A_295 : i32 to vector<16x1xi32>
          %gather3A_297 = vector.shape_cast %broadcast_in_dim3A_296 : vector<16x1xi32> to vector<16xi32>
          %gather3A_298 = tpu.dynamic_gather %get3A_190[%gather3A_297] in [0] : vector<16xi32>, vector<16xi32> -> vector<16xi32>
          %add3A_299 = arith.addi %gather3A_294, %add3A_37 : vector<16xi32>
          %gather3A_300 = tpu.vector_load_idx %arg11[%add3A_299] : memref<65536xf32, #tpu.memory_space<vmem>>[vector<16xi32>], vector<16xf32>,
          %add3A_301 = arith.addi %gather3A_298, %add3A_37 : vector<16xi32>
          tpu.vector_store_idx %arg14[%add3A_301], %gather3A_300 {add = true} : memref<16448xf32, #tpu.memory_space<vmem>>[vector<16xi32>], vector<16xf32>,
          %add3A_302 = arith.addi %gather3A_294, %add3A_40 : vector<16xi32>
          %gather3A_303 = tpu.vector_load_idx %arg11[%add3A_302] : memref<65536xf32, #tpu.memory_space<vmem>>[vector<16xi32>], vector<16xf32>,
          %add3A_304 = arith.addi %gather3A_298, %add3A_40 : vector<16xi32>
          tpu.vector_store_idx %arg14[%add3A_304], %gather3A_303 {add = true} : memref<16448xf32, #tpu.memory_space<vmem>>[vector<16xi32>], vector<16xf32>,
          %add3A_305 = arith.addi %gather3A_294, %add3A_43 : vector<16xi32>
          %gather3A_306 = tpu.vector_load_idx %arg11[%add3A_305] : memref<65536xf32, #tpu.memory_space<vmem>>[vector<16xi32>], vector<16xf32>,
          %add3A_307 = arith.addi %gather3A_298, %add3A_43 : vector<16xi32>
          tpu.vector_store_idx %arg14[%add3A_307], %gather3A_306 {add = true} : memref<16448xf32, #tpu.memory_space<vmem>>[vector<16xi32>], vector<16xf32>,
          %add3A_308 = arith.addi %gather3A_294, %add3A_46 : vector<16xi32>
          %gather3A_309 = tpu.vector_load_idx %arg11[%add3A_308] : memref<65536xf32, #tpu.memory_space<vmem>>[vector<16xi32>], vector<16xf32>,
          %add3A_310 = arith.addi %gather3A_298, %add3A_46 : vector<16xi32>
          tpu.vector_store_idx %arg14[%add3A_310], %gather3A_309 {add = true} : memref<16448xf32, #tpu.memory_space<vmem>>[vector<16xi32>], vector<16xf32>,
          %broadcast_in_dim3A_311 = arith.constant 6 : i32
          %broadcast_in_dim3A_312 = vector.broadcast %broadcast_in_dim3A_311 : i32 to vector<16x1xi32>
          %gather3A_313 = vector.shape_cast %broadcast_in_dim3A_312 : vector<16x1xi32> to vector<16xi32>
          %gather3A_314 = tpu.dynamic_gather %get3A_186[%gather3A_313] in [0] : vector<16xi32>, vector<16xi32> -> vector<16xi32>
          %broadcast_in_dim3A_315 = arith.constant 6 : i32
          %broadcast_in_dim3A_316 = vector.broadcast %broadcast_in_dim3A_315 : i32 to vector<16x1xi32>
          %gather3A_317 = vector.shape_cast %broadcast_in_dim3A_316 : vector<16x1xi32> to vector<16xi32>
          %gather3A_318 = tpu.dynamic_gather %get3A_190[%gather3A_317] in [0] : vector<16xi32>, vector<16xi32> -> vector<16xi32>
          %add3A_319 = arith.addi %gather3A_314, %add3A_37 : vector<16xi32>
          %gather3A_320 = tpu.vector_load_idx %arg11[%add3A_319] : memref<65536xf32, #tpu.memory_space<vmem>>[vector<16xi32>], vector<16xf32>,
          %add3A_321 = arith.addi %gather3A_318, %add3A_37 : vector<16xi32>
          tpu.vector_store_idx %arg14[%add3A_321], %gather3A_320 {add = true} : memref<16448xf32, #tpu.memory_space<vmem>>[vector<16xi32>], vector<16xf32>,
          %add3A_322 = arith.addi %gather3A_314, %add3A_40 : vector<16xi32>
          %gather3A_323 = tpu.vector_load_idx %arg11[%add3A_322] : memref<65536xf32, #tpu.memory_space<vmem>>[vector<16xi32>], vector<16xf32>,
          %add3A_324 = arith.addi %gather3A_318, %add3A_40 : vector<16xi32>
          tpu.vector_store_idx %arg14[%add3A_324], %gather3A_323 {add = true} : memref<16448xf32, #tpu.memory_space<vmem>>[vector<16xi32>], vector<16xf32>,
          %add3A_325 = arith.addi %gather3A_314, %add3A_43 : vector<16xi32>
          %gather3A_326 = tpu.vector_load_idx %arg11[%add3A_325] : memref<65536xf32, #tpu.memory_space<vmem>>[vector<16xi32>], vector<16xf32>,
          %add3A_327 = arith.addi %gather3A_318, %add3A_43 : vector<16xi32>
          tpu.vector_store_idx %arg14[%add3A_327], %gather3A_326 {add = true} : memref<16448xf32, #tpu.memory_space<vmem>>[vector<16xi32>], vector<16xf32>,
          %add3A_328 = arith.addi %gather3A_314, %add3A_46 : vector<16xi32>
          %gather3A_329 = tpu.vector_load_idx %arg11[%add3A_328] : memref<65536xf32, #tpu.memory_space<vmem>>[vector<16xi32>], vector<16xf32>,
          %add3A_330 = arith.addi %gather3A_318, %add3A_46 : vector<16xi32>
          tpu.vector_store_idx %arg14[%add3A_330], %gather3A_329 {add = true} : memref<16448xf32, #tpu.memory_space<vmem>>[vector<16xi32>], vector<16xf32>,
          %broadcast_in_dim3A_331 = arith.constant 7 : i32
          %broadcast_in_dim3A_332 = vector.broadcast %broadcast_in_dim3A_331 : i32 to vector<16x1xi32>
          %gather3A_333 = vector.shape_cast %broadcast_in_dim3A_332 : vector<16x1xi32> to vector<16xi32>
          %gather3A_334 = tpu.dynamic_gather %get3A_186[%gather3A_333] in [0] : vector<16xi32>, vector<16xi32> -> vector<16xi32>
          %broadcast_in_dim3A_335 = arith.constant 7 : i32
          %broadcast_in_dim3A_336 = vector.broadcast %broadcast_in_dim3A_335 : i32 to vector<16x1xi32>
          %gather3A_337 = vector.shape_cast %broadcast_in_dim3A_336 : vector<16x1xi32> to vector<16xi32>
          %gather3A_338 = tpu.dynamic_gather %get3A_190[%gather3A_337] in [0] : vector<16xi32>, vector<16xi32> -> vector<16xi32>
          %add3A_339 = arith.addi %gather3A_334, %add3A_37 : vector<16xi32>
          %gather3A_340 = tpu.vector_load_idx %arg11[%add3A_339] : memref<65536xf32, #tpu.memory_space<vmem>>[vector<16xi32>], vector<16xf32>,
          %add3A_341 = arith.addi %gather3A_338, %add3A_37 : vector<16xi32>
          tpu.vector_store_idx %arg14[%add3A_341], %gather3A_340 {add = true} : memref<16448xf32, #tpu.memory_space<vmem>>[vector<16xi32>], vector<16xf32>,
          %add3A_342 = arith.addi %gather3A_334, %add3A_40 : vector<16xi32>
          %gather3A_343 = tpu.vector_load_idx %arg11[%add3A_342] : memref<65536xf32, #tpu.memory_space<vmem>>[vector<16xi32>], vector<16xf32>,
          %add3A_344 = arith.addi %gather3A_338, %add3A_40 : vector<16xi32>
          tpu.vector_store_idx %arg14[%add3A_344], %gather3A_343 {add = true} : memref<16448xf32, #tpu.memory_space<vmem>>[vector<16xi32>], vector<16xf32>,
          %add3A_345 = arith.addi %gather3A_334, %add3A_43 : vector<16xi32>
          %gather3A_346 = tpu.vector_load_idx %arg11[%add3A_345] : memref<65536xf32, #tpu.memory_space<vmem>>[vector<16xi32>], vector<16xf32>,
          %add3A_347 = arith.addi %gather3A_338, %add3A_43 : vector<16xi32>
          tpu.vector_store_idx %arg14[%add3A_347], %gather3A_346 {add = true} : memref<16448xf32, #tpu.memory_space<vmem>>[vector<16xi32>], vector<16xf32>,
          %add3A_348 = arith.addi %gather3A_334, %add3A_46 : vector<16xi32>
          %gather3A_349 = tpu.vector_load_idx %arg11[%add3A_348] : memref<65536xf32, #tpu.memory_space<vmem>>[vector<16xi32>], vector<16xf32>,
          %add3A_350 = arith.addi %gather3A_338, %add3A_46 : vector<16xi32>
          tpu.vector_store_idx %arg14[%add3A_350], %gather3A_349 {add = true} : memref<16448xf32, #tpu.memory_space<vmem>>[vector<16xi32>], vector<16xf32>,
          %broadcast_in_dim3A_351 = arith.constant 8 : i32
          %broadcast_in_dim3A_352 = vector.broadcast %broadcast_in_dim3A_351 : i32 to vector<16x1xi32>
          %gather3A_353 = vector.shape_cast %broadcast_in_dim3A_352 : vector<16x1xi32> to vector<16xi32>
          %gather3A_354 = tpu.dynamic_gather %get3A_186[%gather3A_353] in [0] : vector<16xi32>, vector<16xi32> -> vector<16xi32>
          %broadcast_in_dim3A_355 = arith.constant 8 : i32
          %broadcast_in_dim3A_356 = vector.broadcast %broadcast_in_dim3A_355 : i32 to vector<16x1xi32>
          %gather3A_357 = vector.shape_cast %broadcast_in_dim3A_356 : vector<16x1xi32> to vector<16xi32>
          %gather3A_358 = tpu.dynamic_gather %get3A_190[%gather3A_357] in [0] : vector<16xi32>, vector<16xi32> -> vector<16xi32>
          %add3A_359 = arith.addi %gather3A_354, %add3A_37 : vector<16xi32>
          %gather3A_360 = tpu.vector_load_idx %arg11[%add3A_359] : memref<65536xf32, #tpu.memory_space<vmem>>[vector<16xi32>], vector<16xf32>,
          %add3A_361 = arith.addi %gather3A_358, %add3A_37 : vector<16xi32>
          tpu.vector_store_idx %arg14[%add3A_361], %gather3A_360 {add = true} : memref<16448xf32, #tpu.memory_space<vmem>>[vector<16xi32>], vector<16xf32>,
          %add3A_362 = arith.addi %gather3A_354, %add3A_40 : vector<16xi32>
          %gather3A_363 = tpu.vector_load_idx %arg11[%add3A_362] : memref<65536xf32, #tpu.memory_space<vmem>>[vector<16xi32>], vector<16xf32>,
          %add3A_364 = arith.addi %gather3A_358, %add3A_40 : vector<16xi32>
          tpu.vector_store_idx %arg14[%add3A_364], %gather3A_363 {add = true} : memref<16448xf32, #tpu.memory_space<vmem>>[vector<16xi32>], vector<16xf32>,
          %add3A_365 = arith.addi %gather3A_354, %add3A_43 : vector<16xi32>
          %gather3A_366 = tpu.vector_load_idx %arg11[%add3A_365] : memref<65536xf32, #tpu.memory_space<vmem>>[vector<16xi32>], vector<16xf32>,
          %add3A_367 = arith.addi %gather3A_358, %add3A_43 : vector<16xi32>
          tpu.vector_store_idx %arg14[%add3A_367], %gather3A_366 {add = true} : memref<16448xf32, #tpu.memory_space<vmem>>[vector<16xi32>], vector<16xf32>,
          %add3A_368 = arith.addi %gather3A_354, %add3A_46 : vector<16xi32>
          %gather3A_369 = tpu.vector_load_idx %arg11[%add3A_368] : memref<65536xf32, #tpu.memory_space<vmem>>[vector<16xi32>], vector<16xf32>,
          %add3A_370 = arith.addi %gather3A_358, %add3A_46 : vector<16xi32>
          tpu.vector_store_idx %arg14[%add3A_370], %gather3A_369 {add = true} : memref<16448xf32, #tpu.memory_space<vmem>>[vector<16xi32>], vector<16xf32>,
          %broadcast_in_dim3A_371 = arith.constant 9 : i32
          %broadcast_in_dim3A_372 = vector.broadcast %broadcast_in_dim3A_371 : i32 to vector<16x1xi32>
          %gather3A_373 = vector.shape_cast %broadcast_in_dim3A_372 : vector<16x1xi32> to vector<16xi32>
          %gather3A_374 = tpu.dynamic_gather %get3A_186[%gather3A_373] in [0] : vector<16xi32>, vector<16xi32> -> vector<16xi32>
          %broadcast_in_dim3A_375 = arith.constant 9 : i32
          %broadcast_in_dim3A_376 = vector.broadcast %broadcast_in_dim3A_375 : i32 to vector<16x1xi32>
          %gather3A_377 = vector.shape_cast %broadcast_in_dim3A_376 : vector<16x1xi32> to vector<16xi32>
          %gather3A_378 = tpu.dynamic_gather %get3A_190[%gather3A_377] in [0] : vector<16xi32>, vector<16xi32> -> vector<16xi32>
          %add3A_379 = arith.addi %gather3A_374, %add3A_37 : vector<16xi32>
          %gather3A_380 = tpu.vector_load_idx %arg11[%add3A_379] : memref<65536xf32, #tpu.memory_space<vmem>>[vector<16xi32>], vector<16xf32>,
          %add3A_381 = arith.addi %gather3A_378, %add3A_37 : vector<16xi32>
          tpu.vector_store_idx %arg14[%add3A_381], %gather3A_380 {add = true} : memref<16448xf32, #tpu.memory_space<vmem>>[vector<16xi32>], vector<16xf32>,
          %add3A_382 = arith.addi %gather3A_374, %add3A_40 : vector<16xi32>
          %gather3A_383 = tpu.vector_load_idx %arg11[%add3A_382] : memref<65536xf32, #tpu.memory_space<vmem>>[vector<16xi32>], vector<16xf32>,
          %add3A_384 = arith.addi %gather3A_378, %add3A_40 : vector<16xi32>
          tpu.vector_store_idx %arg14[%add3A_384], %gather3A_383 {add = true} : memref<16448xf32, #tpu.memory_space<vmem>>[vector<16xi32>], vector<16xf32>,
          %add3A_385 = arith.addi %gather3A_374, %add3A_43 : vector<16xi32>
          %gather3A_386 = tpu.vector_load_idx %arg11[%add3A_385] : memref<65536xf32, #tpu.memory_space<vmem>>[vector<16xi32>], vector<16xf32>,
          %add3A_387 = arith.addi %gather3A_378, %add3A_43 : vector<16xi32>
          tpu.vector_store_idx %arg14[%add3A_387], %gather3A_386 {add = true} : memref<16448xf32, #tpu.memory_space<vmem>>[vector<16xi32>], vector<16xf32>,
          %add3A_388 = arith.addi %gather3A_374, %add3A_46 : vector<16xi32>
          %gather3A_389 = tpu.vector_load_idx %arg11[%add3A_388] : memref<65536xf32, #tpu.memory_space<vmem>>[vector<16xi32>], vector<16xf32>,
          %add3A_390 = arith.addi %gather3A_378, %add3A_46 : vector<16xi32>
          tpu.vector_store_idx %arg14[%add3A_390], %gather3A_389 {add = true} : memref<16448xf32, #tpu.memory_space<vmem>>[vector<16xi32>], vector<16xf32>,
          %broadcast_in_dim3A_391 = arith.constant 10 : i32
          %broadcast_in_dim3A_392 = vector.broadcast %broadcast_in_dim3A_391 : i32 to vector<16x1xi32>
          %gather3A_393 = vector.shape_cast %broadcast_in_dim3A_392 : vector<16x1xi32> to vector<16xi32>
          %gather3A_394 = tpu.dynamic_gather %get3A_186[%gather3A_393] in [0] : vector<16xi32>, vector<16xi32> -> vector<16xi32>
          %broadcast_in_dim3A_395 = arith.constant 10 : i32
          %broadcast_in_dim3A_396 = vector.broadcast %broadcast_in_dim3A_395 : i32 to vector<16x1xi32>
          %gather3A_397 = vector.shape_cast %broadcast_in_dim3A_396 : vector<16x1xi32> to vector<16xi32>
          %gather3A_398 = tpu.dynamic_gather %get3A_190[%gather3A_397] in [0] : vector<16xi32>, vector<16xi32> -> vector<16xi32>
          %add3A_399 = arith.addi %gather3A_394, %add3A_37 : vector<16xi32>
          %gather3A_400 = tpu.vector_load_idx %arg11[%add3A_399] : memref<65536xf32, #tpu.memory_space<vmem>>[vector<16xi32>], vector<16xf32>,
          %add3A_401 = arith.addi %gather3A_398, %add3A_37 : vector<16xi32>
          tpu.vector_store_idx %arg14[%add3A_401], %gather3A_400 {add = true} : memref<16448xf32, #tpu.memory_space<vmem>>[vector<16xi32>], vector<16xf32>,
          %add3A_402 = arith.addi %gather3A_394, %add3A_40 : vector<16xi32>
          %gather3A_403 = tpu.vector_load_idx %arg11[%add3A_402] : memref<65536xf32, #tpu.memory_space<vmem>>[vector<16xi32>], vector<16xf32>,
          %add3A_404 = arith.addi %gather3A_398, %add3A_40 : vector<16xi32>
          tpu.vector_store_idx %arg14[%add3A_404], %gather3A_403 {add = true} : memref<16448xf32, #tpu.memory_space<vmem>>[vector<16xi32>], vector<16xf32>,
          %add3A_405 = arith.addi %gather3A_394, %add3A_43 : vector<16xi32>
          %gather3A_406 = tpu.vector_load_idx %arg11[%add3A_405] : memref<65536xf32, #tpu.memory_space<vmem>>[vector<16xi32>], vector<16xf32>,
          %add3A_407 = arith.addi %gather3A_398, %add3A_43 : vector<16xi32>
          tpu.vector_store_idx %arg14[%add3A_407], %gather3A_406 {add = true} : memref<16448xf32, #tpu.memory_space<vmem>>[vector<16xi32>], vector<16xf32>,
          %add3A_408 = arith.addi %gather3A_394, %add3A_46 : vector<16xi32>
          %gather3A_409 = tpu.vector_load_idx %arg11[%add3A_408] : memref<65536xf32, #tpu.memory_space<vmem>>[vector<16xi32>], vector<16xf32>,
          %add3A_410 = arith.addi %gather3A_398, %add3A_46 : vector<16xi32>
          tpu.vector_store_idx %arg14[%add3A_410], %gather3A_409 {add = true} : memref<16448xf32, #tpu.memory_space<vmem>>[vector<16xi32>], vector<16xf32>,
          %broadcast_in_dim3A_411 = arith.constant 11 : i32
          %broadcast_in_dim3A_412 = vector.broadcast %broadcast_in_dim3A_411 : i32 to vector<16x1xi32>
          %gather3A_413 = vector.shape_cast %broadcast_in_dim3A_412 : vector<16x1xi32> to vector<16xi32>
          %gather3A_414 = tpu.dynamic_gather %get3A_186[%gather3A_413] in [0] : vector<16xi32>, vector<16xi32> -> vector<16xi32>
          %broadcast_in_dim3A_415 = arith.constant 11 : i32
          %broadcast_in_dim3A_416 = vector.broadcast %broadcast_in_dim3A_415 : i32 to vector<16x1xi32>
          %gather3A_417 = vector.shape_cast %broadcast_in_dim3A_416 : vector<16x1xi32> to vector<16xi32>
          %gather3A_418 = tpu.dynamic_gather %get3A_190[%gather3A_417] in [0] : vector<16xi32>, vector<16xi32> -> vector<16xi32>
          %add3A_419 = arith.addi %gather3A_414, %add3A_37 : vector<16xi32>
          %gather3A_420 = tpu.vector_load_idx %arg11[%add3A_419] : memref<65536xf32, #tpu.memory_space<vmem>>[vector<16xi32>], vector<16xf32>,
          %add3A_421 = arith.addi %gather3A_418, %add3A_37 : vector<16xi32>
          tpu.vector_store_idx %arg14[%add3A_421], %gather3A_420 {add = true} : memref<16448xf32, #tpu.memory_space<vmem>>[vector<16xi32>], vector<16xf32>,
          %add3A_422 = arith.addi %gather3A_414, %add3A_40 : vector<16xi32>
          %gather3A_423 = tpu.vector_load_idx %arg11[%add3A_422] : memref<65536xf32, #tpu.memory_space<vmem>>[vector<16xi32>], vector<16xf32>,
          %add3A_424 = arith.addi %gather3A_418, %add3A_40 : vector<16xi32>
          tpu.vector_store_idx %arg14[%add3A_424], %gather3A_423 {add = true} : memref<16448xf32, #tpu.memory_space<vmem>>[vector<16xi32>], vector<16xf32>,
          %add3A_425 = arith.addi %gather3A_414, %add3A_43 : vector<16xi32>
          %gather3A_426 = tpu.vector_load_idx %arg11[%add3A_425] : memref<65536xf32, #tpu.memory_space<vmem>>[vector<16xi32>], vector<16xf32>,
          %add3A_427 = arith.addi %gather3A_418, %add3A_43 : vector<16xi32>
          tpu.vector_store_idx %arg14[%add3A_427], %gather3A_426 {add = true} : memref<16448xf32, #tpu.memory_space<vmem>>[vector<16xi32>], vector<16xf32>,
          %add3A_428 = arith.addi %gather3A_414, %add3A_46 : vector<16xi32>
          %gather3A_429 = tpu.vector_load_idx %arg11[%add3A_428] : memref<65536xf32, #tpu.memory_space<vmem>>[vector<16xi32>], vector<16xf32>,
          %add3A_430 = arith.addi %gather3A_418, %add3A_46 : vector<16xi32>
          tpu.vector_store_idx %arg14[%add3A_430], %gather3A_429 {add = true} : memref<16448xf32, #tpu.memory_space<vmem>>[vector<16xi32>], vector<16xf32>,
          %broadcast_in_dim3A_431 = arith.constant 12 : i32
          %broadcast_in_dim3A_432 = vector.broadcast %broadcast_in_dim3A_431 : i32 to vector<16x1xi32>
          %gather3A_433 = vector.shape_cast %broadcast_in_dim3A_432 : vector<16x1xi32> to vector<16xi32>
          %gather3A_434 = tpu.dynamic_gather %get3A_186[%gather3A_433] in [0] : vector<16xi32>, vector<16xi32> -> vector<16xi32>
          %broadcast_in_dim3A_435 = arith.constant 12 : i32
          %broadcast_in_dim3A_436 = vector.broadcast %broadcast_in_dim3A_435 : i32 to vector<16x1xi32>
          %gather3A_437 = vector.shape_cast %broadcast_in_dim3A_436 : vector<16x1xi32> to vector<16xi32>
          %gather3A_438 = tpu.dynamic_gather %get3A_190[%gather3A_437] in [0] : vector<16xi32>, vector<16xi32> -> vector<16xi32>
          %add3A_439 = arith.addi %gather3A_434, %add3A_37 : vector<16xi32>
          %gather3A_440 = tpu.vector_load_idx %arg11[%add3A_439] : memref<65536xf32, #tpu.memory_space<vmem>>[vector<16xi32>], vector<16xf32>,
          %add3A_441 = arith.addi %gather3A_438, %add3A_37 : vector<16xi32>
          tpu.vector_store_idx %arg14[%add3A_441], %gather3A_440 {add = true} : memref<16448xf32, #tpu.memory_space<vmem>>[vector<16xi32>], vector<16xf32>,
          %add3A_442 = arith.addi %gather3A_434, %add3A_40 : vector<16xi32>
          %gather3A_443 = tpu.vector_load_idx %arg11[%add3A_442] : memref<65536xf32, #tpu.memory_space<vmem>>[vector<16xi32>], vector<16xf32>,
          %add3A_444 = arith.addi %gather3A_438, %add3A_40 : vector<16xi32>
          tpu.vector_store_idx %arg14[%add3A_444], %gather3A_443 {add = true} : memref<16448xf32, #tpu.memory_space<vmem>>[vector<16xi32>], vector<16xf32>,
          %add3A_445 = arith.addi %gather3A_434, %add3A_43 : vector<16xi32>
          %gather3A_446 = tpu.vector_load_idx %arg11[%add3A_445] : memref<65536xf32, #tpu.memory_space<vmem>>[vector<16xi32>], vector<16xf32>,
          %add3A_447 = arith.addi %gather3A_438, %add3A_43 : vector<16xi32>
          tpu.vector_store_idx %arg14[%add3A_447], %gather3A_446 {add = true} : memref<16448xf32, #tpu.memory_space<vmem>>[vector<16xi32>], vector<16xf32>,
          %add3A_448 = arith.addi %gather3A_434, %add3A_46 : vector<16xi32>
          %gather3A_449 = tpu.vector_load_idx %arg11[%add3A_448] : memref<65536xf32, #tpu.memory_space<vmem>>[vector<16xi32>], vector<16xf32>,
          %add3A_450 = arith.addi %gather3A_438, %add3A_46 : vector<16xi32>
          tpu.vector_store_idx %arg14[%add3A_450], %gather3A_449 {add = true} : memref<16448xf32, #tpu.memory_space<vmem>>[vector<16xi32>], vector<16xf32>,
          %broadcast_in_dim3A_451 = arith.constant 13 : i32
          %broadcast_in_dim3A_452 = vector.broadcast %broadcast_in_dim3A_451 : i32 to vector<16x1xi32>
          %gather3A_453 = vector.shape_cast %broadcast_in_dim3A_452 : vector<16x1xi32> to vector<16xi32>
          %gather3A_454 = tpu.dynamic_gather %get3A_186[%gather3A_453] in [0] : vector<16xi32>, vector<16xi32> -> vector<16xi32>
          %broadcast_in_dim3A_455 = arith.constant 13 : i32
          %broadcast_in_dim3A_456 = vector.broadcast %broadcast_in_dim3A_455 : i32 to vector<16x1xi32>
          %gather3A_457 = vector.shape_cast %broadcast_in_dim3A_456 : vector<16x1xi32> to vector<16xi32>
          %gather3A_458 = tpu.dynamic_gather %get3A_190[%gather3A_457] in [0] : vector<16xi32>, vector<16xi32> -> vector<16xi32>
          %add3A_459 = arith.addi %gather3A_454, %add3A_37 : vector<16xi32>
          %gather3A_460 = tpu.vector_load_idx %arg11[%add3A_459] : memref<65536xf32, #tpu.memory_space<vmem>>[vector<16xi32>], vector<16xf32>,
          %add3A_461 = arith.addi %gather3A_458, %add3A_37 : vector<16xi32>
          tpu.vector_store_idx %arg14[%add3A_461], %gather3A_460 {add = true} : memref<16448xf32, #tpu.memory_space<vmem>>[vector<16xi32>], vector<16xf32>,
          %add3A_462 = arith.addi %gather3A_454, %add3A_40 : vector<16xi32>
          %gather3A_463 = tpu.vector_load_idx %arg11[%add3A_462] : memref<65536xf32, #tpu.memory_space<vmem>>[vector<16xi32>], vector<16xf32>,
          %add3A_464 = arith.addi %gather3A_458, %add3A_40 : vector<16xi32>
          tpu.vector_store_idx %arg14[%add3A_464], %gather3A_463 {add = true} : memref<16448xf32, #tpu.memory_space<vmem>>[vector<16xi32>], vector<16xf32>,
          %add3A_465 = arith.addi %gather3A_454, %add3A_43 : vector<16xi32>
          %gather3A_466 = tpu.vector_load_idx %arg11[%add3A_465] : memref<65536xf32, #tpu.memory_space<vmem>>[vector<16xi32>], vector<16xf32>,
          %add3A_467 = arith.addi %gather3A_458, %add3A_43 : vector<16xi32>
          tpu.vector_store_idx %arg14[%add3A_467], %gather3A_466 {add = true} : memref<16448xf32, #tpu.memory_space<vmem>>[vector<16xi32>], vector<16xf32>,
          %add3A_468 = arith.addi %gather3A_454, %add3A_46 : vector<16xi32>
          %gather3A_469 = tpu.vector_load_idx %arg11[%add3A_468] : memref<65536xf32, #tpu.memory_space<vmem>>[vector<16xi32>], vector<16xf32>,
          %add3A_470 = arith.addi %gather3A_458, %add3A_46 : vector<16xi32>
          tpu.vector_store_idx %arg14[%add3A_470], %gather3A_469 {add = true} : memref<16448xf32, #tpu.memory_space<vmem>>[vector<16xi32>], vector<16xf32>,
          %broadcast_in_dim3A_471 = arith.constant 14 : i32
          %broadcast_in_dim3A_472 = vector.broadcast %broadcast_in_dim3A_471 : i32 to vector<16x1xi32>
          %gather3A_473 = vector.shape_cast %broadcast_in_dim3A_472 : vector<16x1xi32> to vector<16xi32>
          %gather3A_474 = tpu.dynamic_gather %get3A_186[%gather3A_473] in [0] : vector<16xi32>, vector<16xi32> -> vector<16xi32>
          %broadcast_in_dim3A_475 = arith.constant 14 : i32
          %broadcast_in_dim3A_476 = vector.broadcast %broadcast_in_dim3A_475 : i32 to vector<16x1xi32>
          %gather3A_477 = vector.shape_cast %broadcast_in_dim3A_476 : vector<16x1xi32> to vector<16xi32>
          %gather3A_478 = tpu.dynamic_gather %get3A_190[%gather3A_477] in [0] : vector<16xi32>, vector<16xi32> -> vector<16xi32>
          %add3A_479 = arith.addi %gather3A_474, %add3A_37 : vector<16xi32>
          %gather3A_480 = tpu.vector_load_idx %arg11[%add3A_479] : memref<65536xf32, #tpu.memory_space<vmem>>[vector<16xi32>], vector<16xf32>,
          %add3A_481 = arith.addi %gather3A_478, %add3A_37 : vector<16xi32>
          tpu.vector_store_idx %arg14[%add3A_481], %gather3A_480 {add = true} : memref<16448xf32, #tpu.memory_space<vmem>>[vector<16xi32>], vector<16xf32>,
          %add3A_482 = arith.addi %gather3A_474, %add3A_40 : vector<16xi32>
          %gather3A_483 = tpu.vector_load_idx %arg11[%add3A_482] : memref<65536xf32, #tpu.memory_space<vmem>>[vector<16xi32>], vector<16xf32>,
          %add3A_484 = arith.addi %gather3A_478, %add3A_40 : vector<16xi32>
          tpu.vector_store_idx %arg14[%add3A_484], %gather3A_483 {add = true} : memref<16448xf32, #tpu.memory_space<vmem>>[vector<16xi32>], vector<16xf32>,
          %add3A_485 = arith.addi %gather3A_474, %add3A_43 : vector<16xi32>
          %gather3A_486 = tpu.vector_load_idx %arg11[%add3A_485] : memref<65536xf32, #tpu.memory_space<vmem>>[vector<16xi32>], vector<16xf32>,
          %add3A_487 = arith.addi %gather3A_478, %add3A_43 : vector<16xi32>
          tpu.vector_store_idx %arg14[%add3A_487], %gather3A_486 {add = true} : memref<16448xf32, #tpu.memory_space<vmem>>[vector<16xi32>], vector<16xf32>,
          %add3A_488 = arith.addi %gather3A_474, %add3A_46 : vector<16xi32>
          %gather3A_489 = tpu.vector_load_idx %arg11[%add3A_488] : memref<65536xf32, #tpu.memory_space<vmem>>[vector<16xi32>], vector<16xf32>,
          %add3A_490 = arith.addi %gather3A_478, %add3A_46 : vector<16xi32>
          tpu.vector_store_idx %arg14[%add3A_490], %gather3A_489 {add = true} : memref<16448xf32, #tpu.memory_space<vmem>>[vector<16xi32>], vector<16xf32>,
          %broadcast_in_dim3A_491 = arith.constant 15 : i32
          %broadcast_in_dim3A_492 = vector.broadcast %broadcast_in_dim3A_491 : i32 to vector<16x1xi32>
          %gather3A_493 = vector.shape_cast %broadcast_in_dim3A_492 : vector<16x1xi32> to vector<16xi32>
          %gather3A_494 = tpu.dynamic_gather %get3A_186[%gather3A_493] in [0] : vector<16xi32>, vector<16xi32> -> vector<16xi32>
          %broadcast_in_dim3A_495 = arith.constant 15 : i32
          %broadcast_in_dim3A_496 = vector.broadcast %broadcast_in_dim3A_495 : i32 to vector<16x1xi32>
          %gather3A_497 = vector.shape_cast %broadcast_in_dim3A_496 : vector<16x1xi32> to vector<16xi32>
          %gather3A_498 = tpu.dynamic_gather %get3A_190[%gather3A_497] in [0] : vector<16xi32>, vector<16xi32> -> vector<16xi32>
          %add3A_499 = arith.addi %gather3A_494, %add3A_37 : vector<16xi32>
          %gather3A_500 = tpu.vector_load_idx %arg11[%add3A_499] : memref<65536xf32, #tpu.memory_space<vmem>>[vector<16xi32>], vector<16xf32>,
          %add3A_501 = arith.addi %gather3A_498, %add3A_37 : vector<16xi32>
          tpu.vector_store_idx %arg14[%add3A_501], %gather3A_500 {add = true} : memref<16448xf32, #tpu.memory_space<vmem>>[vector<16xi32>], vector<16xf32>,
          %add3A_502 = arith.addi %gather3A_494, %add3A_40 : vector<16xi32>
          %gather3A_503 = tpu.vector_load_idx %arg11[%add3A_502] : memref<65536xf32, #tpu.memory_space<vmem>>[vector<16xi32>], vector<16xf32>,
          %add3A_504 = arith.addi %gather3A_498, %add3A_40 : vector<16xi32>
          tpu.vector_store_idx %arg14[%add3A_504], %gather3A_503 {add = true} : memref<16448xf32, #tpu.memory_space<vmem>>[vector<16xi32>], vector<16xf32>,
          %add3A_505 = arith.addi %gather3A_494, %add3A_43 : vector<16xi32>
          %gather3A_506 = tpu.vector_load_idx %arg11[%add3A_505] : memref<65536xf32, #tpu.memory_space<vmem>>[vector<16xi32>], vector<16xf32>,
          %add3A_507 = arith.addi %gather3A_498, %add3A_43 : vector<16xi32>
          tpu.vector_store_idx %arg14[%add3A_507], %gather3A_506 {add = true} : memref<16448xf32, #tpu.memory_space<vmem>>[vector<16xi32>], vector<16xf32>,
          %add3A_508 = arith.addi %gather3A_494, %add3A_46 : vector<16xi32>
          %gather3A_509 = tpu.vector_load_idx %arg11[%add3A_508] : memref<65536xf32, #tpu.memory_space<vmem>>[vector<16xi32>], vector<16xf32>,
          %add3A_510 = arith.addi %gather3A_498, %add3A_46 : vector<16xi32>
          tpu.vector_store_idx %arg14[%add3A_510], %gather3A_509 {add = true} : memref<16448xf32, #tpu.memory_space<vmem>>[vector<16xi32>], vector<16xf32>,
          %while3A_511 = arith.constant 0 : i32
          scf.yield %while3A_511 : i32
        }
        %while3A_179 = arith.constant 1 : i32
        %while3A_180 = scf.for %while3A_182 = %while3A_176 to %while3A_172 step %while3A_179 iter_args(%while3A_183 = %while3A_178) -> (i32)  : i32 {
          %mul3A_184 = arith.constant 16 : i32
          %mul3A_185 = arith.muli %while3A_182, %mul3A_184 : i32
          %get3A = arith.index_cast %mul3A_185 : i32 to index
          %get3A_186 = tpu.vector_load %arg12[%get3A] {strides = array<i32>} : memref<1040xi32, #tpu.memory_space<vmem>>, vector<16xi32>,
          %mul3A_187 = arith.constant 16 : i32
          %mul3A_188 = arith.muli %while3A_182, %mul3A_187 : i32
          %get3A_189 = arith.index_cast %mul3A_188 : i32 to index
          %get3A_190 = tpu.vector_load %arg13[%get3A_189] {strides = array<i32>} : memref<1040xi32, #tpu.memory_space<vmem>>, vector<16xi32>,
          %broadcast_in_dim3A_191 = arith.constant 0 : i32
          %broadcast_in_dim3A_192 = vector.broadcast %broadcast_in_dim3A_191 : i32 to vector<16x1xi32>
          %gather3A_193 = vector.shape_cast %broadcast_in_dim3A_192 : vector<16x1xi32> to vector<16xi32>
          %gather3A_194 = tpu.dynamic_gather %get3A_186[%gather3A_193] in [0] : vector<16xi32>, vector<16xi32> -> vector<16xi32>
          %broadcast_in_dim3A_195 = arith.constant 0 : i32
          %broadcast_in_dim3A_196 = vector.broadcast %broadcast_in_dim3A_195 : i32 to vector<16x1xi32>
          %gather3A_197 = vector.shape_cast %broadcast_in_dim3A_196 : vector<16x1xi32> to vector<16xi32>
          %gather3A_198 = tpu.dynamic_gather %get3A_190[%gather3A_197] in [0] : vector<16xi32>, vector<16xi32> -> vector<16xi32>
          %add3A_199 = arith.addi %gather3A_194, %add3A_37 : vector<16xi32>
          %gather3A_200 = tpu.vector_load_idx %arg11[%add3A_199] : memref<65536xf32, #tpu.memory_space<vmem>>[vector<16xi32>], vector<16xf32>,
          %add3A_201 = arith.addi %gather3A_198, %add3A_37 : vector<16xi32>
          tpu.vector_store_idx %arg14[%add3A_201], %gather3A_200 {add = true} : memref<16448xf32, #tpu.memory_space<vmem>>[vector<16xi32>], vector<16xf32>,
          %add3A_202 = arith.addi %gather3A_194, %add3A_40 : vector<16xi32>
          %gather3A_203 = tpu.vector_load_idx %arg11[%add3A_202] : memref<65536xf32, #tpu.memory_space<vmem>>[vector<16xi32>], vector<16xf32>,
          %add3A_204 = arith.addi %gather3A_198, %add3A_40 : vector<16xi32>
          tpu.vector_store_idx %arg14[%add3A_204], %gather3A_203 {add = true} : memref<16448xf32, #tpu.memory_space<vmem>>[vector<16xi32>], vector<16xf32>,
          %add3A_205 = arith.addi %gather3A_194, %add3A_43 : vector<16xi32>
          %gather3A_206 = tpu.vector_load_idx %arg11[%add3A_205] : memref<65536xf32, #tpu.memory_space<vmem>>[vector<16xi32>], vector<16xf32>,
          %add3A_207 = arith.addi %gather3A_198, %add3A_43 : vector<16xi32>
          tpu.vector_store_idx %arg14[%add3A_207], %gather3A_206 {add = true} : memref<16448xf32, #tpu.memory_space<vmem>>[vector<16xi32>], vector<16xf32>,
          %add3A_208 = arith.addi %gather3A_194, %add3A_46 : vector<16xi32>
          %gather3A_209 = tpu.vector_load_idx %arg11[%add3A_208] : memref<65536xf32, #tpu.memory_space<vmem>>[vector<16xi32>], vector<16xf32>,
          %add3A_210 = arith.addi %gather3A_198, %add3A_46 : vector<16xi32>
          tpu.vector_store_idx %arg14[%add3A_210], %gather3A_209 {add = true} : memref<16448xf32, #tpu.memory_space<vmem>>[vector<16xi32>], vector<16xf32>,
          %broadcast_in_dim3A_211 = arith.constant 1 : i32
          %broadcast_in_dim3A_212 = vector.broadcast %broadcast_in_dim3A_211 : i32 to vector<16x1xi32>
          %gather3A_213 = vector.shape_cast %broadcast_in_dim3A_212 : vector<16x1xi32> to vector<16xi32>
          %gather3A_214 = tpu.dynamic_gather %get3A_186[%gather3A_213] in [0] : vector<16xi32>, vector<16xi32> -> vector<16xi32>
          %broadcast_in_dim3A_215 = arith.constant 1 : i32
          %broadcast_in_dim3A_216 = vector.broadcast %broadcast_in_dim3A_215 : i32 to vector<16x1xi32>
          %gather3A_217 = vector.shape_cast %broadcast_in_dim3A_216 : vector<16x1xi32> to vector<16xi32>
          %gather3A_218 = tpu.dynamic_gather %get3A_190[%gather3A_217] in [0] : vector<16xi32>, vector<16xi32> -> vector<16xi32>
          %add3A_219 = arith.addi %gather3A_214, %add3A_37 : vector<16xi32>
          %gather3A_220 = tpu.vector_load_idx %arg11[%add3A_219] : memref<65536xf32, #tpu.memory_space<vmem>>[vector<16xi32>], vector<16xf32>,
          %add3A_221 = arith.addi %gather3A_218, %add3A_37 : vector<16xi32>
          tpu.vector_store_idx %arg14[%add3A_221], %gather3A_220 {add = true} : memref<16448xf32, #tpu.memory_space<vmem>>[vector<16xi32>], vector<16xf32>,
          %add3A_222 = arith.addi %gather3A_214, %add3A_40 : vector<16xi32>
          %gather3A_223 = tpu.vector_load_idx %arg11[%add3A_222] : memref<65536xf32, #tpu.memory_space<vmem>>[vector<16xi32>], vector<16xf32>,
          %add3A_224 = arith.addi %gather3A_218, %add3A_40 : vector<16xi32>
          tpu.vector_store_idx %arg14[%add3A_224], %gather3A_223 {add = true} : memref<16448xf32, #tpu.memory_space<vmem>>[vector<16xi32>], vector<16xf32>,
          %add3A_225 = arith.addi %gather3A_214, %add3A_43 : vector<16xi32>
          %gather3A_226 = tpu.vector_load_idx %arg11[%add3A_225] : memref<65536xf32, #tpu.memory_space<vmem>>[vector<16xi32>], vector<16xf32>,
          %add3A_227 = arith.addi %gather3A_218, %add3A_43 : vector<16xi32>
          tpu.vector_store_idx %arg14[%add3A_227], %gather3A_226 {add = true} : memref<16448xf32, #tpu.memory_space<vmem>>[vector<16xi32>], vector<16xf32>,
          %add3A_228 = arith.addi %gather3A_214, %add3A_46 : vector<16xi32>
          %gather3A_229 = tpu.vector_load_idx %arg11[%add3A_228] : memref<65536xf32, #tpu.memory_space<vmem>>[vector<16xi32>], vector<16xf32>,
          %add3A_230 = arith.addi %gather3A_218, %add3A_46 : vector<16xi32>
          tpu.vector_store_idx %arg14[%add3A_230], %gather3A_229 {add = true} : memref<16448xf32, #tpu.memory_space<vmem>>[vector<16xi32>], vector<16xf32>,
          %broadcast_in_dim3A_231 = arith.constant 2 : i32
          %broadcast_in_dim3A_232 = vector.broadcast %broadcast_in_dim3A_231 : i32 to vector<16x1xi32>
          %gather3A_233 = vector.shape_cast %broadcast_in_dim3A_232 : vector<16x1xi32> to vector<16xi32>
          %gather3A_234 = tpu.dynamic_gather %get3A_186[%gather3A_233] in [0] : vector<16xi32>, vector<16xi32> -> vector<16xi32>
          %broadcast_in_dim3A_235 = arith.constant 2 : i32
          %broadcast_in_dim3A_236 = vector.broadcast %broadcast_in_dim3A_235 : i32 to vector<16x1xi32>
          %gather3A_237 = vector.shape_cast %broadcast_in_dim3A_236 : vector<16x1xi32> to vector<16xi32>
          %gather3A_238 = tpu.dynamic_gather %get3A_190[%gather3A_237] in [0] : vector<16xi32>, vector<16xi32> -> vector<16xi32>
          %add3A_239 = arith.addi %gather3A_234, %add3A_37 : vector<16xi32>
          %gather3A_240 = tpu.vector_load_idx %arg11[%add3A_239] : memref<65536xf32, #tpu.memory_space<vmem>>[vector<16xi32>], vector<16xf32>,
          %add3A_241 = arith.addi %gather3A_238, %add3A_37 : vector<16xi32>
          tpu.vector_store_idx %arg14[%add3A_241], %gather3A_240 {add = true} : memref<16448xf32, #tpu.memory_space<vmem>>[vector<16xi32>], vector<16xf32>,
          %add3A_242 = arith.addi %gather3A_234, %add3A_40 : vector<16xi32>
          %gather3A_243 = tpu.vector_load_idx %arg11[%add3A_242] : memref<65536xf32, #tpu.memory_space<vmem>>[vector<16xi32>], vector<16xf32>,
          %add3A_244 = arith.addi %gather3A_238, %add3A_40 : vector<16xi32>
          tpu.vector_store_idx %arg14[%add3A_244], %gather3A_243 {add = true} : memref<16448xf32, #tpu.memory_space<vmem>>[vector<16xi32>], vector<16xf32>,
          %add3A_245 = arith.addi %gather3A_234, %add3A_43 : vector<16xi32>
          %gather3A_246 = tpu.vector_load_idx %arg11[%add3A_245] : memref<65536xf32, #tpu.memory_space<vmem>>[vector<16xi32>], vector<16xf32>,
          %add3A_247 = arith.addi %gather3A_238, %add3A_43 : vector<16xi32>
          tpu.vector_store_idx %arg14[%add3A_247], %gather3A_246 {add = true} : memref<16448xf32, #tpu.memory_space<vmem>>[vector<16xi32>], vector<16xf32>,
          %add3A_248 = arith.addi %gather3A_234, %add3A_46 : vector<16xi32>
          %gather3A_249 = tpu.vector_load_idx %arg11[%add3A_248] : memref<65536xf32, #tpu.memory_space<vmem>>[vector<16xi32>], vector<16xf32>,
          %add3A_250 = arith.addi %gather3A_238, %add3A_46 : vector<16xi32>
          tpu.vector_store_idx %arg14[%add3A_250], %gather3A_249 {add = true} : memref<16448xf32, #tpu.memory_space<vmem>>[vector<16xi32>], vector<16xf32>,
          %broadcast_in_dim3A_251 = arith.constant 3 : i32
          %broadcast_in_dim3A_252 = vector.broadcast %broadcast_in_dim3A_251 : i32 to vector<16x1xi32>
          %gather3A_253 = vector.shape_cast %broadcast_in_dim3A_252 : vector<16x1xi32> to vector<16xi32>
          %gather3A_254 = tpu.dynamic_gather %get3A_186[%gather3A_253] in [0] : vector<16xi32>, vector<16xi32> -> vector<16xi32>
          %broadcast_in_dim3A_255 = arith.constant 3 : i32
          %broadcast_in_dim3A_256 = vector.broadcast %broadcast_in_dim3A_255 : i32 to vector<16x1xi32>
          %gather3A_257 = vector.shape_cast %broadcast_in_dim3A_256 : vector<16x1xi32> to vector<16xi32>
          %gather3A_258 = tpu.dynamic_gather %get3A_190[%gather3A_257] in [0] : vector<16xi32>, vector<16xi32> -> vector<16xi32>
          %add3A_259 = arith.addi %gather3A_254, %add3A_37 : vector<16xi32>
          %gather3A_260 = tpu.vector_load_idx %arg11[%add3A_259] : memref<65536xf32, #tpu.memory_space<vmem>>[vector<16xi32>], vector<16xf32>,
          %add3A_261 = arith.addi %gather3A_258, %add3A_37 : vector<16xi32>
          tpu.vector_store_idx %arg14[%add3A_261], %gather3A_260 {add = true} : memref<16448xf32, #tpu.memory_space<vmem>>[vector<16xi32>], vector<16xf32>,
          %add3A_262 = arith.addi %gather3A_254, %add3A_40 : vector<16xi32>
          %gather3A_263 = tpu.vector_load_idx %arg11[%add3A_262] : memref<65536xf32, #tpu.memory_space<vmem>>[vector<16xi32>], vector<16xf32>,
          %add3A_264 = arith.addi %gather3A_258, %add3A_40 : vector<16xi32>
          tpu.vector_store_idx %arg14[%add3A_264], %gather3A_263 {add = true} : memref<16448xf32, #tpu.memory_space<vmem>>[vector<16xi32>], vector<16xf32>,
          %add3A_265 = arith.addi %gather3A_254, %add3A_43 : vector<16xi32>
          %gather3A_266 = tpu.vector_load_idx %arg11[%add3A_265] : memref<65536xf32, #tpu.memory_space<vmem>>[vector<16xi32>], vector<16xf32>,
          %add3A_267 = arith.addi %gather3A_258, %add3A_43 : vector<16xi32>
          tpu.vector_store_idx %arg14[%add3A_267], %gather3A_266 {add = true} : memref<16448xf32, #tpu.memory_space<vmem>>[vector<16xi32>], vector<16xf32>,
          %add3A_268 = arith.addi %gather3A_254, %add3A_46 : vector<16xi32>
          %gather3A_269 = tpu.vector_load_idx %arg11[%add3A_268] : memref<65536xf32, #tpu.memory_space<vmem>>[vector<16xi32>], vector<16xf32>,
          %add3A_270 = arith.addi %gather3A_258, %add3A_46 : vector<16xi32>
          tpu.vector_store_idx %arg14[%add3A_270], %gather3A_269 {add = true} : memref<16448xf32, #tpu.memory_space<vmem>>[vector<16xi32>], vector<16xf32>,
          %broadcast_in_dim3A_271 = arith.constant 4 : i32
          %broadcast_in_dim3A_272 = vector.broadcast %broadcast_in_dim3A_271 : i32 to vector<16x1xi32>
          %gather3A_273 = vector.shape_cast %broadcast_in_dim3A_272 : vector<16x1xi32> to vector<16xi32>
          %gather3A_274 = tpu.dynamic_gather %get3A_186[%gather3A_273] in [0] : vector<16xi32>, vector<16xi32> -> vector<16xi32>
          %broadcast_in_dim3A_275 = arith.constant 4 : i32
          %broadcast_in_dim3A_276 = vector.broadcast %broadcast_in_dim3A_275 : i32 to vector<16x1xi32>
          %gather3A_277 = vector.shape_cast %broadcast_in_dim3A_276 : vector<16x1xi32> to vector<16xi32>
          %gather3A_278 = tpu.dynamic_gather %get3A_190[%gather3A_277] in [0] : vector<16xi32>, vector<16xi32> -> vector<16xi32>
          %add3A_279 = arith.addi %gather3A_274, %add3A_37 : vector<16xi32>
          %gather3A_280 = tpu.vector_load_idx %arg11[%add3A_279] : memref<65536xf32, #tpu.memory_space<vmem>>[vector<16xi32>], vector<16xf32>,
          %add3A_281 = arith.addi %gather3A_278, %add3A_37 : vector<16xi32>
          tpu.vector_store_idx %arg14[%add3A_281], %gather3A_280 {add = true} : memref<16448xf32, #tpu.memory_space<vmem>>[vector<16xi32>], vector<16xf32>,
          %add3A_282 = arith.addi %gather3A_274, %add3A_40 : vector<16xi32>
          %gather3A_283 = tpu.vector_load_idx %arg11[%add3A_282] : memref<65536xf32, #tpu.memory_space<vmem>>[vector<16xi32>], vector<16xf32>,
          %add3A_284 = arith.addi %gather3A_278, %add3A_40 : vector<16xi32>
          tpu.vector_store_idx %arg14[%add3A_284], %gather3A_283 {add = true} : memref<16448xf32, #tpu.memory_space<vmem>>[vector<16xi32>], vector<16xf32>,
          %add3A_285 = arith.addi %gather3A_274, %add3A_43 : vector<16xi32>
          %gather3A_286 = tpu.vector_load_idx %arg11[%add3A_285] : memref<65536xf32, #tpu.memory_space<vmem>>[vector<16xi32>], vector<16xf32>,
          %add3A_287 = arith.addi %gather3A_278, %add3A_43 : vector<16xi32>
          tpu.vector_store_idx %arg14[%add3A_287], %gather3A_286 {add = true} : memref<16448xf32, #tpu.memory_space<vmem>>[vector<16xi32>], vector<16xf32>,
          %add3A_288 = arith.addi %gather3A_274, %add3A_46 : vector<16xi32>
          %gather3A_289 = tpu.vector_load_idx %arg11[%add3A_288] : memref<65536xf32, #tpu.memory_space<vmem>>[vector<16xi32>], vector<16xf32>,
          %add3A_290 = arith.addi %gather3A_278, %add3A_46 : vector<16xi32>
          tpu.vector_store_idx %arg14[%add3A_290], %gather3A_289 {add = true} : memref<16448xf32, #tpu.memory_space<vmem>>[vector<16xi32>], vector<16xf32>,
          %broadcast_in_dim3A_291 = arith.constant 5 : i32
          %broadcast_in_dim3A_292 = vector.broadcast %broadcast_in_dim3A_291 : i32 to vector<16x1xi32>
          %gather3A_293 = vector.shape_cast %broadcast_in_dim3A_292 : vector<16x1xi32> to vector<16xi32>
          %gather3A_294 = tpu.dynamic_gather %get3A_186[%gather3A_293] in [0] : vector<16xi32>, vector<16xi32> -> vector<16xi32>
          %broadcast_in_dim3A_295 = arith.constant 5 : i32
          %broadcast_in_dim3A_296 = vector.broadcast %broadcast_in_dim3A_295 : i32 to vector<16x1xi32>
          %gather3A_297 = vector.shape_cast %broadcast_in_dim3A_296 : vector<16x1xi32> to vector<16xi32>
          %gather3A_298 = tpu.dynamic_gather %get3A_190[%gather3A_297] in [0] : vector<16xi32>, vector<16xi32> -> vector<16xi32>
          %add3A_299 = arith.addi %gather3A_294, %add3A_37 : vector<16xi32>
          %gather3A_300 = tpu.vector_load_idx %arg11[%add3A_299] : memref<65536xf32, #tpu.memory_space<vmem>>[vector<16xi32>], vector<16xf32>,
          %add3A_301 = arith.addi %gather3A_298, %add3A_37 : vector<16xi32>
          tpu.vector_store_idx %arg14[%add3A_301], %gather3A_300 {add = true} : memref<16448xf32, #tpu.memory_space<vmem>>[vector<16xi32>], vector<16xf32>,
          %add3A_302 = arith.addi %gather3A_294, %add3A_40 : vector<16xi32>
          %gather3A_303 = tpu.vector_load_idx %arg11[%add3A_302] : memref<65536xf32, #tpu.memory_space<vmem>>[vector<16xi32>], vector<16xf32>,
          %add3A_304 = arith.addi %gather3A_298, %add3A_40 : vector<16xi32>
          tpu.vector_store_idx %arg14[%add3A_304], %gather3A_303 {add = true} : memref<16448xf32, #tpu.memory_space<vmem>>[vector<16xi32>], vector<16xf32>,
          %add3A_305 = arith.addi %gather3A_294, %add3A_43 : vector<16xi32>
          %gather3A_306 = tpu.vector_load_idx %arg11[%add3A_305] : memref<65536xf32, #tpu.memory_space<vmem>>[vector<16xi32>], vector<16xf32>,
          %add3A_307 = arith.addi %gather3A_298, %add3A_43 : vector<16xi32>
          tpu.vector_store_idx %arg14[%add3A_307], %gather3A_306 {add = true} : memref<16448xf32, #tpu.memory_space<vmem>>[vector<16xi32>], vector<16xf32>,
          %add3A_308 = arith.addi %gather3A_294, %add3A_46 : vector<16xi32>
          %gather3A_309 = tpu.vector_load_idx %arg11[%add3A_308] : memref<65536xf32, #tpu.memory_space<vmem>>[vector<16xi32>], vector<16xf32>,
          %add3A_310 = arith.addi %gather3A_298, %add3A_46 : vector<16xi32>
          tpu.vector_store_idx %arg14[%add3A_310], %gather3A_309 {add = true} : memref<16448xf32, #tpu.memory_space<vmem>>[vector<16xi32>], vector<16xf32>,
          %broadcast_in_dim3A_311 = arith.constant 6 : i32
          %broadcast_in_dim3A_312 = vector.broadcast %broadcast_in_dim3A_311 : i32 to vector<16x1xi32>
          %gather3A_313 = vector.shape_cast %broadcast_in_dim3A_312 : vector<16x1xi32> to vector<16xi32>
          %gather3A_314 = tpu.dynamic_gather %get3A_186[%gather3A_313] in [0] : vector<16xi32>, vector<16xi32> -> vector<16xi32>
          %broadcast_in_dim3A_315 = arith.constant 6 : i32
          %broadcast_in_dim3A_316 = vector.broadcast %broadcast_in_dim3A_315 : i32 to vector<16x1xi32>
          %gather3A_317 = vector.shape_cast %broadcast_in_dim3A_316 : vector<16x1xi32> to vector<16xi32>
          %gather3A_318 = tpu.dynamic_gather %get3A_190[%gather3A_317] in [0] : vector<16xi32>, vector<16xi32> -> vector<16xi32>
          %add3A_319 = arith.addi %gather3A_314, %add3A_37 : vector<16xi32>
          %gather3A_320 = tpu.vector_load_idx %arg11[%add3A_319] : memref<65536xf32, #tpu.memory_space<vmem>>[vector<16xi32>], vector<16xf32>,
          %add3A_321 = arith.addi %gather3A_318, %add3A_37 : vector<16xi32>
          tpu.vector_store_idx %arg14[%add3A_321], %gather3A_320 {add = true} : memref<16448xf32, #tpu.memory_space<vmem>>[vector<16xi32>], vector<16xf32>,
          %add3A_322 = arith.addi %gather3A_314, %add3A_40 : vector<16xi32>
          %gather3A_323 = tpu.vector_load_idx %arg11[%add3A_322] : memref<65536xf32, #tpu.memory_space<vmem>>[vector<16xi32>], vector<16xf32>,
          %add3A_324 = arith.addi %gather3A_318, %add3A_40 : vector<16xi32>
          tpu.vector_store_idx %arg14[%add3A_324], %gather3A_323 {add = true} : memref<16448xf32, #tpu.memory_space<vmem>>[vector<16xi32>], vector<16xf32>,
          %add3A_325 = arith.addi %gather3A_314, %add3A_43 : vector<16xi32>
          %gather3A_326 = tpu.vector_load_idx %arg11[%add3A_325] : memref<65536xf32, #tpu.memory_space<vmem>>[vector<16xi32>], vector<16xf32>,
          %add3A_327 = arith.addi %gather3A_318, %add3A_43 : vector<16xi32>
          tpu.vector_store_idx %arg14[%add3A_327], %gather3A_326 {add = true} : memref<16448xf32, #tpu.memory_space<vmem>>[vector<16xi32>], vector<16xf32>,
          %add3A_328 = arith.addi %gather3A_314, %add3A_46 : vector<16xi32>
          %gather3A_329 = tpu.vector_load_idx %arg11[%add3A_328] : memref<65536xf32, #tpu.memory_space<vmem>>[vector<16xi32>], vector<16xf32>,
          %add3A_330 = arith.addi %gather3A_318, %add3A_46 : vector<16xi32>
          tpu.vector_store_idx %arg14[%add3A_330], %gather3A_329 {add = true} : memref<16448xf32, #tpu.memory_space<vmem>>[vector<16xi32>], vector<16xf32>,
          %broadcast_in_dim3A_331 = arith.constant 7 : i32
          %broadcast_in_dim3A_332 = vector.broadcast %broadcast_in_dim3A_331 : i32 to vector<16x1xi32>
          %gather3A_333 = vector.shape_cast %broadcast_in_dim3A_332 : vector<16x1xi32> to vector<16xi32>
          %gather3A_334 = tpu.dynamic_gather %get3A_186[%gather3A_333] in [0] : vector<16xi32>, vector<16xi32> -> vector<16xi32>
          %broadcast_in_dim3A_335 = arith.constant 7 : i32
          %broadcast_in_dim3A_336 = vector.broadcast %broadcast_in_dim3A_335 : i32 to vector<16x1xi32>
          %gather3A_337 = vector.shape_cast %broadcast_in_dim3A_336 : vector<16x1xi32> to vector<16xi32>
          %gather3A_338 = tpu.dynamic_gather %get3A_190[%gather3A_337] in [0] : vector<16xi32>, vector<16xi32> -> vector<16xi32>
          %add3A_339 = arith.addi %gather3A_334, %add3A_37 : vector<16xi32>
          %gather3A_340 = tpu.vector_load_idx %arg11[%add3A_339] : memref<65536xf32, #tpu.memory_space<vmem>>[vector<16xi32>], vector<16xf32>,
          %add3A_341 = arith.addi %gather3A_338, %add3A_37 : vector<16xi32>
          tpu.vector_store_idx %arg14[%add3A_341], %gather3A_340 {add = true} : memref<16448xf32, #tpu.memory_space<vmem>>[vector<16xi32>], vector<16xf32>,
          %add3A_342 = arith.addi %gather3A_334, %add3A_40 : vector<16xi32>
          %gather3A_343 = tpu.vector_load_idx %arg11[%add3A_342] : memref<65536xf32, #tpu.memory_space<vmem>>[vector<16xi32>], vector<16xf32>,
          %add3A_344 = arith.addi %gather3A_338, %add3A_40 : vector<16xi32>
          tpu.vector_store_idx %arg14[%add3A_344], %gather3A_343 {add = true} : memref<16448xf32, #tpu.memory_space<vmem>>[vector<16xi32>], vector<16xf32>,
          %add3A_345 = arith.addi %gather3A_334, %add3A_43 : vector<16xi32>
          %gather3A_346 = tpu.vector_load_idx %arg11[%add3A_345] : memref<65536xf32, #tpu.memory_space<vmem>>[vector<16xi32>], vector<16xf32>,
          %add3A_347 = arith.addi %gather3A_338, %add3A_43 : vector<16xi32>
          tpu.vector_store_idx %arg14[%add3A_347], %gather3A_346 {add = true} : memref<16448xf32, #tpu.memory_space<vmem>>[vector<16xi32>], vector<16xf32>,
          %add3A_348 = arith.addi %gather3A_334, %add3A_46 : vector<16xi32>
          %gather3A_349 = tpu.vector_load_idx %arg11[%add3A_348] : memref<65536xf32, #tpu.memory_space<vmem>>[vector<16xi32>], vector<16xf32>,
          %add3A_350 = arith.addi %gather3A_338, %add3A_46 : vector<16xi32>
          tpu.vector_store_idx %arg14[%add3A_350], %gather3A_349 {add = true} : memref<16448xf32, #tpu.memory_space<vmem>>[vector<16xi32>], vector<16xf32>,
          %broadcast_in_dim3A_351 = arith.constant 8 : i32
          %broadcast_in_dim3A_352 = vector.broadcast %broadcast_in_dim3A_351 : i32 to vector<16x1xi32>
          %gather3A_353 = vector.shape_cast %broadcast_in_dim3A_352 : vector<16x1xi32> to vector<16xi32>
          %gather3A_354 = tpu.dynamic_gather %get3A_186[%gather3A_353] in [0] : vector<16xi32>, vector<16xi32> -> vector<16xi32>
          %broadcast_in_dim3A_355 = arith.constant 8 : i32
          %broadcast_in_dim3A_356 = vector.broadcast %broadcast_in_dim3A_355 : i32 to vector<16x1xi32>
          %gather3A_357 = vector.shape_cast %broadcast_in_dim3A_356 : vector<16x1xi32> to vector<16xi32>
          %gather3A_358 = tpu.dynamic_gather %get3A_190[%gather3A_357] in [0] : vector<16xi32>, vector<16xi32> -> vector<16xi32>
          %add3A_359 = arith.addi %gather3A_354, %add3A_37 : vector<16xi32>
          %gather3A_360 = tpu.vector_load_idx %arg11[%add3A_359] : memref<65536xf32, #tpu.memory_space<vmem>>[vector<16xi32>], vector<16xf32>,
          %add3A_361 = arith.addi %gather3A_358, %add3A_37 : vector<16xi32>
          tpu.vector_store_idx %arg14[%add3A_361], %gather3A_360 {add = true} : memref<16448xf32, #tpu.memory_space<vmem>>[vector<16xi32>], vector<16xf32>,
          %add3A_362 = arith.addi %gather3A_354, %add3A_40 : vector<16xi32>
          %gather3A_363 = tpu.vector_load_idx %arg11[%add3A_362] : memref<65536xf32, #tpu.memory_space<vmem>>[vector<16xi32>], vector<16xf32>,
          %add3A_364 = arith.addi %gather3A_358, %add3A_40 : vector<16xi32>
          tpu.vector_store_idx %arg14[%add3A_364], %gather3A_363 {add = true} : memref<16448xf32, #tpu.memory_space<vmem>>[vector<16xi32>], vector<16xf32>,
          %add3A_365 = arith.addi %gather3A_354, %add3A_43 : vector<16xi32>
          %gather3A_366 = tpu.vector_load_idx %arg11[%add3A_365] : memref<65536xf32, #tpu.memory_space<vmem>>[vector<16xi32>], vector<16xf32>,
          %add3A_367 = arith.addi %gather3A_358, %add3A_43 : vector<16xi32>
          tpu.vector_store_idx %arg14[%add3A_367], %gather3A_366 {add = true} : memref<16448xf32, #tpu.memory_space<vmem>>[vector<16xi32>], vector<16xf32>,
          %add3A_368 = arith.addi %gather3A_354, %add3A_46 : vector<16xi32>
          %gather3A_369 = tpu.vector_load_idx %arg11[%add3A_368] : memref<65536xf32, #tpu.memory_space<vmem>>[vector<16xi32>], vector<16xf32>,
          %add3A_370 = arith.addi %gather3A_358, %add3A_46 : vector<16xi32>
          tpu.vector_store_idx %arg14[%add3A_370], %gather3A_369 {add = true} : memref<16448xf32, #tpu.memory_space<vmem>>[vector<16xi32>], vector<16xf32>,
          %broadcast_in_dim3A_371 = arith.constant 9 : i32
          %broadcast_in_dim3A_372 = vector.broadcast %broadcast_in_dim3A_371 : i32 to vector<16x1xi32>
          %gather3A_373 = vector.shape_cast %broadcast_in_dim3A_372 : vector<16x1xi32> to vector<16xi32>
          %gather3A_374 = tpu.dynamic_gather %get3A_186[%gather3A_373] in [0] : vector<16xi32>, vector<16xi32> -> vector<16xi32>
          %broadcast_in_dim3A_375 = arith.constant 9 : i32
          %broadcast_in_dim3A_376 = vector.broadcast %broadcast_in_dim3A_375 : i32 to vector<16x1xi32>
          %gather3A_377 = vector.shape_cast %broadcast_in_dim3A_376 : vector<16x1xi32> to vector<16xi32>
          %gather3A_378 = tpu.dynamic_gather %get3A_190[%gather3A_377] in [0] : vector<16xi32>, vector<16xi32> -> vector<16xi32>
          %add3A_379 = arith.addi %gather3A_374, %add3A_37 : vector<16xi32>
          %gather3A_380 = tpu.vector_load_idx %arg11[%add3A_379] : memref<65536xf32, #tpu.memory_space<vmem>>[vector<16xi32>], vector<16xf32>,
          %add3A_381 = arith.addi %gather3A_378, %add3A_37 : vector<16xi32>
          tpu.vector_store_idx %arg14[%add3A_381], %gather3A_380 {add = true} : memref<16448xf32, #tpu.memory_space<vmem>>[vector<16xi32>], vector<16xf32>,
          %add3A_382 = arith.addi %gather3A_374, %add3A_40 : vector<16xi32>
          %gather3A_383 = tpu.vector_load_idx %arg11[%add3A_382] : memref<65536xf32, #tpu.memory_space<vmem>>[vector<16xi32>], vector<16xf32>,
          %add3A_384 = arith.addi %gather3A_378, %add3A_40 : vector<16xi32>
          tpu.vector_store_idx %arg14[%add3A_384], %gather3A_383 {add = true} : memref<16448xf32, #tpu.memory_space<vmem>>[vector<16xi32>], vector<16xf32>,
          %add3A_385 = arith.addi %gather3A_374, %add3A_43 : vector<16xi32>
          %gather3A_386 = tpu.vector_load_idx %arg11[%add3A_385] : memref<65536xf32, #tpu.memory_space<vmem>>[vector<16xi32>], vector<16xf32>,
          %add3A_387 = arith.addi %gather3A_378, %add3A_43 : vector<16xi32>
          tpu.vector_store_idx %arg14[%add3A_387], %gather3A_386 {add = true} : memref<16448xf32, #tpu.memory_space<vmem>>[vector<16xi32>], vector<16xf32>,
          %add3A_388 = arith.addi %gather3A_374, %add3A_46 : vector<16xi32>
          %gather3A_389 = tpu.vector_load_idx %arg11[%add3A_388] : memref<65536xf32, #tpu.memory_space<vmem>>[vector<16xi32>], vector<16xf32>,
          %add3A_390 = arith.addi %gather3A_378, %add3A_46 : vector<16xi32>
          tpu.vector_store_idx %arg14[%add3A_390], %gather3A_389 {add = true} : memref<16448xf32, #tpu.memory_space<vmem>>[vector<16xi32>], vector<16xf32>,
          %broadcast_in_dim3A_391 = arith.constant 10 : i32
          %broadcast_in_dim3A_392 = vector.broadcast %broadcast_in_dim3A_391 : i32 to vector<16x1xi32>
          %gather3A_393 = vector.shape_cast %broadcast_in_dim3A_392 : vector<16x1xi32> to vector<16xi32>
          %gather3A_394 = tpu.dynamic_gather %get3A_186[%gather3A_393] in [0] : vector<16xi32>, vector<16xi32> -> vector<16xi32>
          %broadcast_in_dim3A_395 = arith.constant 10 : i32
          %broadcast_in_dim3A_396 = vector.broadcast %broadcast_in_dim3A_395 : i32 to vector<16x1xi32>
          %gather3A_397 = vector.shape_cast %broadcast_in_dim3A_396 : vector<16x1xi32> to vector<16xi32>
          %gather3A_398 = tpu.dynamic_gather %get3A_190[%gather3A_397] in [0] : vector<16xi32>, vector<16xi32> -> vector<16xi32>
          %add3A_399 = arith.addi %gather3A_394, %add3A_37 : vector<16xi32>
          %gather3A_400 = tpu.vector_load_idx %arg11[%add3A_399] : memref<65536xf32, #tpu.memory_space<vmem>>[vector<16xi32>], vector<16xf32>,
          %add3A_401 = arith.addi %gather3A_398, %add3A_37 : vector<16xi32>
          tpu.vector_store_idx %arg14[%add3A_401], %gather3A_400 {add = true} : memref<16448xf32, #tpu.memory_space<vmem>>[vector<16xi32>], vector<16xf32>,
          %add3A_402 = arith.addi %gather3A_394, %add3A_40 : vector<16xi32>
          %gather3A_403 = tpu.vector_load_idx %arg11[%add3A_402] : memref<65536xf32, #tpu.memory_space<vmem>>[vector<16xi32>], vector<16xf32>,
          %add3A_404 = arith.addi %gather3A_398, %add3A_40 : vector<16xi32>
          tpu.vector_store_idx %arg14[%add3A_404], %gather3A_403 {add = true} : memref<16448xf32, #tpu.memory_space<vmem>>[vector<16xi32>], vector<16xf32>,
          %add3A_405 = arith.addi %gather3A_394, %add3A_43 : vector<16xi32>
          %gather3A_406 = tpu.vector_load_idx %arg11[%add3A_405] : memref<65536xf32, #tpu.memory_space<vmem>>[vector<16xi32>], vector<16xf32>,
          %add3A_407 = arith.addi %gather3A_398, %add3A_43 : vector<16xi32>
          tpu.vector_store_idx %arg14[%add3A_407], %gather3A_406 {add = true} : memref<16448xf32, #tpu.memory_space<vmem>>[vector<16xi32>], vector<16xf32>,
          %add3A_408 = arith.addi %gather3A_394, %add3A_46 : vector<16xi32>
          %gather3A_409 = tpu.vector_load_idx %arg11[%add3A_408] : memref<65536xf32, #tpu.memory_space<vmem>>[vector<16xi32>], vector<16xf32>,
          %add3A_410 = arith.addi %gather3A_398, %add3A_46 : vector<16xi32>
          tpu.vector_store_idx %arg14[%add3A_410], %gather3A_409 {add = true} : memref<16448xf32, #tpu.memory_space<vmem>>[vector<16xi32>], vector<16xf32>,
          %broadcast_in_dim3A_411 = arith.constant 11 : i32
          %broadcast_in_dim3A_412 = vector.broadcast %broadcast_in_dim3A_411 : i32 to vector<16x1xi32>
          %gather3A_413 = vector.shape_cast %broadcast_in_dim3A_412 : vector<16x1xi32> to vector<16xi32>
          %gather3A_414 = tpu.dynamic_gather %get3A_186[%gather3A_413] in [0] : vector<16xi32>, vector<16xi32> -> vector<16xi32>
          %broadcast_in_dim3A_415 = arith.constant 11 : i32
          %broadcast_in_dim3A_416 = vector.broadcast %broadcast_in_dim3A_415 : i32 to vector<16x1xi32>
          %gather3A_417 = vector.shape_cast %broadcast_in_dim3A_416 : vector<16x1xi32> to vector<16xi32>
          %gather3A_418 = tpu.dynamic_gather %get3A_190[%gather3A_417] in [0] : vector<16xi32>, vector<16xi32> -> vector<16xi32>
          %add3A_419 = arith.addi %gather3A_414, %add3A_37 : vector<16xi32>
          %gather3A_420 = tpu.vector_load_idx %arg11[%add3A_419] : memref<65536xf32, #tpu.memory_space<vmem>>[vector<16xi32>], vector<16xf32>,
          %add3A_421 = arith.addi %gather3A_418, %add3A_37 : vector<16xi32>
          tpu.vector_store_idx %arg14[%add3A_421], %gather3A_420 {add = true} : memref<16448xf32, #tpu.memory_space<vmem>>[vector<16xi32>], vector<16xf32>,
          %add3A_422 = arith.addi %gather3A_414, %add3A_40 : vector<16xi32>
          %gather3A_423 = tpu.vector_load_idx %arg11[%add3A_422] : memref<65536xf32, #tpu.memory_space<vmem>>[vector<16xi32>], vector<16xf32>,
          %add3A_424 = arith.addi %gather3A_418, %add3A_40 : vector<16xi32>
          tpu.vector_store_idx %arg14[%add3A_424], %gather3A_423 {add = true} : memref<16448xf32, #tpu.memory_space<vmem>>[vector<16xi32>], vector<16xf32>,
          %add3A_425 = arith.addi %gather3A_414, %add3A_43 : vector<16xi32>
          %gather3A_426 = tpu.vector_load_idx %arg11[%add3A_425] : memref<65536xf32, #tpu.memory_space<vmem>>[vector<16xi32>], vector<16xf32>,
          %add3A_427 = arith.addi %gather3A_418, %add3A_43 : vector<16xi32>
          tpu.vector_store_idx %arg14[%add3A_427], %gather3A_426 {add = true} : memref<16448xf32, #tpu.memory_space<vmem>>[vector<16xi32>], vector<16xf32>,
          %add3A_428 = arith.addi %gather3A_414, %add3A_46 : vector<16xi32>
          %gather3A_429 = tpu.vector_load_idx %arg11[%add3A_428] : memref<65536xf32, #tpu.memory_space<vmem>>[vector<16xi32>], vector<16xf32>,
          %add3A_430 = arith.addi %gather3A_418, %add3A_46 : vector<16xi32>
          tpu.vector_store_idx %arg14[%add3A_430], %gather3A_429 {add = true} : memref<16448xf32, #tpu.memory_space<vmem>>[vector<16xi32>], vector<16xf32>,
          %broadcast_in_dim3A_431 = arith.constant 12 : i32
          %broadcast_in_dim3A_432 = vector.broadcast %broadcast_in_dim3A_431 : i32 to vector<16x1xi32>
          %gather3A_433 = vector.shape_cast %broadcast_in_dim3A_432 : vector<16x1xi32> to vector<16xi32>
          %gather3A_434 = tpu.dynamic_gather %get3A_186[%gather3A_433] in [0] : vector<16xi32>, vector<16xi32> -> vector<16xi32>
          %broadcast_in_dim3A_435 = arith.constant 12 : i32
          %broadcast_in_dim3A_436 = vector.broadcast %broadcast_in_dim3A_435 : i32 to vector<16x1xi32>
          %gather3A_437 = vector.shape_cast %broadcast_in_dim3A_436 : vector<16x1xi32> to vector<16xi32>
          %gather3A_438 = tpu.dynamic_gather %get3A_190[%gather3A_437] in [0] : vector<16xi32>, vector<16xi32> -> vector<16xi32>
          %add3A_439 = arith.addi %gather3A_434, %add3A_37 : vector<16xi32>
          %gather3A_440 = tpu.vector_load_idx %arg11[%add3A_439] : memref<65536xf32, #tpu.memory_space<vmem>>[vector<16xi32>], vector<16xf32>,
          %add3A_441 = arith.addi %gather3A_438, %add3A_37 : vector<16xi32>
          tpu.vector_store_idx %arg14[%add3A_441], %gather3A_440 {add = true} : memref<16448xf32, #tpu.memory_space<vmem>>[vector<16xi32>], vector<16xf32>,
          %add3A_442 = arith.addi %gather3A_434, %add3A_40 : vector<16xi32>
          %gather3A_443 = tpu.vector_load_idx %arg11[%add3A_442] : memref<65536xf32, #tpu.memory_space<vmem>>[vector<16xi32>], vector<16xf32>,
          %add3A_444 = arith.addi %gather3A_438, %add3A_40 : vector<16xi32>
          tpu.vector_store_idx %arg14[%add3A_444], %gather3A_443 {add = true} : memref<16448xf32, #tpu.memory_space<vmem>>[vector<16xi32>], vector<16xf32>,
          %add3A_445 = arith.addi %gather3A_434, %add3A_43 : vector<16xi32>
          %gather3A_446 = tpu.vector_load_idx %arg11[%add3A_445] : memref<65536xf32, #tpu.memory_space<vmem>>[vector<16xi32>], vector<16xf32>,
          %add3A_447 = arith.addi %gather3A_438, %add3A_43 : vector<16xi32>
          tpu.vector_store_idx %arg14[%add3A_447], %gather3A_446 {add = true} : memref<16448xf32, #tpu.memory_space<vmem>>[vector<16xi32>], vector<16xf32>,
          %add3A_448 = arith.addi %gather3A_434, %add3A_46 : vector<16xi32>
          %gather3A_449 = tpu.vector_load_idx %arg11[%add3A_448] : memref<65536xf32, #tpu.memory_space<vmem>>[vector<16xi32>], vector<16xf32>,
          %add3A_450 = arith.addi %gather3A_438, %add3A_46 : vector<16xi32>
          tpu.vector_store_idx %arg14[%add3A_450], %gather3A_449 {add = true} : memref<16448xf32, #tpu.memory_space<vmem>>[vector<16xi32>], vector<16xf32>,
          %broadcast_in_dim3A_451 = arith.constant 13 : i32
          %broadcast_in_dim3A_452 = vector.broadcast %broadcast_in_dim3A_451 : i32 to vector<16x1xi32>
          %gather3A_453 = vector.shape_cast %broadcast_in_dim3A_452 : vector<16x1xi32> to vector<16xi32>
          %gather3A_454 = tpu.dynamic_gather %get3A_186[%gather3A_453] in [0] : vector<16xi32>, vector<16xi32> -> vector<16xi32>
          %broadcast_in_dim3A_455 = arith.constant 13 : i32
          %broadcast_in_dim3A_456 = vector.broadcast %broadcast_in_dim3A_455 : i32 to vector<16x1xi32>
          %gather3A_457 = vector.shape_cast %broadcast_in_dim3A_456 : vector<16x1xi32> to vector<16xi32>
          %gather3A_458 = tpu.dynamic_gather %get3A_190[%gather3A_457] in [0] : vector<16xi32>, vector<16xi32> -> vector<16xi32>
          %add3A_459 = arith.addi %gather3A_454, %add3A_37 : vector<16xi32>
          %gather3A_460 = tpu.vector_load_idx %arg11[%add3A_459] : memref<65536xf32, #tpu.memory_space<vmem>>[vector<16xi32>], vector<16xf32>,
          %add3A_461 = arith.addi %gather3A_458, %add3A_37 : vector<16xi32>
          tpu.vector_store_idx %arg14[%add3A_461], %gather3A_460 {add = true} : memref<16448xf32, #tpu.memory_space<vmem>>[vector<16xi32>], vector<16xf32>,
          %add3A_462 = arith.addi %gather3A_454, %add3A_40 : vector<16xi32>
          %gather3A_463 = tpu.vector_load_idx %arg11[%add3A_462] : memref<65536xf32, #tpu.memory_space<vmem>>[vector<16xi32>], vector<16xf32>,
          %add3A_464 = arith.addi %gather3A_458, %add3A_40 : vector<16xi32>
          tpu.vector_store_idx %arg14[%add3A_464], %gather3A_463 {add = true} : memref<16448xf32, #tpu.memory_space<vmem>>[vector<16xi32>], vector<16xf32>,
          %add3A_465 = arith.addi %gather3A_454, %add3A_43 : vector<16xi32>
          %gather3A_466 = tpu.vector_load_idx %arg11[%add3A_465] : memref<65536xf32, #tpu.memory_space<vmem>>[vector<16xi32>], vector<16xf32>,
          %add3A_467 = arith.addi %gather3A_458, %add3A_43 : vector<16xi32>
          tpu.vector_store_idx %arg14[%add3A_467], %gather3A_466 {add = true} : memref<16448xf32, #tpu.memory_space<vmem>>[vector<16xi32>], vector<16xf32>,
          %add3A_468 = arith.addi %gather3A_454, %add3A_46 : vector<16xi32>
          %gather3A_469 = tpu.vector_load_idx %arg11[%add3A_468] : memref<65536xf32, #tpu.memory_space<vmem>>[vector<16xi32>], vector<16xf32>,
          %add3A_470 = arith.addi %gather3A_458, %add3A_46 : vector<16xi32>
          tpu.vector_store_idx %arg14[%add3A_470], %gather3A_469 {add = true} : memref<16448xf32, #tpu.memory_space<vmem>>[vector<16xi32>], vector<16xf32>,
          %broadcast_in_dim3A_471 = arith.constant 14 : i32
          %broadcast_in_dim3A_472 = vector.broadcast %broadcast_in_dim3A_471 : i32 to vector<16x1xi32>
          %gather3A_473 = vector.shape_cast %broadcast_in_dim3A_472 : vector<16x1xi32> to vector<16xi32>
          %gather3A_474 = tpu.dynamic_gather %get3A_186[%gather3A_473] in [0] : vector<16xi32>, vector<16xi32> -> vector<16xi32>
          %broadcast_in_dim3A_475 = arith.constant 14 : i32
          %broadcast_in_dim3A_476 = vector.broadcast %broadcast_in_dim3A_475 : i32 to vector<16x1xi32>
          %gather3A_477 = vector.shape_cast %broadcast_in_dim3A_476 : vector<16x1xi32> to vector<16xi32>
          %gather3A_478 = tpu.dynamic_gather %get3A_190[%gather3A_477] in [0] : vector<16xi32>, vector<16xi32> -> vector<16xi32>
          %add3A_479 = arith.addi %gather3A_474, %add3A_37 : vector<16xi32>
          %gather3A_480 = tpu.vector_load_idx %arg11[%add3A_479] : memref<65536xf32, #tpu.memory_space<vmem>>[vector<16xi32>], vector<16xf32>,
          %add3A_481 = arith.addi %gather3A_478, %add3A_37 : vector<16xi32>
          tpu.vector_store_idx %arg14[%add3A_481], %gather3A_480 {add = true} : memref<16448xf32, #tpu.memory_space<vmem>>[vector<16xi32>], vector<16xf32>,
          %add3A_482 = arith.addi %gather3A_474, %add3A_40 : vector<16xi32>
          %gather3A_483 = tpu.vector_load_idx %arg11[%add3A_482] : memref<65536xf32, #tpu.memory_space<vmem>>[vector<16xi32>], vector<16xf32>,
          %add3A_484 = arith.addi %gather3A_478, %add3A_40 : vector<16xi32>
          tpu.vector_store_idx %arg14[%add3A_484], %gather3A_483 {add = true} : memref<16448xf32, #tpu.memory_space<vmem>>[vector<16xi32>], vector<16xf32>,
          %add3A_485 = arith.addi %gather3A_474, %add3A_43 : vector<16xi32>
          %gather3A_486 = tpu.vector_load_idx %arg11[%add3A_485] : memref<65536xf32, #tpu.memory_space<vmem>>[vector<16xi32>], vector<16xf32>,
          %add3A_487 = arith.addi %gather3A_478, %add3A_43 : vector<16xi32>
          tpu.vector_store_idx %arg14[%add3A_487], %gather3A_486 {add = true} : memref<16448xf32, #tpu.memory_space<vmem>>[vector<16xi32>], vector<16xf32>,
          %add3A_488 = arith.addi %gather3A_474, %add3A_46 : vector<16xi32>
          %gather3A_489 = tpu.vector_load_idx %arg11[%add3A_488] : memref<65536xf32, #tpu.memory_space<vmem>>[vector<16xi32>], vector<16xf32>,
          %add3A_490 = arith.addi %gather3A_478, %add3A_46 : vector<16xi32>
          tpu.vector_store_idx %arg14[%add3A_490], %gather3A_489 {add = true} : memref<16448xf32, #tpu.memory_space<vmem>>[vector<16xi32>], vector<16xf32>,
          %broadcast_in_dim3A_491 = arith.constant 15 : i32
          %broadcast_in_dim3A_492 = vector.broadcast %broadcast_in_dim3A_491 : i32 to vector<16x1xi32>
          %gather3A_493 = vector.shape_cast %broadcast_in_dim3A_492 : vector<16x1xi32> to vector<16xi32>
          %gather3A_494 = tpu.dynamic_gather %get3A_186[%gather3A_493] in [0] : vector<16xi32>, vector<16xi32> -> vector<16xi32>
          %broadcast_in_dim3A_495 = arith.constant 15 : i32
          %broadcast_in_dim3A_496 = vector.broadcast %broadcast_in_dim3A_495 : i32 to vector<16x1xi32>
          %gather3A_497 = vector.shape_cast %broadcast_in_dim3A_496 : vector<16x1xi32> to vector<16xi32>
          %gather3A_498 = tpu.dynamic_gather %get3A_190[%gather3A_497] in [0] : vector<16xi32>, vector<16xi32> -> vector<16xi32>
          %add3A_499 = arith.addi %gather3A_494, %add3A_37 : vector<16xi32>
          %gather3A_500 = tpu.vector_load_idx %arg11[%add3A_499] : memref<65536xf32, #tpu.memory_space<vmem>>[vector<16xi32>], vector<16xf32>,
          %add3A_501 = arith.addi %gather3A_498, %add3A_37 : vector<16xi32>
          tpu.vector_store_idx %arg14[%add3A_501], %gather3A_500 {add = true} : memref<16448xf32, #tpu.memory_space<vmem>>[vector<16xi32>], vector<16xf32>,
          %add3A_502 = arith.addi %gather3A_494, %add3A_40 : vector<16xi32>
          %gather3A_503 = tpu.vector_load_idx %arg11[%add3A_502] : memref<65536xf32, #tpu.memory_space<vmem>>[vector<16xi32>], vector<16xf32>,
          %add3A_504 = arith.addi %gather3A_498, %add3A_40 : vector<16xi32>
          tpu.vector_store_idx %arg14[%add3A_504], %gather3A_503 {add = true} : memref<16448xf32, #tpu.memory_space<vmem>>[vector<16xi32>], vector<16xf32>,
          %add3A_505 = arith.addi %gather3A_494, %add3A_43 : vector<16xi32>
          %gather3A_506 = tpu.vector_load_idx %arg11[%add3A_505] : memref<65536xf32, #tpu.memory_space<vmem>>[vector<16xi32>], vector<16xf32>,
          %add3A_507 = arith.addi %gather3A_498, %add3A_43 : vector<16xi32>
          tpu.vector_store_idx %arg14[%add3A_507], %gather3A_506 {add = true} : memref<16448xf32, #tpu.memory_space<vmem>>[vector<16xi32>], vector<16xf32>,
          %add3A_508 = arith.addi %gather3A_494, %add3A_46 : vector<16xi32>
          %gather3A_509 = tpu.vector_load_idx %arg11[%add3A_508] : memref<65536xf32, #tpu.memory_space<vmem>>[vector<16xi32>], vector<16xf32>,
          %add3A_510 = arith.addi %gather3A_498, %add3A_46 : vector<16xi32>
          tpu.vector_store_idx %arg14[%add3A_510], %gather3A_509 {add = true} : memref<16448xf32, #tpu.memory_space<vmem>>[vector<16xi32>], vector<16xf32>,
          %while3A_511 = arith.constant 0 : i32
          scf.yield %while3A_511 : i32
        }
        %scan3A_181 = arith.constant 0 : i32
        scf.yield %scan3A_181 : i32
      }
      %scan3A_72 = arith.constant 16 : i32
      "tpu.region"() ({
        %run_scoped3A = tpu.sem_alloc : memref<!tpu.dma_semaphore, #tpu.memory_space<semaphore_mem>>
        %dma_start3A = arith.constant 0 : i32
        %dma_start3A_111 = tpu.memref_slice %arg14[%dma_start3A] : memref<16448xf32, #tpu.memory_space<vmem>> -> memref<16384xf32, #tpu.memory_space<vmem>>
        %dma_start3A_112 = arith.constant 0 : i32
        %dma_start3A_113 = tpu.memref_slice %arg15[%arg1, %dma_start3A_112] : memref<16x16384xf32, #tpu.memory_space<vmem_shared>> -> memref<1x16384xf32, #tpu.memory_space<vmem_shared>>
        %dma_start3A_114 = tpu.memref_squeeze %dma_start3A_113 : memref<1x16384xf32, #tpu.memory_space<vmem_shared>> -> memref<16384xf32, #tpu.memory_space<vmem_shared>>
        %dma_start3A_115 = arith.constant 0 : i32
        %dma_start3A_116 = tpu.memref_slice %arg15[%arg1, %dma_start3A_115] : memref<16x16384xf32, #tpu.memory_space<vmem_shared>> -> memref<1x16384xf32, #tpu.memory_space<vmem_shared>>
        %dma_start3A_117 = tpu.memref_squeeze %dma_start3A_116 : memref<1x16384xf32, #tpu.memory_space<vmem_shared>> -> memref<16384xf32, #tpu.memory_space<vmem_shared>>
        %dma_start3A_118 = arith.constant 0 : i32
        %dma_start3A_119 = tpu.memref_slice %arg14[%dma_start3A_118] : memref<16448xf32, #tpu.memory_space<vmem>> -> memref<16384xf32, #tpu.memory_space<vmem>>
        tpu.enqueue_dma source(%dma_start3A_119 : memref<16384xf32, #tpu.memory_space<vmem>>) target(%dma_start3A_117 : memref<16384xf32, #tpu.memory_space<vmem_shared>>) target_semaphore(%run_scoped3A : memref<!tpu.dma_semaphore, #tpu.memory_space<semaphore_mem>>)
        %dma_wait3A = arith.constant 0 : i32
        %dma_wait3A_120 = tpu.memref_slice %arg14[%dma_wait3A] : memref<16448xf32, #tpu.memory_space<vmem>> -> memref<16384xf32, #tpu.memory_space<vmem>>
        %dma_wait3A_121 = arith.constant 0 : i32
        %dma_wait3A_122 = tpu.memref_slice %arg15[%arg1, %dma_wait3A_121] : memref<16x16384xf32, #tpu.memory_space<vmem_shared>> -> memref<1x16384xf32, #tpu.memory_space<vmem_shared>>
        %dma_wait3A_123 = tpu.memref_squeeze %dma_wait3A_122 : memref<1x16384xf32, #tpu.memory_space<vmem_shared>> -> memref<16384xf32, #tpu.memory_space<vmem_shared>>
        %dma_wait3A_124 = arith.constant 0 : i32
        %dma_wait3A_125 = tpu.memref_slice %arg15[%arg1, %dma_wait3A_124] : memref<16x16384xf32, #tpu.memory_space<vmem_shared>> -> memref<1x16384xf32, #tpu.memory_space<vmem_shared>>
        %dma_wait3A_126 = tpu.memref_squeeze %dma_wait3A_125 : memref<1x16384xf32, #tpu.memory_space<vmem_shared>> -> memref<16384xf32, #tpu.memory_space<vmem_shared>>
        %dma_wait3A_127 = arith.constant 0 : i32
        %dma_wait3A_128 = tpu.memref_slice %arg14[%dma_wait3A_127] : memref<16448xf32, #tpu.memory_space<vmem>> -> memref<16384xf32, #tpu.memory_space<vmem>>
        tpu.wait_dma2 semaphore(%run_scoped3A : memref<!tpu.dma_semaphore, #tpu.memory_space<semaphore_mem>>) src(%dma_wait3A_128 : memref<16384xf32, #tpu.memory_space<vmem>>) dst(%dma_wait3A_126 : memref<16384xf32, #tpu.memory_space<vmem_shared>>)
        tpu.yield
      }) : () -> ()
      %barrier3A = arith.constant 0 : index
      tpu.barrier barrier_id(%barrier3A)
      %mul3A_73 = arith.constant 4 : i32
      %mul3A_74 = arith.muli %select_n3A, %mul3A_73 : i32
      %add3A_75 = arith.constant 0 : i32
      %add3A_76 = arith.addi %mul3A_74, %add3A_75 : i32
      %mul3A_77 = arith.constant 4096 : i32
      %mul3A_78 = arith.muli %select_n3A_28, %mul3A_77 : i32
      "tpu.region"() ({
        %run_scoped3A = tpu.sem_alloc : memref<!tpu.dma_semaphore, #tpu.memory_space<semaphore_mem>>
        %dma_start3A = arith.constant 0 : i32
        %dma_start3A_111 = tpu.memref_slice %arg14[%dma_start3A] : memref<16448xf32, #tpu.memory_space<vmem>> -> memref<4096xf32, #tpu.memory_space<vmem>>
        %dma_start3A_112 = tpu.memref_slice %arg15[%add3A_76, %mul3A_78] : memref<16x16384xf32, #tpu.memory_space<vmem_shared>> -> memref<1x4096xf32, #tpu.memory_space<vmem_shared>>
        %dma_start3A_113 = tpu.memref_squeeze %dma_start3A_112 : memref<1x4096xf32, #tpu.memory_space<vmem_shared>> -> memref<4096xf32, #tpu.memory_space<vmem_shared>>
        %dma_start3A_114 = arith.constant 0 : i32
        %dma_start3A_115 = tpu.memref_slice %arg14[%dma_start3A_114] : memref<16448xf32, #tpu.memory_space<vmem>> -> memref<4096xf32, #tpu.memory_space<vmem>>
        %dma_start3A_116 = tpu.memref_slice %arg15[%add3A_76, %mul3A_78] : memref<16x16384xf32, #tpu.memory_space<vmem_shared>> -> memref<1x4096xf32, #tpu.memory_space<vmem_shared>>
        %dma_start3A_117 = tpu.memref_squeeze %dma_start3A_116 : memref<1x4096xf32, #tpu.memory_space<vmem_shared>> -> memref<4096xf32, #tpu.memory_space<vmem_shared>>
        tpu.enqueue_dma source(%dma_start3A_117 : memref<4096xf32, #tpu.memory_space<vmem_shared>>) target(%dma_start3A_115 : memref<4096xf32, #tpu.memory_space<vmem>>) target_semaphore(%run_scoped3A : memref<!tpu.dma_semaphore, #tpu.memory_space<semaphore_mem>>)
        %dma_wait3A = arith.constant 0 : i32
        %dma_wait3A_118 = tpu.memref_slice %arg14[%dma_wait3A] : memref<16448xf32, #tpu.memory_space<vmem>> -> memref<4096xf32, #tpu.memory_space<vmem>>
        %dma_wait3A_119 = tpu.memref_slice %arg15[%add3A_76, %mul3A_78] : memref<16x16384xf32, #tpu.memory_space<vmem_shared>> -> memref<1x4096xf32, #tpu.memory_space<vmem_shared>>
        %dma_wait3A_120 = tpu.memref_squeeze %dma_wait3A_119 : memref<1x4096xf32, #tpu.memory_space<vmem_shared>> -> memref<4096xf32, #tpu.memory_space<vmem_shared>>
        %dma_wait3A_121 = arith.constant 0 : i32
        %dma_wait3A_122 = tpu.memref_slice %arg14[%dma_wait3A_121] : memref<16448xf32, #tpu.memory_space<vmem>> -> memref<4096xf32, #tpu.memory_space<vmem>>
        %dma_wait3A_123 = tpu.memref_slice %arg15[%add3A_76, %mul3A_78] : memref<16x16384xf32, #tpu.memory_space<vmem_shared>> -> memref<1x4096xf32, #tpu.memory_space<vmem_shared>>
        %dma_wait3A_124 = tpu.memref_squeeze %dma_wait3A_123 : memref<1x4096xf32, #tpu.memory_space<vmem_shared>> -> memref<4096xf32, #tpu.memory_space<vmem_shared>>
        tpu.wait_dma2 semaphore(%run_scoped3A : memref<!tpu.dma_semaphore, #tpu.memory_space<semaphore_mem>>) src(%dma_wait3A_124 : memref<4096xf32, #tpu.memory_space<vmem_shared>>) dst(%dma_wait3A_122 : memref<4096xf32, #tpu.memory_space<vmem>>)
        tpu.yield
      }) : () -> ()
      %mul3A_79 = arith.constant 4 : i32
      %mul3A_80 = arith.muli %select_n3A, %mul3A_79 : i32
      %add3A_81 = arith.constant 1 : i32
      %add3A_82 = arith.addi %mul3A_80, %add3A_81 : i32
      %mul3A_83 = arith.constant 4096 : i32
      %mul3A_84 = arith.muli %select_n3A_28, %mul3A_83 : i32
      "tpu.region"() ({
        %run_scoped3A = tpu.sem_alloc : memref<!tpu.dma_semaphore, #tpu.memory_space<semaphore_mem>>
        %dma_start3A = arith.constant 4096 : i32
        %dma_start3A_111 = tpu.memref_slice %arg14[%dma_start3A] : memref<16448xf32, #tpu.memory_space<vmem>> -> memref<4096xf32, #tpu.memory_space<vmem>>
        %dma_start3A_112 = tpu.memref_slice %arg15[%add3A_82, %mul3A_84] : memref<16x16384xf32, #tpu.memory_space<vmem_shared>> -> memref<1x4096xf32, #tpu.memory_space<vmem_shared>>
        %dma_start3A_113 = tpu.memref_squeeze %dma_start3A_112 : memref<1x4096xf32, #tpu.memory_space<vmem_shared>> -> memref<4096xf32, #tpu.memory_space<vmem_shared>>
        %dma_start3A_114 = arith.constant 4096 : i32
        %dma_start3A_115 = tpu.memref_slice %arg14[%dma_start3A_114] : memref<16448xf32, #tpu.memory_space<vmem>> -> memref<4096xf32, #tpu.memory_space<vmem>>
        %dma_start3A_116 = tpu.memref_slice %arg15[%add3A_82, %mul3A_84] : memref<16x16384xf32, #tpu.memory_space<vmem_shared>> -> memref<1x4096xf32, #tpu.memory_space<vmem_shared>>
        %dma_start3A_117 = tpu.memref_squeeze %dma_start3A_116 : memref<1x4096xf32, #tpu.memory_space<vmem_shared>> -> memref<4096xf32, #tpu.memory_space<vmem_shared>>
        tpu.enqueue_dma source(%dma_start3A_117 : memref<4096xf32, #tpu.memory_space<vmem_shared>>) target(%dma_start3A_115 : memref<4096xf32, #tpu.memory_space<vmem>>) target_semaphore(%run_scoped3A : memref<!tpu.dma_semaphore, #tpu.memory_space<semaphore_mem>>)
        %dma_wait3A = arith.constant 4096 : i32
        %dma_wait3A_118 = tpu.memref_slice %arg14[%dma_wait3A] : memref<16448xf32, #tpu.memory_space<vmem>> -> memref<4096xf32, #tpu.memory_space<vmem>>
        %dma_wait3A_119 = tpu.memref_slice %arg15[%add3A_82, %mul3A_84] : memref<16x16384xf32, #tpu.memory_space<vmem_shared>> -> memref<1x4096xf32, #tpu.memory_space<vmem_shared>>
        %dma_wait3A_120 = tpu.memref_squeeze %dma_wait3A_119 : memref<1x4096xf32, #tpu.memory_space<vmem_shared>> -> memref<4096xf32, #tpu.memory_space<vmem_shared>>
        %dma_wait3A_121 = arith.constant 4096 : i32
        %dma_wait3A_122 = tpu.memref_slice %arg14[%dma_wait3A_121] : memref<16448xf32, #tpu.memory_space<vmem>> -> memref<4096xf32, #tpu.memory_space<vmem>>
        %dma_wait3A_123 = tpu.memref_slice %arg15[%add3A_82, %mul3A_84] : memref<16x16384xf32, #tpu.memory_space<vmem_shared>> -> memref<1x4096xf32, #tpu.memory_space<vmem_shared>>
        %dma_wait3A_124 = tpu.memref_squeeze %dma_wait3A_123 : memref<1x4096xf32, #tpu.memory_space<vmem_shared>> -> memref<4096xf32, #tpu.memory_space<vmem_shared>>
        tpu.wait_dma2 semaphore(%run_scoped3A : memref<!tpu.dma_semaphore, #tpu.memory_space<semaphore_mem>>) src(%dma_wait3A_124 : memref<4096xf32, #tpu.memory_space<vmem_shared>>) dst(%dma_wait3A_122 : memref<4096xf32, #tpu.memory_space<vmem>>)
        tpu.yield
      }) : () -> ()
      %mul3A_85 = arith.constant 4 : i32
      %mul3A_86 = arith.muli %select_n3A, %mul3A_85 : i32
      %add3A_87 = arith.constant 2 : i32
      %add3A_88 = arith.addi %mul3A_86, %add3A_87 : i32
      %mul3A_89 = arith.constant 4096 : i32
      %mul3A_90 = arith.muli %select_n3A_28, %mul3A_89 : i32
      "tpu.region"() ({
        %run_scoped3A = tpu.sem_alloc : memref<!tpu.dma_semaphore, #tpu.memory_space<semaphore_mem>>
        %dma_start3A = arith.constant 8192 : i32
        %dma_start3A_111 = tpu.memref_slice %arg14[%dma_start3A] : memref<16448xf32, #tpu.memory_space<vmem>> -> memref<4096xf32, #tpu.memory_space<vmem>>
        %dma_start3A_112 = tpu.memref_slice %arg15[%add3A_88, %mul3A_90] : memref<16x16384xf32, #tpu.memory_space<vmem_shared>> -> memref<1x4096xf32, #tpu.memory_space<vmem_shared>>
        %dma_start3A_113 = tpu.memref_squeeze %dma_start3A_112 : memref<1x4096xf32, #tpu.memory_space<vmem_shared>> -> memref<4096xf32, #tpu.memory_space<vmem_shared>>
        %dma_start3A_114 = arith.constant 8192 : i32
        %dma_start3A_115 = tpu.memref_slice %arg14[%dma_start3A_114] : memref<16448xf32, #tpu.memory_space<vmem>> -> memref<4096xf32, #tpu.memory_space<vmem>>
        %dma_start3A_116 = tpu.memref_slice %arg15[%add3A_88, %mul3A_90] : memref<16x16384xf32, #tpu.memory_space<vmem_shared>> -> memref<1x4096xf32, #tpu.memory_space<vmem_shared>>
        %dma_start3A_117 = tpu.memref_squeeze %dma_start3A_116 : memref<1x4096xf32, #tpu.memory_space<vmem_shared>> -> memref<4096xf32, #tpu.memory_space<vmem_shared>>
        tpu.enqueue_dma source(%dma_start3A_117 : memref<4096xf32, #tpu.memory_space<vmem_shared>>) target(%dma_start3A_115 : memref<4096xf32, #tpu.memory_space<vmem>>) target_semaphore(%run_scoped3A : memref<!tpu.dma_semaphore, #tpu.memory_space<semaphore_mem>>)
        %dma_wait3A = arith.constant 8192 : i32
        %dma_wait3A_118 = tpu.memref_slice %arg14[%dma_wait3A] : memref<16448xf32, #tpu.memory_space<vmem>> -> memref<4096xf32, #tpu.memory_space<vmem>>
        %dma_wait3A_119 = tpu.memref_slice %arg15[%add3A_88, %mul3A_90] : memref<16x16384xf32, #tpu.memory_space<vmem_shared>> -> memref<1x4096xf32, #tpu.memory_space<vmem_shared>>
        %dma_wait3A_120 = tpu.memref_squeeze %dma_wait3A_119 : memref<1x4096xf32, #tpu.memory_space<vmem_shared>> -> memref<4096xf32, #tpu.memory_space<vmem_shared>>
        %dma_wait3A_121 = arith.constant 8192 : i32
        %dma_wait3A_122 = tpu.memref_slice %arg14[%dma_wait3A_121] : memref<16448xf32, #tpu.memory_space<vmem>> -> memref<4096xf32, #tpu.memory_space<vmem>>
        %dma_wait3A_123 = tpu.memref_slice %arg15[%add3A_88, %mul3A_90] : memref<16x16384xf32, #tpu.memory_space<vmem_shared>> -> memref<1x4096xf32, #tpu.memory_space<vmem_shared>>
        %dma_wait3A_124 = tpu.memref_squeeze %dma_wait3A_123 : memref<1x4096xf32, #tpu.memory_space<vmem_shared>> -> memref<4096xf32, #tpu.memory_space<vmem_shared>>
        tpu.wait_dma2 semaphore(%run_scoped3A : memref<!tpu.dma_semaphore, #tpu.memory_space<semaphore_mem>>) src(%dma_wait3A_124 : memref<4096xf32, #tpu.memory_space<vmem_shared>>) dst(%dma_wait3A_122 : memref<4096xf32, #tpu.memory_space<vmem>>)
        tpu.yield
      }) : () -> ()
      %mul3A_91 = arith.constant 4 : i32
      %mul3A_92 = arith.muli %select_n3A, %mul3A_91 : i32
      %add3A_93 = arith.constant 3 : i32
      %add3A_94 = arith.addi %mul3A_92, %add3A_93 : i32
      %mul3A_95 = arith.constant 4096 : i32
      %mul3A_96 = arith.muli %select_n3A_28, %mul3A_95 : i32
      "tpu.region"() ({
        %run_scoped3A = tpu.sem_alloc : memref<!tpu.dma_semaphore, #tpu.memory_space<semaphore_mem>>
        %dma_start3A = arith.constant 12288 : i32
        %dma_start3A_111 = tpu.memref_slice %arg14[%dma_start3A] : memref<16448xf32, #tpu.memory_space<vmem>> -> memref<4096xf32, #tpu.memory_space<vmem>>
        %dma_start3A_112 = tpu.memref_slice %arg15[%add3A_94, %mul3A_96] : memref<16x16384xf32, #tpu.memory_space<vmem_shared>> -> memref<1x4096xf32, #tpu.memory_space<vmem_shared>>
        %dma_start3A_113 = tpu.memref_squeeze %dma_start3A_112 : memref<1x4096xf32, #tpu.memory_space<vmem_shared>> -> memref<4096xf32, #tpu.memory_space<vmem_shared>>
        %dma_start3A_114 = arith.constant 12288 : i32
        %dma_start3A_115 = tpu.memref_slice %arg14[%dma_start3A_114] : memref<16448xf32, #tpu.memory_space<vmem>> -> memref<4096xf32, #tpu.memory_space<vmem>>
        %dma_start3A_116 = tpu.memref_slice %arg15[%add3A_94, %mul3A_96] : memref<16x16384xf32, #tpu.memory_space<vmem_shared>> -> memref<1x4096xf32, #tpu.memory_space<vmem_shared>>
        %dma_start3A_117 = tpu.memref_squeeze %dma_start3A_116 : memref<1x4096xf32, #tpu.memory_space<vmem_shared>> -> memref<4096xf32, #tpu.memory_space<vmem_shared>>
        tpu.enqueue_dma source(%dma_start3A_117 : memref<4096xf32, #tpu.memory_space<vmem_shared>>) target(%dma_start3A_115 : memref<4096xf32, #tpu.memory_space<vmem>>) target_semaphore(%run_scoped3A : memref<!tpu.dma_semaphore, #tpu.memory_space<semaphore_mem>>)
        %dma_wait3A = arith.constant 12288 : i32
        %dma_wait3A_118 = tpu.memref_slice %arg14[%dma_wait3A] : memref<16448xf32, #tpu.memory_space<vmem>> -> memref<4096xf32, #tpu.memory_space<vmem>>
        %dma_wait3A_119 = tpu.memref_slice %arg15[%add3A_94, %mul3A_96] : memref<16x16384xf32, #tpu.memory_space<vmem_shared>> -> memref<1x4096xf32, #tpu.memory_space<vmem_shared>>
        %dma_wait3A_120 = tpu.memref_squeeze %dma_wait3A_119 : memref<1x4096xf32, #tpu.memory_space<vmem_shared>> -> memref<4096xf32, #tpu.memory_space<vmem_shared>>
        %dma_wait3A_121 = arith.constant 12288 : i32
        %dma_wait3A_122 = tpu.memref_slice %arg14[%dma_wait3A_121] : memref<16448xf32, #tpu.memory_space<vmem>> -> memref<4096xf32, #tpu.memory_space<vmem>>
        %dma_wait3A_123 = tpu.memref_slice %arg15[%add3A_94, %mul3A_96] : memref<16x16384xf32, #tpu.memory_space<vmem_shared>> -> memref<1x4096xf32, #tpu.memory_space<vmem_shared>>
        %dma_wait3A_124 = tpu.memref_squeeze %dma_wait3A_123 : memref<1x4096xf32, #tpu.memory_space<vmem_shared>> -> memref<4096xf32, #tpu.memory_space<vmem_shared>>
        tpu.wait_dma2 semaphore(%run_scoped3A : memref<!tpu.dma_semaphore, #tpu.memory_space<semaphore_mem>>) src(%dma_wait3A_124 : memref<4096xf32, #tpu.memory_space<vmem_shared>>) dst(%dma_wait3A_122 : memref<4096xf32, #tpu.memory_space<vmem>>)
        tpu.yield
      }) : () -> ()
      %scan3A_97 = arith.constant 0 : i32
      %scan3A_98 = arith.constant 0 : i32
      %scan3A_99 = arith.constant 256 : i32
      %scan3A_100 = arith.addi %scan3A_98, %scan3A_99 : i32
      %scan3A_101 = arith.constant 1 : i32
      %scan3A_102 = scf.for %scan3A_111 = %scan3A_98 to %scan3A_100 step %scan3A_101 iter_args(%scan3A_112 = %scan3A_97) -> (i32)  : i32 {
        %mul3A_113 = arith.constant 16 : i32
        %mul3A_114 = arith.muli %scan3A_111, %mul3A_113 : i32
        %get3A = arith.index_cast %mul3A_114 : i32 to index
        %get3A_115 = tpu.vector_load %arg14[%get3A] {strides = array<i32>} : memref<16448xf32, #tpu.memory_space<vmem>>, vector<16xf32>,
        %mul3A_116 = arith.constant 16 : i32
        %mul3A_117 = arith.muli %scan3A_111, %mul3A_116 : i32
        %add3A_118 = arith.constant 4096 : i32
        %add3A_119 = arith.addi %add3A_118, %mul3A_117 : i32
        %get3A_120 = arith.index_cast %add3A_119 : i32 to index
        %get3A_121 = tpu.vector_load %arg14[%get3A_120] {strides = array<i32>} : memref<16448xf32, #tpu.memory_space<vmem>>, vector<16xf32>,
        %add3A_122 = arith.addf %get3A_115, %get3A_121 : vector<16xf32>
        %mul3A_123 = arith.constant 16 : i32
        %mul3A_124 = arith.muli %scan3A_111, %mul3A_123 : i32
        %add3A_125 = arith.constant 8192 : i32
        %add3A_126 = arith.addi %add3A_125, %mul3A_124 : i32
        %get3A_127 = arith.index_cast %add3A_126 : i32 to index
        %get3A_128 = tpu.vector_load %arg14[%get3A_127] {strides = array<i32>} : memref<16448xf32, #tpu.memory_space<vmem>>, vector<16xf32>,
        %add3A_129 = arith.addf %add3A_122, %get3A_128 : vector<16xf32>
        %mul3A_130 = arith.constant 16 : i32
        %mul3A_131 = arith.muli %scan3A_111, %mul3A_130 : i32
        %add3A_132 = arith.constant 12288 : i32
        %add3A_133 = arith.addi %add3A_132, %mul3A_131 : i32
        %get3A_134 = arith.index_cast %add3A_133 : i32 to index
        %get3A_135 = tpu.vector_load %arg14[%get3A_134] {strides = array<i32>} : memref<16448xf32, #tpu.memory_space<vmem>>, vector<16xf32>,
        %add3A_136 = arith.addf %add3A_129, %get3A_135 : vector<16xf32>
        %swap3A = arith.index_cast %mul3A_114 : i32 to index
        %swap3A_137 = tpu.vector_load %arg14[%swap3A] {strides = array<i32>} : memref<16448xf32, #tpu.memory_space<vmem>>, vector<16xf32>,
        tpu.vector_store %arg14[%swap3A], %add3A_136 {strides = array<i32>} : memref<16448xf32, #tpu.memory_space<vmem>>, vector<16xf32>,
        %scan3A_138 = arith.constant 0 : i32
        scf.yield %scan3A_138 : i32
      }
      %scan3A_103 = arith.constant 256 : i32
      %mul3A_104 = arith.constant 4 : i32
      %mul3A_105 = arith.muli %select_n3A_28, %mul3A_104 : i32
      %add3A_106 = arith.addi %add3A_65, %mul3A_105 : i32
      %mul3A_107 = arith.constant 1024 : i32
      %mul3A_108 = arith.muli %add3A_106, %mul3A_107 : i32
      "tpu.region"() ({
        %run_scoped3A = tpu.sem_alloc : memref<!tpu.dma_semaphore, #tpu.memory_space<semaphore_mem>>
        %dma_start3A = arith.constant 0 : i32
        %dma_start3A_111 = tpu.memref_slice %arg14[%dma_start3A] : memref<16448xf32, #tpu.memory_space<vmem>> -> memref<4096xf32, #tpu.memory_space<vmem>>
        %dma_start3A_112 = tpu.memref_slice %arg7[%mul3A_108] : memref<524288xf32, #tpu.memory_space<hbm>> -> memref<4096xf32, #tpu.memory_space<hbm>>
        %dma_start3A_113 = tpu.memref_slice %arg7[%mul3A_108] : memref<524288xf32, #tpu.memory_space<hbm>> -> memref<4096xf32, #tpu.memory_space<hbm>>
        %dma_start3A_114 = arith.constant 0 : i32
        %dma_start3A_115 = tpu.memref_slice %arg14[%dma_start3A_114] : memref<16448xf32, #tpu.memory_space<vmem>> -> memref<4096xf32, #tpu.memory_space<vmem>>
        tpu.enqueue_dma source(%dma_start3A_115 : memref<4096xf32, #tpu.memory_space<vmem>>) target(%dma_start3A_113 : memref<4096xf32, #tpu.memory_space<hbm>>) target_semaphore(%run_scoped3A : memref<!tpu.dma_semaphore, #tpu.memory_space<semaphore_mem>>)
        %dma_wait3A = arith.constant 0 : i32
        %dma_wait3A_116 = tpu.memref_slice %arg14[%dma_wait3A] : memref<16448xf32, #tpu.memory_space<vmem>> -> memref<4096xf32, #tpu.memory_space<vmem>>
        %dma_wait3A_117 = tpu.memref_slice %arg7[%mul3A_108] : memref<524288xf32, #tpu.memory_space<hbm>> -> memref<4096xf32, #tpu.memory_space<hbm>>
        %dma_wait3A_118 = tpu.memref_slice %arg7[%mul3A_108] : memref<524288xf32, #tpu.memory_space<hbm>> -> memref<4096xf32, #tpu.memory_space<hbm>>
        %dma_wait3A_119 = arith.constant 0 : i32
        %dma_wait3A_120 = tpu.memref_slice %arg14[%dma_wait3A_119] : memref<16448xf32, #tpu.memory_space<vmem>> -> memref<4096xf32, #tpu.memory_space<vmem>>
        tpu.wait_dma2 semaphore(%run_scoped3A : memref<!tpu.dma_semaphore, #tpu.memory_space<semaphore_mem>>) src(%dma_wait3A_120 : memref<4096xf32, #tpu.memory_space<vmem>>) dst(%dma_wait3A_118 : memref<4096xf32, #tpu.memory_space<hbm>>)
        tpu.yield
      }) : () -> ()
      %barrier3A_109 = arith.constant 0 : index
      tpu.barrier barrier_id(%barrier3A_109)
      %scan3A_110 = arith.constant 0 : i32
      scf.yield %scan3A_110 : i32
    }
    %scan3A_60 = arith.constant 4 : i32
    return
  }
}

module attributes {stable_mosaic.version = 14 : i64} {
  func.func @_tc_body(%arg0: i32, %arg1: memref<3x4096xf32, #tpu.memory_space<vmem>>, %arg2: memref<128x8xf32, #tpu.memory_space<vmem>>, %arg3: memref<4096x64xf32, #tpu.memory_space<vmem>>, %arg4: memref<128x16x64xf32, #tpu.memory_space<vmem>>) attributes {dimension_semantics = [#tpu.dimension_semantics<arbitrary>], iteration_bounds = array<i64: 28>, scalar_prefetch = 0 : i64, scratch_operands = 0 : i64, tpu.core_type = #tpu.core_type<tc>, window_params = [{pipeline_mode = #tpu.pipeline_mode<synchronous>, transform_indices = @transform_0, window_bounds = array<i64: 3, 4096>}, {transform_indices = @transform_1, window_bounds = array<i64: 128, 8>}, {pipeline_mode = #tpu.pipeline_mode<synchronous>, transform_indices = @transform_2, window_bounds = array<i64: 4096, 64>}, {transform_indices = @transform_3, window_bounds = array<i64: 128, 16, 64>}]} {
    %mul3A = arith.constant 128 : i32
    %mul3A_0 = arith.muli %arg0, %mul3A : i32
    %add3A = arith.constant 512 : i32
    %add3A_1 = arith.addi %add3A, %mul3A_0 : i32
    %get3A = arith.constant 0 : index
    %get3A_2 = arith.constant 0 : index
    %get3A_3 = vector.load %arg1[%get3A, %get3A_2] : memref<3x4096xf32, #tpu.memory_space<vmem>>, vector<3x4096xf32>
    %slice3A = vector.extract_strided_slice %get3A_3 {offsets = [0, 0], sizes = [1, 4096], strides = [1, 1]} : vector<3x4096xf32> to vector<1x4096xf32>
    %squeeze3A = vector.shape_cast %slice3A : vector<1x4096xf32> to vector<4096xf32>
    %broadcast_in_dim3A = vector.shape_cast %squeeze3A : vector<4096xf32> to vector<1x4096xf32>
    %slice3A_4 = vector.extract_strided_slice %get3A_3 {offsets = [1, 0], sizes = [1, 4096], strides = [1, 1]} : vector<3x4096xf32> to vector<1x4096xf32>
    %squeeze3A_5 = vector.shape_cast %slice3A_4 : vector<1x4096xf32> to vector<4096xf32>
    %broadcast_in_dim3A_6 = vector.shape_cast %squeeze3A_5 : vector<4096xf32> to vector<1x4096xf32>
    %slice3A_7 = vector.extract_strided_slice %get3A_3 {offsets = [2, 0], sizes = [1, 4096], strides = [1, 1]} : vector<3x4096xf32> to vector<1x4096xf32>
    %squeeze3A_8 = vector.shape_cast %slice3A_7 : vector<1x4096xf32> to vector<4096xf32>
    %broadcast_in_dim3A_9 = vector.shape_cast %squeeze3A_8 : vector<4096xf32> to vector<1x4096xf32>
    %get3A_10 = arith.constant 0 : index
    %get3A_11 = arith.constant 0 : index
    %get3A_12 = vector.load %arg2[%get3A_10, %get3A_11] : memref<128x8xf32, #tpu.memory_space<vmem>>, vector<128x8xf32>
    %slice3A_13 = vector.extract_strided_slice %get3A_12 {offsets = [0, 0], sizes = [128, 1], strides = [1, 1]} : vector<128x8xf32> to vector<128x1xf32>
    %sub3A = vector.broadcast %broadcast_in_dim3A : vector<1x4096xf32> to vector<128x4096xf32>
    %sub3A_14 = vector.broadcast %slice3A_13 : vector<128x1xf32> to vector<128x4096xf32>
    %sub3A_15 = arith.subf %sub3A, %sub3A_14 : vector<128x4096xf32>
    %slice3A_16 = vector.extract_strided_slice %get3A_12 {offsets = [0, 1], sizes = [128, 1], strides = [1, 1]} : vector<128x8xf32> to vector<128x1xf32>
    %sub3A_17 = vector.broadcast %broadcast_in_dim3A_6 : vector<1x4096xf32> to vector<128x4096xf32>
    %sub3A_18 = vector.broadcast %slice3A_16 : vector<128x1xf32> to vector<128x4096xf32>
    %sub3A_19 = arith.subf %sub3A_17, %sub3A_18 : vector<128x4096xf32>
    %slice3A_20 = vector.extract_strided_slice %get3A_12 {offsets = [0, 2], sizes = [128, 1], strides = [1, 1]} : vector<128x8xf32> to vector<128x1xf32>
    %sub3A_21 = vector.broadcast %broadcast_in_dim3A_9 : vector<1x4096xf32> to vector<128x4096xf32>
    %sub3A_22 = vector.broadcast %slice3A_20 : vector<128x1xf32> to vector<128x4096xf32>
    %sub3A_23 = arith.subf %sub3A_21, %sub3A_22 : vector<128x4096xf32>
    %mul3A_24 = arith.mulf %sub3A_15, %sub3A_15 : vector<128x4096xf32>
    %mul3A_25 = arith.mulf %sub3A_19, %sub3A_19 : vector<128x4096xf32>
    %add3A_26 = arith.addf %mul3A_24, %mul3A_25 : vector<128x4096xf32>
    %mul3A_27 = arith.mulf %sub3A_23, %sub3A_23 : vector<128x4096xf32>
    %add3A_28 = arith.addf %add3A_26, %mul3A_27 : vector<128x4096xf32>
    %add3A_29 = arith.constant 9.99999996E-13 : f32
    %add3A_30 = vector.broadcast %add3A_29 : f32 to vector<128x4096xf32>
    %add3A_31 = arith.addf %add3A_28, %add3A_30 : vector<128x4096xf32>
    %sqrt3A = math.sqrt %add3A_31 : vector<128x4096xf32>
    %ge3A = arith.constant 5.000000e-01 : f32
    %ge3A_32 = vector.broadcast %ge3A : f32 to vector<128x4096xf32>
    %ge3A_33 = arith.cmpf oge, %sqrt3A, %ge3A_32 : vector<128x4096xf32>
    %convert_element_type3A = arith.extui %ge3A_33 : vector<128x4096xi1> to vector<128x4096xi32>
    %gt3A = arith.constant 0.000000e+00 : f32
    %gt3A_34 = vector.broadcast %gt3A : f32 to vector<128x4096xf32>
    %gt3A_35 = arith.cmpf ogt, %sub3A_15, %gt3A_34 : vector<128x4096xf32>
    %convert_element_type3A_36 = arith.extui %gt3A_35 : vector<128x4096xi1> to vector<128x4096xi32>
    %mul3A_37 = arith.constant 4 : i32
    %mul3A_38 = vector.broadcast %mul3A_37 : i32 to vector<128x4096xi32>
    %mul3A_39 = arith.muli %mul3A_38, %convert_element_type3A_36 : vector<128x4096xi32>
    %gt3A_40 = arith.constant 0.000000e+00 : f32
    %gt3A_41 = vector.broadcast %gt3A_40 : f32 to vector<128x4096xf32>
    %gt3A_42 = arith.cmpf ogt, %sub3A_19, %gt3A_41 : vector<128x4096xf32>
    %convert_element_type3A_43 = arith.extui %gt3A_42 : vector<128x4096xi1> to vector<128x4096xi32>
    %mul3A_44 = arith.constant 2 : i32
    %mul3A_45 = vector.broadcast %mul3A_44 : i32 to vector<128x4096xi32>
    %mul3A_46 = arith.muli %mul3A_45, %convert_element_type3A_43 : vector<128x4096xi32>
    %add3A_47 = arith.addi %mul3A_39, %mul3A_46 : vector<128x4096xi32>
    %gt3A_48 = arith.constant 0.000000e+00 : f32
    %gt3A_49 = vector.broadcast %gt3A_48 : f32 to vector<128x4096xf32>
    %gt3A_50 = arith.cmpf ogt, %sub3A_23, %gt3A_49 : vector<128x4096xf32>
    %convert_element_type3A_51 = arith.extui %gt3A_50 : vector<128x4096xi1> to vector<128x4096xi32>
    %add3A_52 = arith.addi %add3A_47, %convert_element_type3A_51 : vector<128x4096xi32>
    %mul3A_53 = arith.constant 8 : i32
    %mul3A_54 = vector.broadcast %mul3A_53 : i32 to vector<128x4096xi32>
    %mul3A_55 = arith.muli %convert_element_type3A, %mul3A_54 : vector<128x4096xi32>
    %add3A_56 = arith.addi %mul3A_55, %add3A_52 : vector<128x4096xi32>
    %iota3A = tpu.iota {dimensions = array<i32: 1>} : vector<128x4096xi32>
    %iota3A_57 = tpu.iota {dimensions = array<i32: 0>} : vector<128x4096xi32>
    %add3A_58 = vector.broadcast %add3A_1 : i32 to vector<128x4096xi32>
    %add3A_59 = arith.addi %iota3A_57, %add3A_58 : vector<128x4096xi32>
    %le3A = arith.constant 1.000000e+00 : f32
    %le3A_60 = vector.broadcast %le3A : f32 to vector<128x4096xf32>
    %le3A_61 = arith.cmpf ole, %sqrt3A, %le3A_60 : vector<128x4096xf32>
    %ne3A = arith.cmpi ne, %iota3A, %add3A_59 : vector<128x4096xi32>
    %and3A = arith.andi %le3A_61, %ne3A : vector<128x4096xi1>
    %jit3A = arith.constant 16 : i32
    %broadcast_in_dim3A_62 = vector.broadcast %jit3A : i32 to vector<128x4096xi32>
    %select_n3A = arith.select %and3A, %add3A_56, %broadcast_in_dim3A_62 : vector<128x4096xi1>, vector<128x4096xi32>
    %get3A_63 = arith.constant 0 : index
    %get3A_64 = arith.constant 0 : index
    %get3A_65 = vector.load %arg3[%get3A_63, %get3A_64] : memref<4096x64xf32, #tpu.memory_space<vmem>>, vector<4096x64xf32>
    %eq3A = arith.constant 0 : i32
    %eq3A_66 = vector.broadcast %eq3A : i32 to vector<128x4096xi32>
    %eq3A_67 = arith.cmpi eq, %select_n3A, %eq3A_66 : vector<128x4096xi32>
    %convert_element_type3A_68 = arith.extui %eq3A_67 : vector<128x4096xi1> to vector<128x4096xi32>
    %convert_element_type3A_69 = arith.sitofp %convert_element_type3A_68 : vector<128x4096xi32> to vector<128x4096xf32>
    %dot_general3A = arith.constant dense<0.000000e+00> : vector<128x64xf32>
    %dot_general3A_70 = tpu.matmul %convert_element_type3A_69, %get3A_65, %dot_general3A {dimension_numbers = #tpu.dot_dimension_numbers<[1], [0], [0], [1], [0, 0, 1, 1], [], []>, transpose_lhs_hint = false} : vector<128x4096xf32>, vector<4096x64xf32>, vector<128x64xf32> -> vector<128x64xf32>
    %swap3A = arith.constant 0 : index
    %swap3A_71 = arith.constant 0 : index
    %swap3A_72 = arith.constant 0 : index
    %swap3A_73 = vector.load %arg4[%swap3A, %swap3A_71, %swap3A_72] : memref<128x16x64xf32, #tpu.memory_space<vmem>>, vector<128x1x64xf32>
    %swap3A_74 = vector.shape_cast %swap3A_73 : vector<128x1x64xf32> to vector<128x64xf32>
    %swap3A_75 = vector.shape_cast %dot_general3A_70 : vector<128x64xf32> to vector<128x1x64xf32>
    tpu.vector_store %arg4[%swap3A, %swap3A_71, %swap3A_72], %swap3A_75 {strides = array<i32>} : memref<128x16x64xf32, #tpu.memory_space<vmem>>, vector<128x1x64xf32>,
    %eq3A_76 = arith.constant 1 : i32
    %eq3A_77 = vector.broadcast %eq3A_76 : i32 to vector<128x4096xi32>
    %eq3A_78 = arith.cmpi eq, %select_n3A, %eq3A_77 : vector<128x4096xi32>
    %convert_element_type3A_79 = arith.extui %eq3A_78 : vector<128x4096xi1> to vector<128x4096xi32>
    %convert_element_type3A_80 = arith.sitofp %convert_element_type3A_79 : vector<128x4096xi32> to vector<128x4096xf32>
    %dot_general3A_81 = arith.constant dense<0.000000e+00> : vector<128x64xf32>
    %dot_general3A_82 = tpu.matmul %convert_element_type3A_80, %get3A_65, %dot_general3A_81 {dimension_numbers = #tpu.dot_dimension_numbers<[1], [0], [0], [1], [0, 0, 1, 1], [], []>, transpose_lhs_hint = false} : vector<128x4096xf32>, vector<4096x64xf32>, vector<128x64xf32> -> vector<128x64xf32>
    %swap3A_83 = arith.constant 0 : index
    %swap3A_84 = arith.constant 1 : index
    %swap3A_85 = arith.constant 0 : index
    %swap3A_86 = vector.load %arg4[%swap3A_83, %swap3A_84, %swap3A_85] : memref<128x16x64xf32, #tpu.memory_space<vmem>>, vector<128x1x64xf32>
    %swap3A_87 = vector.shape_cast %swap3A_86 : vector<128x1x64xf32> to vector<128x64xf32>
    %swap3A_88 = vector.shape_cast %dot_general3A_82 : vector<128x64xf32> to vector<128x1x64xf32>
    tpu.vector_store %arg4[%swap3A_83, %swap3A_84, %swap3A_85], %swap3A_88 {strides = array<i32>} : memref<128x16x64xf32, #tpu.memory_space<vmem>>, vector<128x1x64xf32>,
    %eq3A_89 = arith.constant 2 : i32
    %eq3A_90 = vector.broadcast %eq3A_89 : i32 to vector<128x4096xi32>
    %eq3A_91 = arith.cmpi eq, %select_n3A, %eq3A_90 : vector<128x4096xi32>
    %convert_element_type3A_92 = arith.extui %eq3A_91 : vector<128x4096xi1> to vector<128x4096xi32>
    %convert_element_type3A_93 = arith.sitofp %convert_element_type3A_92 : vector<128x4096xi32> to vector<128x4096xf32>
    %dot_general3A_94 = arith.constant dense<0.000000e+00> : vector<128x64xf32>
    %dot_general3A_95 = tpu.matmul %convert_element_type3A_93, %get3A_65, %dot_general3A_94 {dimension_numbers = #tpu.dot_dimension_numbers<[1], [0], [0], [1], [0, 0, 1, 1], [], []>, transpose_lhs_hint = false} : vector<128x4096xf32>, vector<4096x64xf32>, vector<128x64xf32> -> vector<128x64xf32>
    %swap3A_96 = arith.constant 0 : index
    %swap3A_97 = arith.constant 2 : index
    %swap3A_98 = arith.constant 0 : index
    %swap3A_99 = vector.load %arg4[%swap3A_96, %swap3A_97, %swap3A_98] : memref<128x16x64xf32, #tpu.memory_space<vmem>>, vector<128x1x64xf32>
    %swap3A_100 = vector.shape_cast %swap3A_99 : vector<128x1x64xf32> to vector<128x64xf32>
    %swap3A_101 = vector.shape_cast %dot_general3A_95 : vector<128x64xf32> to vector<128x1x64xf32>
    tpu.vector_store %arg4[%swap3A_96, %swap3A_97, %swap3A_98], %swap3A_101 {strides = array<i32>} : memref<128x16x64xf32, #tpu.memory_space<vmem>>, vector<128x1x64xf32>,
    %eq3A_102 = arith.constant 3 : i32
    %eq3A_103 = vector.broadcast %eq3A_102 : i32 to vector<128x4096xi32>
    %eq3A_104 = arith.cmpi eq, %select_n3A, %eq3A_103 : vector<128x4096xi32>
    %convert_element_type3A_105 = arith.extui %eq3A_104 : vector<128x4096xi1> to vector<128x4096xi32>
    %convert_element_type3A_106 = arith.sitofp %convert_element_type3A_105 : vector<128x4096xi32> to vector<128x4096xf32>
    %dot_general3A_107 = arith.constant dense<0.000000e+00> : vector<128x64xf32>
    %dot_general3A_108 = tpu.matmul %convert_element_type3A_106, %get3A_65, %dot_general3A_107 {dimension_numbers = #tpu.dot_dimension_numbers<[1], [0], [0], [1], [0, 0, 1, 1], [], []>, transpose_lhs_hint = false} : vector<128x4096xf32>, vector<4096x64xf32>, vector<128x64xf32> -> vector<128x64xf32>
    %swap3A_109 = arith.constant 0 : index
    %swap3A_110 = arith.constant 3 : index
    %swap3A_111 = arith.constant 0 : index
    %swap3A_112 = vector.load %arg4[%swap3A_109, %swap3A_110, %swap3A_111] : memref<128x16x64xf32, #tpu.memory_space<vmem>>, vector<128x1x64xf32>
    %swap3A_113 = vector.shape_cast %swap3A_112 : vector<128x1x64xf32> to vector<128x64xf32>
    %swap3A_114 = vector.shape_cast %dot_general3A_108 : vector<128x64xf32> to vector<128x1x64xf32>
    tpu.vector_store %arg4[%swap3A_109, %swap3A_110, %swap3A_111], %swap3A_114 {strides = array<i32>} : memref<128x16x64xf32, #tpu.memory_space<vmem>>, vector<128x1x64xf32>,
    %eq3A_115 = arith.constant 4 : i32
    %eq3A_116 = vector.broadcast %eq3A_115 : i32 to vector<128x4096xi32>
    %eq3A_117 = arith.cmpi eq, %select_n3A, %eq3A_116 : vector<128x4096xi32>
    %convert_element_type3A_118 = arith.extui %eq3A_117 : vector<128x4096xi1> to vector<128x4096xi32>
    %convert_element_type3A_119 = arith.sitofp %convert_element_type3A_118 : vector<128x4096xi32> to vector<128x4096xf32>
    %dot_general3A_120 = arith.constant dense<0.000000e+00> : vector<128x64xf32>
    %dot_general3A_121 = tpu.matmul %convert_element_type3A_119, %get3A_65, %dot_general3A_120 {dimension_numbers = #tpu.dot_dimension_numbers<[1], [0], [0], [1], [0, 0, 1, 1], [], []>, transpose_lhs_hint = false} : vector<128x4096xf32>, vector<4096x64xf32>, vector<128x64xf32> -> vector<128x64xf32>
    %swap3A_122 = arith.constant 0 : index
    %swap3A_123 = arith.constant 4 : index
    %swap3A_124 = arith.constant 0 : index
    %swap3A_125 = vector.load %arg4[%swap3A_122, %swap3A_123, %swap3A_124] : memref<128x16x64xf32, #tpu.memory_space<vmem>>, vector<128x1x64xf32>
    %swap3A_126 = vector.shape_cast %swap3A_125 : vector<128x1x64xf32> to vector<128x64xf32>
    %swap3A_127 = vector.shape_cast %dot_general3A_121 : vector<128x64xf32> to vector<128x1x64xf32>
    tpu.vector_store %arg4[%swap3A_122, %swap3A_123, %swap3A_124], %swap3A_127 {strides = array<i32>} : memref<128x16x64xf32, #tpu.memory_space<vmem>>, vector<128x1x64xf32>,
    %eq3A_128 = arith.constant 5 : i32
    %eq3A_129 = vector.broadcast %eq3A_128 : i32 to vector<128x4096xi32>
    %eq3A_130 = arith.cmpi eq, %select_n3A, %eq3A_129 : vector<128x4096xi32>
    %convert_element_type3A_131 = arith.extui %eq3A_130 : vector<128x4096xi1> to vector<128x4096xi32>
    %convert_element_type3A_132 = arith.sitofp %convert_element_type3A_131 : vector<128x4096xi32> to vector<128x4096xf32>
    %dot_general3A_133 = arith.constant dense<0.000000e+00> : vector<128x64xf32>
    %dot_general3A_134 = tpu.matmul %convert_element_type3A_132, %get3A_65, %dot_general3A_133 {dimension_numbers = #tpu.dot_dimension_numbers<[1], [0], [0], [1], [0, 0, 1, 1], [], []>, transpose_lhs_hint = false} : vector<128x4096xf32>, vector<4096x64xf32>, vector<128x64xf32> -> vector<128x64xf32>
    %swap3A_135 = arith.constant 0 : index
    %swap3A_136 = arith.constant 5 : index
    %swap3A_137 = arith.constant 0 : index
    %swap3A_138 = vector.load %arg4[%swap3A_135, %swap3A_136, %swap3A_137] : memref<128x16x64xf32, #tpu.memory_space<vmem>>, vector<128x1x64xf32>
    %swap3A_139 = vector.shape_cast %swap3A_138 : vector<128x1x64xf32> to vector<128x64xf32>
    %swap3A_140 = vector.shape_cast %dot_general3A_134 : vector<128x64xf32> to vector<128x1x64xf32>
    tpu.vector_store %arg4[%swap3A_135, %swap3A_136, %swap3A_137], %swap3A_140 {strides = array<i32>} : memref<128x16x64xf32, #tpu.memory_space<vmem>>, vector<128x1x64xf32>,
    %eq3A_141 = arith.constant 6 : i32
    %eq3A_142 = vector.broadcast %eq3A_141 : i32 to vector<128x4096xi32>
    %eq3A_143 = arith.cmpi eq, %select_n3A, %eq3A_142 : vector<128x4096xi32>
    %convert_element_type3A_144 = arith.extui %eq3A_143 : vector<128x4096xi1> to vector<128x4096xi32>
    %convert_element_type3A_145 = arith.sitofp %convert_element_type3A_144 : vector<128x4096xi32> to vector<128x4096xf32>
    %dot_general3A_146 = arith.constant dense<0.000000e+00> : vector<128x64xf32>
    %dot_general3A_147 = tpu.matmul %convert_element_type3A_145, %get3A_65, %dot_general3A_146 {dimension_numbers = #tpu.dot_dimension_numbers<[1], [0], [0], [1], [0, 0, 1, 1], [], []>, transpose_lhs_hint = false} : vector<128x4096xf32>, vector<4096x64xf32>, vector<128x64xf32> -> vector<128x64xf32>
    %swap3A_148 = arith.constant 0 : index
    %swap3A_149 = arith.constant 6 : index
    %swap3A_150 = arith.constant 0 : index
    %swap3A_151 = vector.load %arg4[%swap3A_148, %swap3A_149, %swap3A_150] : memref<128x16x64xf32, #tpu.memory_space<vmem>>, vector<128x1x64xf32>
    %swap3A_152 = vector.shape_cast %swap3A_151 : vector<128x1x64xf32> to vector<128x64xf32>
    %swap3A_153 = vector.shape_cast %dot_general3A_147 : vector<128x64xf32> to vector<128x1x64xf32>
    tpu.vector_store %arg4[%swap3A_148, %swap3A_149, %swap3A_150], %swap3A_153 {strides = array<i32>} : memref<128x16x64xf32, #tpu.memory_space<vmem>>, vector<128x1x64xf32>,
    %eq3A_154 = arith.constant 7 : i32
    %eq3A_155 = vector.broadcast %eq3A_154 : i32 to vector<128x4096xi32>
    %eq3A_156 = arith.cmpi eq, %select_n3A, %eq3A_155 : vector<128x4096xi32>
    %convert_element_type3A_157 = arith.extui %eq3A_156 : vector<128x4096xi1> to vector<128x4096xi32>
    %convert_element_type3A_158 = arith.sitofp %convert_element_type3A_157 : vector<128x4096xi32> to vector<128x4096xf32>
    %dot_general3A_159 = arith.constant dense<0.000000e+00> : vector<128x64xf32>
    %dot_general3A_160 = tpu.matmul %convert_element_type3A_158, %get3A_65, %dot_general3A_159 {dimension_numbers = #tpu.dot_dimension_numbers<[1], [0], [0], [1], [0, 0, 1, 1], [], []>, transpose_lhs_hint = false} : vector<128x4096xf32>, vector<4096x64xf32>, vector<128x64xf32> -> vector<128x64xf32>
    %swap3A_161 = arith.constant 0 : index
    %swap3A_162 = arith.constant 7 : index
    %swap3A_163 = arith.constant 0 : index
    %swap3A_164 = vector.load %arg4[%swap3A_161, %swap3A_162, %swap3A_163] : memref<128x16x64xf32, #tpu.memory_space<vmem>>, vector<128x1x64xf32>
    %swap3A_165 = vector.shape_cast %swap3A_164 : vector<128x1x64xf32> to vector<128x64xf32>
    %swap3A_166 = vector.shape_cast %dot_general3A_160 : vector<128x64xf32> to vector<128x1x64xf32>
    tpu.vector_store %arg4[%swap3A_161, %swap3A_162, %swap3A_163], %swap3A_166 {strides = array<i32>} : memref<128x16x64xf32, #tpu.memory_space<vmem>>, vector<128x1x64xf32>,
    %eq3A_167 = arith.constant 8 : i32
    %eq3A_168 = vector.broadcast %eq3A_167 : i32 to vector<128x4096xi32>
    %eq3A_169 = arith.cmpi eq, %select_n3A, %eq3A_168 : vector<128x4096xi32>
    %convert_element_type3A_170 = arith.extui %eq3A_169 : vector<128x4096xi1> to vector<128x4096xi32>
    %convert_element_type3A_171 = arith.sitofp %convert_element_type3A_170 : vector<128x4096xi32> to vector<128x4096xf32>
    %dot_general3A_172 = arith.constant dense<0.000000e+00> : vector<128x64xf32>
    %dot_general3A_173 = tpu.matmul %convert_element_type3A_171, %get3A_65, %dot_general3A_172 {dimension_numbers = #tpu.dot_dimension_numbers<[1], [0], [0], [1], [0, 0, 1, 1], [], []>, transpose_lhs_hint = false} : vector<128x4096xf32>, vector<4096x64xf32>, vector<128x64xf32> -> vector<128x64xf32>
    %swap3A_174 = arith.constant 0 : index
    %swap3A_175 = arith.constant 8 : index
    %swap3A_176 = arith.constant 0 : index
    %swap3A_177 = vector.load %arg4[%swap3A_174, %swap3A_175, %swap3A_176] : memref<128x16x64xf32, #tpu.memory_space<vmem>>, vector<128x1x64xf32>
    %swap3A_178 = vector.shape_cast %swap3A_177 : vector<128x1x64xf32> to vector<128x64xf32>
    %swap3A_179 = vector.shape_cast %dot_general3A_173 : vector<128x64xf32> to vector<128x1x64xf32>
    tpu.vector_store %arg4[%swap3A_174, %swap3A_175, %swap3A_176], %swap3A_179 {strides = array<i32>} : memref<128x16x64xf32, #tpu.memory_space<vmem>>, vector<128x1x64xf32>,
    %eq3A_180 = arith.constant 9 : i32
    %eq3A_181 = vector.broadcast %eq3A_180 : i32 to vector<128x4096xi32>
    %eq3A_182 = arith.cmpi eq, %select_n3A, %eq3A_181 : vector<128x4096xi32>
    %convert_element_type3A_183 = arith.extui %eq3A_182 : vector<128x4096xi1> to vector<128x4096xi32>
    %convert_element_type3A_184 = arith.sitofp %convert_element_type3A_183 : vector<128x4096xi32> to vector<128x4096xf32>
    %dot_general3A_185 = arith.constant dense<0.000000e+00> : vector<128x64xf32>
    %dot_general3A_186 = tpu.matmul %convert_element_type3A_184, %get3A_65, %dot_general3A_185 {dimension_numbers = #tpu.dot_dimension_numbers<[1], [0], [0], [1], [0, 0, 1, 1], [], []>, transpose_lhs_hint = false} : vector<128x4096xf32>, vector<4096x64xf32>, vector<128x64xf32> -> vector<128x64xf32>
    %swap3A_187 = arith.constant 0 : index
    %swap3A_188 = arith.constant 9 : index
    %swap3A_189 = arith.constant 0 : index
    %swap3A_190 = vector.load %arg4[%swap3A_187, %swap3A_188, %swap3A_189] : memref<128x16x64xf32, #tpu.memory_space<vmem>>, vector<128x1x64xf32>
    %swap3A_191 = vector.shape_cast %swap3A_190 : vector<128x1x64xf32> to vector<128x64xf32>
    %swap3A_192 = vector.shape_cast %dot_general3A_186 : vector<128x64xf32> to vector<128x1x64xf32>
    tpu.vector_store %arg4[%swap3A_187, %swap3A_188, %swap3A_189], %swap3A_192 {strides = array<i32>} : memref<128x16x64xf32, #tpu.memory_space<vmem>>, vector<128x1x64xf32>,
    %eq3A_193 = arith.constant 10 : i32
    %eq3A_194 = vector.broadcast %eq3A_193 : i32 to vector<128x4096xi32>
    %eq3A_195 = arith.cmpi eq, %select_n3A, %eq3A_194 : vector<128x4096xi32>
    %convert_element_type3A_196 = arith.extui %eq3A_195 : vector<128x4096xi1> to vector<128x4096xi32>
    %convert_element_type3A_197 = arith.sitofp %convert_element_type3A_196 : vector<128x4096xi32> to vector<128x4096xf32>
    %dot_general3A_198 = arith.constant dense<0.000000e+00> : vector<128x64xf32>
    %dot_general3A_199 = tpu.matmul %convert_element_type3A_197, %get3A_65, %dot_general3A_198 {dimension_numbers = #tpu.dot_dimension_numbers<[1], [0], [0], [1], [0, 0, 1, 1], [], []>, transpose_lhs_hint = false} : vector<128x4096xf32>, vector<4096x64xf32>, vector<128x64xf32> -> vector<128x64xf32>
    %swap3A_200 = arith.constant 0 : index
    %swap3A_201 = arith.constant 10 : index
    %swap3A_202 = arith.constant 0 : index
    %swap3A_203 = vector.load %arg4[%swap3A_200, %swap3A_201, %swap3A_202] : memref<128x16x64xf32, #tpu.memory_space<vmem>>, vector<128x1x64xf32>
    %swap3A_204 = vector.shape_cast %swap3A_203 : vector<128x1x64xf32> to vector<128x64xf32>
    %swap3A_205 = vector.shape_cast %dot_general3A_199 : vector<128x64xf32> to vector<128x1x64xf32>
    tpu.vector_store %arg4[%swap3A_200, %swap3A_201, %swap3A_202], %swap3A_205 {strides = array<i32>} : memref<128x16x64xf32, #tpu.memory_space<vmem>>, vector<128x1x64xf32>,
    %eq3A_206 = arith.constant 11 : i32
    %eq3A_207 = vector.broadcast %eq3A_206 : i32 to vector<128x4096xi32>
    %eq3A_208 = arith.cmpi eq, %select_n3A, %eq3A_207 : vector<128x4096xi32>
    %convert_element_type3A_209 = arith.extui %eq3A_208 : vector<128x4096xi1> to vector<128x4096xi32>
    %convert_element_type3A_210 = arith.sitofp %convert_element_type3A_209 : vector<128x4096xi32> to vector<128x4096xf32>
    %dot_general3A_211 = arith.constant dense<0.000000e+00> : vector<128x64xf32>
    %dot_general3A_212 = tpu.matmul %convert_element_type3A_210, %get3A_65, %dot_general3A_211 {dimension_numbers = #tpu.dot_dimension_numbers<[1], [0], [0], [1], [0, 0, 1, 1], [], []>, transpose_lhs_hint = false} : vector<128x4096xf32>, vector<4096x64xf32>, vector<128x64xf32> -> vector<128x64xf32>
    %swap3A_213 = arith.constant 0 : index
    %swap3A_214 = arith.constant 11 : index
    %swap3A_215 = arith.constant 0 : index
    %swap3A_216 = vector.load %arg4[%swap3A_213, %swap3A_214, %swap3A_215] : memref<128x16x64xf32, #tpu.memory_space<vmem>>, vector<128x1x64xf32>
    %swap3A_217 = vector.shape_cast %swap3A_216 : vector<128x1x64xf32> to vector<128x64xf32>
    %swap3A_218 = vector.shape_cast %dot_general3A_212 : vector<128x64xf32> to vector<128x1x64xf32>
    tpu.vector_store %arg4[%swap3A_213, %swap3A_214, %swap3A_215], %swap3A_218 {strides = array<i32>} : memref<128x16x64xf32, #tpu.memory_space<vmem>>, vector<128x1x64xf32>,
    %eq3A_219 = arith.constant 12 : i32
    %eq3A_220 = vector.broadcast %eq3A_219 : i32 to vector<128x4096xi32>
    %eq3A_221 = arith.cmpi eq, %select_n3A, %eq3A_220 : vector<128x4096xi32>
    %convert_element_type3A_222 = arith.extui %eq3A_221 : vector<128x4096xi1> to vector<128x4096xi32>
    %convert_element_type3A_223 = arith.sitofp %convert_element_type3A_222 : vector<128x4096xi32> to vector<128x4096xf32>
    %dot_general3A_224 = arith.constant dense<0.000000e+00> : vector<128x64xf32>
    %dot_general3A_225 = tpu.matmul %convert_element_type3A_223, %get3A_65, %dot_general3A_224 {dimension_numbers = #tpu.dot_dimension_numbers<[1], [0], [0], [1], [0, 0, 1, 1], [], []>, transpose_lhs_hint = false} : vector<128x4096xf32>, vector<4096x64xf32>, vector<128x64xf32> -> vector<128x64xf32>
    %swap3A_226 = arith.constant 0 : index
    %swap3A_227 = arith.constant 12 : index
    %swap3A_228 = arith.constant 0 : index
    %swap3A_229 = vector.load %arg4[%swap3A_226, %swap3A_227, %swap3A_228] : memref<128x16x64xf32, #tpu.memory_space<vmem>>, vector<128x1x64xf32>
    %swap3A_230 = vector.shape_cast %swap3A_229 : vector<128x1x64xf32> to vector<128x64xf32>
    %swap3A_231 = vector.shape_cast %dot_general3A_225 : vector<128x64xf32> to vector<128x1x64xf32>
    tpu.vector_store %arg4[%swap3A_226, %swap3A_227, %swap3A_228], %swap3A_231 {strides = array<i32>} : memref<128x16x64xf32, #tpu.memory_space<vmem>>, vector<128x1x64xf32>,
    %eq3A_232 = arith.constant 13 : i32
    %eq3A_233 = vector.broadcast %eq3A_232 : i32 to vector<128x4096xi32>
    %eq3A_234 = arith.cmpi eq, %select_n3A, %eq3A_233 : vector<128x4096xi32>
    %convert_element_type3A_235 = arith.extui %eq3A_234 : vector<128x4096xi1> to vector<128x4096xi32>
    %convert_element_type3A_236 = arith.sitofp %convert_element_type3A_235 : vector<128x4096xi32> to vector<128x4096xf32>
    %dot_general3A_237 = arith.constant dense<0.000000e+00> : vector<128x64xf32>
    %dot_general3A_238 = tpu.matmul %convert_element_type3A_236, %get3A_65, %dot_general3A_237 {dimension_numbers = #tpu.dot_dimension_numbers<[1], [0], [0], [1], [0, 0, 1, 1], [], []>, transpose_lhs_hint = false} : vector<128x4096xf32>, vector<4096x64xf32>, vector<128x64xf32> -> vector<128x64xf32>
    %swap3A_239 = arith.constant 0 : index
    %swap3A_240 = arith.constant 13 : index
    %swap3A_241 = arith.constant 0 : index
    %swap3A_242 = vector.load %arg4[%swap3A_239, %swap3A_240, %swap3A_241] : memref<128x16x64xf32, #tpu.memory_space<vmem>>, vector<128x1x64xf32>
    %swap3A_243 = vector.shape_cast %swap3A_242 : vector<128x1x64xf32> to vector<128x64xf32>
    %swap3A_244 = vector.shape_cast %dot_general3A_238 : vector<128x64xf32> to vector<128x1x64xf32>
    tpu.vector_store %arg4[%swap3A_239, %swap3A_240, %swap3A_241], %swap3A_244 {strides = array<i32>} : memref<128x16x64xf32, #tpu.memory_space<vmem>>, vector<128x1x64xf32>,
    %eq3A_245 = arith.constant 14 : i32
    %eq3A_246 = vector.broadcast %eq3A_245 : i32 to vector<128x4096xi32>
    %eq3A_247 = arith.cmpi eq, %select_n3A, %eq3A_246 : vector<128x4096xi32>
    %convert_element_type3A_248 = arith.extui %eq3A_247 : vector<128x4096xi1> to vector<128x4096xi32>
    %convert_element_type3A_249 = arith.sitofp %convert_element_type3A_248 : vector<128x4096xi32> to vector<128x4096xf32>
    %dot_general3A_250 = arith.constant dense<0.000000e+00> : vector<128x64xf32>
    %dot_general3A_251 = tpu.matmul %convert_element_type3A_249, %get3A_65, %dot_general3A_250 {dimension_numbers = #tpu.dot_dimension_numbers<[1], [0], [0], [1], [0, 0, 1, 1], [], []>, transpose_lhs_hint = false} : vector<128x4096xf32>, vector<4096x64xf32>, vector<128x64xf32> -> vector<128x64xf32>
    %swap3A_252 = arith.constant 0 : index
    %swap3A_253 = arith.constant 14 : index
    %swap3A_254 = arith.constant 0 : index
    %swap3A_255 = vector.load %arg4[%swap3A_252, %swap3A_253, %swap3A_254] : memref<128x16x64xf32, #tpu.memory_space<vmem>>, vector<128x1x64xf32>
    %swap3A_256 = vector.shape_cast %swap3A_255 : vector<128x1x64xf32> to vector<128x64xf32>
    %swap3A_257 = vector.shape_cast %dot_general3A_251 : vector<128x64xf32> to vector<128x1x64xf32>
    tpu.vector_store %arg4[%swap3A_252, %swap3A_253, %swap3A_254], %swap3A_257 {strides = array<i32>} : memref<128x16x64xf32, #tpu.memory_space<vmem>>, vector<128x1x64xf32>,
    %eq3A_258 = arith.constant 15 : i32
    %eq3A_259 = vector.broadcast %eq3A_258 : i32 to vector<128x4096xi32>
    %eq3A_260 = arith.cmpi eq, %select_n3A, %eq3A_259 : vector<128x4096xi32>
    %convert_element_type3A_261 = arith.extui %eq3A_260 : vector<128x4096xi1> to vector<128x4096xi32>
    %convert_element_type3A_262 = arith.sitofp %convert_element_type3A_261 : vector<128x4096xi32> to vector<128x4096xf32>
    %dot_general3A_263 = arith.constant dense<0.000000e+00> : vector<128x64xf32>
    %dot_general3A_264 = tpu.matmul %convert_element_type3A_262, %get3A_65, %dot_general3A_263 {dimension_numbers = #tpu.dot_dimension_numbers<[1], [0], [0], [1], [0, 0, 1, 1], [], []>, transpose_lhs_hint = false} : vector<128x4096xf32>, vector<4096x64xf32>, vector<128x64xf32> -> vector<128x64xf32>
    %swap3A_265 = arith.constant 0 : index
    %swap3A_266 = arith.constant 15 : index
    %swap3A_267 = arith.constant 0 : index
    %swap3A_268 = vector.load %arg4[%swap3A_265, %swap3A_266, %swap3A_267] : memref<128x16x64xf32, #tpu.memory_space<vmem>>, vector<128x1x64xf32>
    %swap3A_269 = vector.shape_cast %swap3A_268 : vector<128x1x64xf32> to vector<128x64xf32>
    %swap3A_270 = vector.shape_cast %dot_general3A_264 : vector<128x64xf32> to vector<128x1x64xf32>
    tpu.vector_store %arg4[%swap3A_265, %swap3A_266, %swap3A_267], %swap3A_270 {strides = array<i32>} : memref<128x16x64xf32, #tpu.memory_space<vmem>>, vector<128x1x64xf32>,
    return
  }
  func.func @transform_0(%arg0: i32) -> (i32, i32) {
    %c0_i32 = arith.constant 0 : i32
    %c0_i32_0 = arith.constant 0 : i32
    %c0_i32_1 = arith.constant 0 : i32
    return %c0_i32, %c0_i32_0 : i32, i32
  }
  func.func @transform_1(%arg0: i32) -> (i32, i32) {
    %c0_i32 = arith.constant 0 : i32
    %c0_i32_0 = arith.constant 0 : i32
    return %arg0, %c0_i32 : i32, i32
  }
  func.func @transform_2(%arg0: i32) -> (i32, i32) {
    %c0_i32 = arith.constant 0 : i32
    %c0_i32_0 = arith.constant 0 : i32
    %c0_i32_1 = arith.constant 0 : i32
    return %c0_i32, %c0_i32_0 : i32, i32
  }
  func.func @transform_3(%arg0: i32) -> (i32, i32, i32) {
    %add3A = arith.constant 4 : i32
    %add3A_0 = arith.addi %arg0, %add3A : i32
    %c0_i32 = arith.constant 0 : i32
    %c0_i32_1 = arith.constant 0 : i32
    %c0_i32_2 = arith.constant 0 : i32
    return %add3A_0, %c0_i32, %c0_i32_1 : i32, i32, i32
  }
}

</mosaic_0001>

<sc_bundles>
// kernel: kernel.4.cloned.1.call-start
scs
__scs_entry_jumppad:
0x0: {  	(pc) =	sbr.rel $0x88, $3  }
0x1: {  	(tag) =	ssettag $0x0;
	lr =	simm.s32 $0x1  }
0x2: {  	[smem:$0x3F9F] =	sst lr;
	_ =	strace $0xD0000000  }
0x3: {  	_ = 	snop  }
0x4: {  	_ = 	snop  }
0x5: {  	_ = 	snop  }
0x6: {  	_ = 	snop  }
0x7: {  	_ = 	snop  }
__scs_overlays_trampoline_lowered:
0x8: {  	[smem:$0x3FAE] =	sst s0  }
0x9: {  	[smem:$0x3FAF] =	sst s1  }
0xa: {  	[smem:$0x3FB0] =	sst s2  }
0xb: {  	[smem:$0x3FB1] =	sst s3  }
0xc: {  	[smem:$0x3FB2] =	sst s4  }
0xd: {  	[smem:$0x3FB3] =	sst s5  }
0xe: {  	[smem:$0x3FB4] =	sst s6  }
0xf: {  	[smem:$0x3FB5] =	sst s7  }
0x10: {  	[smem:$0x3FB6] =	sst s8  }
0x11: {  	[smem:$0x3FB7] =	sst s9;
	s0 =	simm.s32 @!p0 $0x0  }
0x12: {  	s1 =	sld [smem:$0x3F9D];
	s0 =	simm.s32 @p0 $0x1  }
0x13: {  	[smem:$0x3FB8] =	sst s0;
	s0 =	simm.s32 @!p1 $0x0  }
0x14: {  	s2 =	sld [smem:$0x3F9C];
	s0 =	simm.s32 @p1 $0x1  }
0x15: {  	[smem:$0x3FB9] =	sst s0;
	s0 =	simm.s32 @!p2 $0x0  }
0x16: {  	s3 =	sld [smem:$0x3FDB];
	s0 =	simm.s32 @p2 $0x1  }
0x17: {  	s4 =	simm.s32 $0x1BF5;
	[smem:$0x3FBB] =	sst s0  }
0x18: {  	s0 =	sld [smem:$0x3F9E];
	_ =	swait.ge [sflag:s4], $0x0  }
0x19: {  	s7 =	sld [smem:$0x3F9F]  }
0x1a: {  	s8 =	sadd.s32 $0xFFFFE003, lr  }
0x1b: {  	s9 =	sadd.s32 $0xFFFFFEF7, lr;
	s5 =	simm.s32 $0xFFFFFFFF;
	p2 =	slt.u32 s8, $0xFFFFF086  }
0x1c: {  	p1 =	slt.u32 s9, $0xF7A;
	s5 =	simm.s32 @!p2 $0x0  }
0x1d: {  	s5 =	simm.s32 @p1 $0x1;
	p0 =	seq.s32 s7, s2  }
0x1e: {  	s7 =	smul.u32 @!p0 $0xF7A, s2;
	p2 =	seq.s32 @!p0 s5, $0x0  }
0x1f: {  	s9 =	smul.u32 $0xF7A, s1;
	s8 =	simm.s32 @!p0 $0x1BF5;
	p2 =	por !p2, p0  }
0x20: {  	[sflag:s8] =	ssyncset.s32 @!p0 $0xFFFFF086;
	s6 =	sadd.s32 @!p0 s3, s7;
	s7 =	simm.s32 @!p0 $0x108  }
0x21: {  	s3 =	sadd.s32 s3, s9;
	s6 =	sadd.s32 @!p0 $0x88, s6;
	s7 =	simm.s32 @p2 $0x1082  }
0x22: {  	[simem:s7], [sflag:s8] =	dma.local @!p0 [hbm:s6], $0xF7A  }
0x23: {  	s9 =	sor.u32 $0xD0000000, s2;
	s6 =	simm.s32 $0x108;
	_ =	swait.ge @!p0 [sflag:s8], $0x0  }
0x24: {  	s3 =	sadd.s32 $0x88, s3;
	s6 =	simm.s32 @!p1 $0x1082;
	[sflag:s4] =	ssyncset.s32 $0xFFFFF086  }
0x25: {  	[simem:s6], [sflag:s4] =	dma.local [hbm:s3], $0xF7A  }
0x26: {  	[smem:$0x3F9F] =	sst s1;
	(tag) =	ssettag s2;
	_ =	strace s9  }
0x27: {  	s1 =	sld [smem:$0x3FAF]  }
0x28: {  	s2 =	sld [smem:$0x3FB0]  }
0x29: {  	s4 =	sld [smem:$0x3FB2]  }
0x2a: {  	p0 =	seq.s32 s5, $0x0;
	s5 =	sld [smem:$0x3FB3]  }
0x2b: {  	s6 =	sld [smem:$0x3FB4]  }
0x2c: {  	s7 =	sld [smem:$0x3FB5]  }
0x2d: {  	s3 =	simm.s32 $0x108;
	s8 =	sld [smem:$0x3FB6]  }
0x2e: {  	s3 =	simm.s32 @!p0 $0x1082;
	s9 =	sld [smem:$0x3FB7]  }
0x2f: {  	lr =	sadd.s32 s0, s3;
	s0 =	sld [smem:$0x3FAE]  }
0x30: {  	s3 =	sld [smem:$0x3FB1]  }
0x31: {  	[smem:$0x3FBA] =	sst s10  }
0x32: {  	s10 =	sld [smem:$0x3FB8];
	_ =	sdelay $0x3  }
0x33: {  	p0 =	seq.s32 s10, $0x1;
	s10 =	sld [smem:$0x3FBA];
	_ =	sdelay $0x3  }
0x34: {  	[smem:$0x3FBA] =	sst s10  }
0x35: {  	s10 =	sld [smem:$0x3FB9];
	_ =	sdelay $0x3  }
0x36: {  	p1 =	seq.s32 s10, $0x1;
	s10 =	sld [smem:$0x3FBA];
	_ =	sdelay $0x3  }
0x37: {  	[smem:$0x3FBA] =	sst s10  }
0x38: {  	s10 =	sld [smem:$0x3FBB]  }
0x39: {  	_ = 	snop;
	(pc) =	sbr.ind lr, $3  }
0x3a: {  	_ = 	snop  }
0x3b: {  	_ = 	snop  }
0x3c: {  	p2 =	seq.s32 s10, $0x1;
	s10 =	sld [smem:$0x3FBA]  }
0x3d: {  	_ =	shalt  }
0x3e: {  	_ =	shalt  }
0x3f: {  	_ =	shalt  }
0x40: {  	_ =	shalt  }
0x41: {  	_ =	shalt  }
0x42: {  	_ =	shalt  }
0x43: {  	_ =	shalt  }
0x44: {  	_ =	shalt  }
0x45: {  	_ =	shalt  }
0x46: {  	_ =	shalt  }
0x47: {  	_ =	shalt  }
0x48: {  	_ =	shalt  }
0x49: {  	_ =	shalt  }
0x4a: {  	_ =	shalt  }
0x4b: {  	_ =	shalt  }
0x4c: {  	_ =	shalt  }
0x4d: {  	_ =	shalt  }
0x4e: {  	_ =	shalt  }
0x4f: {  	_ =	shalt  }
0x50: {  	_ =	shalt  }
0x51: {  	_ =	shalt  }
0x52: {  	_ =	shalt  }
0x53: {  	_ =	shalt  }
0x54: {  	_ =	shalt  }
0x55: {  	_ =	shalt  }
0x56: {  	_ =	shalt  }
0x57: {  	_ =	shalt  }
0x58: {  	_ =	shalt  }
0x59: {  	_ =	shalt  }
0x5a: {  	_ =	shalt  }
0x5b: {  	_ =	shalt  }
0x5c: {  	_ =	shalt  }
0x5d: {  	_ =	shalt  }
0x5e: {  	_ =	shalt  }
0x5f: {  	_ =	shalt  }
0x60: {  	_ =	shalt  }
0x61: {  	_ =	shalt  }
0x62: {  	_ =	shalt  }
0x63: {  	_ =	shalt  }
0x64: {  	_ =	shalt  }
0x65: {  	_ =	shalt  }
0x66: {  	_ =	shalt  }
0x67: {  	_ =	shalt  }
0x68: {  	_ =	shalt  }
0x69: {  	_ =	shalt  }
0x6a: {  	_ =	shalt  }
0x6b: {  	_ =	shalt  }
0x6c: {  	_ =	shalt  }
0x6d: {  	_ =	shalt  }
0x6e: {  	_ =	shalt  }
0x6f: {  	_ =	shalt  }
0x70: {  	_ =	shalt  }
0x71: {  	_ =	shalt  }
0x72: {  	_ =	shalt  }
0x73: {  	_ =	shalt  }
0x74: {  	_ =	shalt  }
0x75: {  	_ =	shalt  }
0x76: {  	_ =	shalt  }
0x77: {  	_ =	shalt  }
0x78: {  	_ =	shalt  }
0x79: {  	_ =	shalt  }
0x7a: {  	_ =	shalt  }
0x7b: {  	_ =	shalt  }
0x7c: {  	_ =	shalt  }
0x7d: {  	_ =	shalt  }
0x7e: {  	_ =	shalt  }
0x7f: {  	_ =	shalt  }
0x80: {  	_ =	shalt  }
0x81: {  	_ =	shalt  }
0x82: {  	_ =	shalt  }
0x83: {  	_ =	shalt  }
0x84: {  	_ =	shalt  }
0x85: {  	_ =	shalt  }
0x86: {  	_ =	shalt  }
0x87: {  	_ =	shalt  }
.Lfunc_end0:
.L_simem_size_0:
called_computation_lowered:
.L_overlay_start_0:
0x88: {  	s2 =	sld [smem:$0x3FD9]  }
0x89: {  	s3 =	sld [smem:$0x3FFE];
	_ =	sdelay $0x1  }
0x8a: {  	s1 =	srdreg.scid  }
0x8b: {  	s0 =	sand.u32 $0x1, s1  }
0x8c: {  	s17 =	sshll.u32 s0, $0xA;
	s2 =	sadd.s32 s3, s2  }
0x8d: {  	s2 =	sadd.s32 s2, s17  }
0x8e: {  	[smem:$0x3FC6] =	sst s2  }
0x8f: {  	_ = 	snop  }
0x90: {  	s2 =	sld [smem:$0x3FD0];
	(tm) =	ssettm $0x1  }
0x91: {  	s18 =	sld [smem:$0x3FFB];
	_ =	sdelay $0x3  }
0x92: {  	_ =	strace s18  }
0x93: {  	s3 =	sld [smem:$0x3FFC];
	_ =	sdelay $0x3  }
0x94: {  	_ =	strace s3  }
0x95: {  	s3 =	sld [smem:$0x3FFD];
	_ =	sdelay $0x3  }
0x96: {  	_ =	strace s3  }
0x97: {  	_ =	strace $0x8FFFFFFF  }
0x98: {  	s19 =	sld [smem:$0x3FDB];
	_ =	sdelay $0x1  }
0x99: {  	s4 =	simm.s32 $_scs_section_size  }
0x9a: {  	s5 =	simm.s32 $_size__tile_overlayer_lowered;
	s6 =	simm.s32 $_tile_overlayer_lowered  }
0x9b: {  	s22 =	simm.s32 $0x1BFF;
	s21 =	sshll.u32 s6, $0x1;
	s3 =	sadd.s32 s4, s19  }
0x9c: {  	s7 =	simm.s32 $0x0;
	s20 =	sshll.u32 s5, $0x1;
	s5 =	sadd.s32 s21, s3  }
0x9d: {  	[timem:s7], [sflag:s22] =	dma.local [hbm:s5], s20  }
0x9e: {  	_ =	swait.ge [sflag:s22], s20  }
0x9f: {  	s4 =	ssub.s32 $0x0, s20;
	[sflag:s22] =	ssyncset.done $0x0  }
0xa0: {  	[sflag:s22] =	ssyncadd.s32 s4;
	_ =	sdelay $0x1  }
0xa1: {  	s23 =	simm.s32 $0x1B8B  }
0xa2: {  	_ =	swait.ge [sflag:s23], $0x1  }
0xa3: {  	[sflag:s23] =	ssyncset.done $0x0  }
0xa4: {  	s25 =	simm.s32 $0x1B8E;
	s24 =	sld [smem:$0x3FFE];
	[sflag:s23] =	ssyncadd.s32 $0xFFFFFFFF  }
0xa5: {  	s26 =	simm.s32 $execute0_lowered;
	[smem:$0x3FD2] =	sst s25  }
0xa6: {  	s5 =	sshll.u32 s26, $0x1;
	_ =	strace $0x80000046;
	[dreg:$0x1] =	wrdreg $0xFFFFFFFF  }
0xa7: {  	s28 =	simm.s32 $_size_execute0_lowered;
	s3 =	sadd.s32 s3, s5;
	[dreg:$0x0] =	wrdreg $0x0  }
0xa8: {  	s5 =	sshll.u32 s28, $0x1;
	[dreg:$0x2] =	wrdreg s3  }
0xa9: {  	[dreg:$0x3] =	wrdreg s5  }
0xaa: {  	[dreg:$0x4] =	wrdreg $0xC0  }
0xab: {  	_ =	task [dreg:s7], $0x5FFFF  }
0xac: {  	[dreg:$0x1] =	wrdreg $0xFFFFFFFF  }
0xad: {  	[dreg:$0x0] =	wrdreg $0x60  }
0xae: {  	[dreg:$0x2] =	wrdreg s24  }
0xaf: {  	[dreg:$0x3] =	wrdreg s2  }
0xb0: {  	[dreg:$0x4] =	wrdreg $0x178600  }
0xb1: {  	[dreg:$0x5] =	wrdreg $0x9  }
0xb2: {  	_ =	task.clear_ibuf [dreg:s7], $0x6FFFF;
	_ =	strace $0x90000046  }
0xb3: {  	s29 =	simm.s32 $0x9;
	_ =	strace $0x80000048  }
0xb4: {  	_ =	swait.ge [sflag:s29], $0x1  }
0xb5: {  	[sflag:s29] =	ssyncadd.s32 $0xFFFFFFFF  }
0xb6: {  	_ =	strace $0x90000048  }
0xb7: {  	_ =	sfence  }
0xb8: {  	s30 =	sld [smem:$0x0];
	_ =	sdelay $0x2  }
0xb9: {  	s31 =	sshll.u32 s1, $0xD;
	s1 =	sshrl.u32 s1, $0x2  }
0xba: {  	s3 =	sand.u32 $0x4000, s31;
	s1 =	sadd.s32 s1, s30  }
0xbb: {  	s0 =	sor.u32 s3, s0;
	s1 =	sshll.u32 s1, $0x11  }
0xbc: {  	s0 =	sor.u32 s1, s0  }
0xbd: {  	s0 =	sadd.s32 $0x8F2B, s0  }
0xbe: {  	[sflag:s0] =	ssyncadd.remote.s32 $0x1  }
0xbf: {  	_ =	sfence.sel $0xFFFF  }
0xc0: {  	[dreg:$0x0] =	wrdreg $0xFFFFFFFF;
	(pc) =	sbr.abs _section_cstart, $3  }
0xc1: {  	[dreg:$0x1] =	wrdreg $0xFFFFFFFF  }
0xc2: {  	_ =	task.clear_ibuf [dreg:s7], $0x2FFFF;
	_ =	strace $0x9FFFFFFF  }
0xc3: {  	(tm) =	ssettm $0x7FFFFFFF  }
tec
execute0_lowered:
.L_overlay_start_1:
0x0: {  	(tag) =	ssettag $0x1  }
0x1: {  	s0 =	rddreg [dreg:$0x0]  }
0x2: {  	s1 =	rddreg [dreg:$0x1]  }
0x3: {  	s3 =	rddreg [dreg:$0x2];
	s10 =	stileid.u32;
	s2 =	simm.s32 $0x0  }
0x4: {  	s5 =	srdreg.scid;
	s29 =	simm.s32 $0x15820;
	s30 =	simm.s32 $0x16820  }
0x5: {  	s4 =	sand.u32 $0x3, s10;
	[smem:$0x7FF] =	sst s2;
	s5 =	sand.u32 $0x1, s5  }
0x6: {  	s19 =	sadd.s32 $0x1000, s0;
	s20 =	sadd.s32 $0xE00, s0;
	s21 =	sadd.s32 $0xC00, s0  }
0x7: {  	s23 =	sshrl.u32 s10, $0x2;
	_ =	strace $0x80000047;
	[dreg:$0x4] =	wrdreg s19  }
0x8: {  	s25 =	sshll.u32 s10, $0xE;
	s6 =	sshll.u32 s4, $0xD;
	[dreg:$0x5] =	wrdreg s20  }
0x9: {  	s8 =	ssub.s32 $0x2, s5;
	[dreg:$0x6] =	wrdreg s21;
	s16 =	sshll.u32 s4, $0xA  }
0xa: {  	s5 =	sshll.u32 s5, $0x8;
	s24 =	sshll.u32 s23, $0x6;
	s11 =	sshll.u32 s4, $0xC  }
0xb: {  	s28 =	sshll.u32 s4, $0x9;
	s20 =	simm.s32 $0x1;
	s21 =	simm.s32 $0x1000  }
0xc: {  	s7 =	sadd.s32 s6, s0;
	s9 =	sshrl.u32 s8, $0x1;
	s6 =	sadd.s32 $0x9200, s0  }
0xd: {  	s14 =	sadd.s32 s1, s28;
	s31 =	sor.u32 $0x70, s16;
	s15 =	sor.u32 $0x40, s16  }
0xe: {  	v0 =	vlaneseq.u32;
	s1 =	simm.s32 $0x0;
	s22 =	ssub.s32 s8, s9;
	s7 =	sadd.s32 $0x1200, s7  }
0xf: {  	v1 =	vimm.s32 $0x0;
	v3 =	vimm.s32 $0x4000;
	v4 =	vimm.s32 $0x1;
	s8 =	sshll.u32 s23, $0x10;
	s9 =	sadd.s32 s25, s3;
	s23 =	simm.s32 $0x3000  }
0x10: {  	v5 =	vimm.s32 $0x2;
	v6 =	vimm.s32 $0x3;
	v7 =	vimm.s32 $0x4;
	s25 =	simm.s32 $0x13000;
	[dreg:$0x7] =	wrdreg s7;
	s26 =	sadd.s32 s8, s3  }
0x11: {  	v8 =	vimm.s32 $0x5;
	v9 =	vimm.s32 $0x6;
	v10 =	vimm.s32 $0x7;
	s8 =	sor.u32 s5, s24;
	s0 =	smax.u32 s22, $0x1;
	s7 =	sor.u32 $0x1040, s16  }
0x12: {  	v11 =	vimm.s32 $0x8;
	v12 =	vimm.s32 $0x9;
	v13 =	vimm.s32 $0xA;
	s5 =	sor.u32 $0x2040, s16;
	s22 =	simm.s32 $0x2000;
	s24 =	simm.s32 $0x13820  }
0x13: {  	v14 =	vimm.s32 $0xB;
	v15 =	vimm.s32 $0xC;
	v16 =	vimm.s32 $0xD;
	s10 =	sadd.s32 s11, s26;
	[dreg:$0x8] =	wrdreg s0;
	s26 =	simm.s32 $0x13410  }
0x14: {  	v17 =	vimm.s32 $0xE;
	v18 =	vimm.s32 $0xF;
	v2 =	vmul.u32 $0x40, v0;
	s11 =	sadd.s32 $0x4000, s10;
	s12 =	sadd.s32 $0x8000, s10;
	s13 =	sadd.s32 $0xC000, s10  }
.LBB2_1:
0x15: {  	[dreg:$0x9] =	wrdreg s1  }
0x16: {  	s0 =	rddreg [dreg:$0x4]  }
0x17: {  	[tilespmem:s2], [sflag:$0x1] =	stream.linear.gather [hbm4b:s0+s2], $0x1000, $0x38;
	[tilespmem:$0x1B860] =	vst v63  }
0x18: {  	_ =	swait.ge [sflag:s20], $0x1000  }
0x19: {  	[sflag:s20] =	ssyncset.done $0x0  }
0x1a: {  	s18 =	rddreg [dreg:$0x5];
	[sflag:s20] =	ssyncadd.s32 $0xFFFFF000  }
0x1b: {  	[tilespmem:s21], [sflag:$0x1] =	stream.linear.gather [hbm4b:s18+s2], $0x1000, $0x38;
	[tilespmem:$0x1B860] =	vst v63  }
0x1c: {  	_ =	swait.ge [sflag:s20], $0x1000  }
0x1d: {  	[sflag:s20] =	ssyncset.done $0x0  }
0x1e: {  	s19 =	rddreg [dreg:$0x6];
	[sflag:s20] =	ssyncadd.s32 $0xFFFFF000  }
0x1f: {  	[tilespmem:s22], [sflag:$0x1] =	stream.linear.gather [hbm4b:s19+s2], $0x1000, $0x38;
	[tilespmem:$0x1B860] =	vst v63  }
0x20: {  	_ =	swait.ge [sflag:s20], $0x1000  }
0x21: {  	[sflag:s20] =	ssyncset.done $0x0  }
0x22: {  	s28 =	rddreg [dreg:$0x7];
	[sflag:s20] =	ssyncadd.s32 $0xFFFFF000  }
0x23: {  	[tilespmem:s23], [sflag:$0x1] =	stream.linear.gather [hbm4b:s28+s2], $0x10000, $0x38;
	[tilespmem:$0x1B860] =	vst v63  }
0x24: {  	_ =	swait.ge [sflag:s20], $0x10000  }
0x25: {  	[sflag:s20] =	ssyncset.done $0x0  }
0x26: {  	s0 =	simm.s32 $0x0;
	[sflag:s20] =	ssyncadd.s32 $0xFFFF0000  }
.LBB2_2:
.Ltmp0:
0x27: {  	s3 =	simm.s32 $0x0;
	(pc) =	sbr.rel .LBB2_3-.Ltmp0, $4  }
0x28: {  	[tilespmem:s24], [sflag:$0x1] =	stream.linear.gather [hbm4b:s6+s3], $0x4040, $0x38;
	[tilespmem:$0x1B860] =	vst v63  }
0x29: {  	_ =	swait.ge [sflag:s20], $0x4040  }
0x2a: {  	s1 =	sshll.u32 s0, $0x4;
	[sflag:s20] =	ssyncset.done $0x0  }
0x2b: {  	s1 =	sadd.s32 s8, s1;
	[sflag:s20] =	ssyncadd.s32 $0xFFFFBFC0  }
.LBB2_7:
0x2c: {  	s3 =	sadd.s32 $0x1, s3  }
0x2d: {  	p0 =	sne.s32 s3, $0x10  }
.Ltmp1:
0x2e: {  	_ = 	snop;
	(pc) =	sbr.rel @!p0 .LBB2_8-.Ltmp1, $1  }
0x2f: {  	_ =	sdelay $0x3  }
.LBB2_3:
0x30: {  	s4 =	sor.u32 s1, s3  }
0x31: {  	v19 =	vmov s4;
	_ =	sdelay $0x4  }
0x32: {  	s28 =	sshll.u32 s3, $0xA;
	v20 =	vld.idx.msk [tilespmem:v19+s2+$0x0], $0xffff  }
0x33: {  	s19 =	smov.u32 s5;
	s18 =	smov.u32 s7;
	s16 =	sor.u32 $0x200, s28;
	v21 =	vld.idx.msk [tilespmem:v19+s21+$0x0], $0xffff  }
0x34: {  	v25 =	vimm.s32 $0xFFFFFFFF;
	s17 =	smov.u32 s15;
	v24 =	vmov s28;
	s4 =	simm.s32 $0x1C00;
	v23 =	vmov s16;
	s16 =	smov.u32 s31;
	v22 =	vld.idx.msk [tilespmem:v19+s22+$0x0], $0xffff  }
.LBB2_4:
0x35: {  	v26 =	vld [tilespmem:s17+$0xFFFFFFC0]  }
0x36: {  	v27 =	vld [tilespmem:s18+$0xFFFFFFC0];
	_ =	sdelay $0x1  }
0x37: {  	v28 =	vld [tilespmem:s19+$0xFFFFFFC0];
	_ =	sdelay $0x2  }
0x38: {  	v26 =	vsub.f32 v26, v20;
	v27 =	vsub.f32 v27, v21;
	_ =	sdelay $0x1  }
0x39: {  	v28 =	vsub.f32 v28, v22;
	v29 =	vmul.f32 v26, v26;
	v30 =	vmul.f32 v27, v27;
	_ =	sdelay $0x1  }
0x3a: {  	v62 =	vmul.f32 v28, v28;
	v29 =	vadd.f32 v30, v29;
	_ =	sdelay $0x1  }
0x3b: {  	s28 =	sadd.s32 $0xFFFFFF90, s16;
	v29 =	vadd.f32 v62, v29  }
0x3c: {  	v63 =	vor.u32 s28, v0  }
0x3d: {  	vm1 =	vne.s32 v63, v19;
	vm0 =	vle.f32 v29, $1.000000000e+00  }
0x3e: {  	vm1 =	vmand vm1, vm0  }
0x3f: {  	v33 =	vsel vm1, $0x1, v1  }
0x40: {  	(xrf0) =	vadd.scan.msk.s32 $0xffff, v33;
	_ =	sdelay $0x5  }
0x41: {  	v30, _, _ =	vpop (xrf0)  }
0x42: {  	v30 =	vadd.s32 v25, v30  }
0x43: {  	vm7 =	vgt.f32 v26, $0.0e+00;
	vm2 =	vgt.f32 v27, $0.0e+00  }
0x44: {  	vm8 =	vgt.f32 v28, $0.0e+00;
	v26 =	vsel vm7, $0x100, v1;
	v27 =	vsel vm2, $0x80, v1  }
0x45: {  	s28 =	sadd.s32 $0xFFFFE400, s4;
	v28 =	vsel vm8, $0x40, v1;
	v26 =	vor.u32 v26, v27;
	vm9 =	vge.f32 v29, $2.500000000e-01  }
0x46: {  	v34 =	vor.u32 s28, v2;
	v26 =	vor.u32 v28, v26;
	v27 =	vsel vm9, v23, v24  }
0x47: {  	v26 =	vor.u32 v27, v26;
	[tilespmem:v30+s25+$0x0] =	vst.idx.msk vm1, v34  }
0x48: {  	[tilespmem:v30+s26+$0x0] =	vst.idx.msk vm1, v26  }
0x49: {  	v26 =	vld [tilespmem:s17+$0xFFFFFFD0]  }
0x4a: {  	v27 =	vld [tilespmem:s18+$0xFFFFFFD0];
	_ =	sdelay $0x1  }
0x4b: {  	v28 =	vld [tilespmem:s19+$0xFFFFFFD0];
	_ =	sdelay $0x2  }
0x4c: {  	v26 =	vsub.f32 v26, v20;
	v27 =	vsub.f32 v27, v21;
	_ =	sdelay $0x1  }
0x4d: {  	v28 =	vsub.f32 v28, v22;
	v35 =	vmul.f32 v26, v26;
	v36 =	vmul.f32 v27, v27;
	_ =	sdelay $0x1  }
0x4e: {  	v37 =	vmul.f32 v28, v28;
	v29 =	vadd.f32 v36, v35;
	_ =	sdelay $0x1  }
0x4f: {  	s28 =	sadd.s32 $0xFFFFFFA0, s16;
	v29 =	vadd.f32 v37, v29  }
0x50: {  	v38 =	vor.u32 s28, v0  }
0x51: {  	vm11 =	vne.s32 v38, v19;
	vm10 =	vle.f32 v29, $1.000000000e+00  }
0x52: {  	vm0 =	vmand vm11, vm10  }
0x53: {  	v39 =	vsel vm0, $0x1, v1  }
0x54: {  	(xrf0) =	vadd.scan.msk.s32 $0xffff, v39;
	_ =	sdelay $0x3  }
0x55: {  	v40 =	vmpcnt.ones.xlane vm1;
	_ =	sdelay $0x1  }
0x56: {  	v25 =	vadd.s32 v25, v40;
	v41, _, _ =	vpop (xrf0)  }
0x57: {  	v30 =	vadd.s32 v25, v41  }
0x58: {  	vm12 =	vgt.f32 v26, $0.0e+00;
	vm13 =	vgt.f32 v27, $0.0e+00  }
0x59: {  	vm14 =	vgt.f32 v28, $0.0e+00;
	v26 =	vsel vm12, $0x100, v1;
	v27 =	vsel vm13, $0x80, v1  }
0x5a: {  	s28 =	sadd.s32 $0xFFFFE800, s4;
	v28 =	vsel vm14, $0x40, v1;
	v26 =	vor.u32 v26, v27;
	vm15 =	vge.f32 v29, $2.500000000e-01  }
0x5b: {  	v42 =	vor.u32 s28, v2;
	v26 =	vor.u32 v28, v26;
	v27 =	vsel vm15, v23, v24  }
0x5c: {  	v26 =	vor.u32 v27, v26;
	[tilespmem:v30+s25+$0x0] =	vst.idx.msk vm0, v42  }
0x5d: {  	[tilespmem:v30+s26+$0x0] =	vst.idx.msk vm0, v26  }
0x5e: {  	v26 =	vld [tilespmem:s17+$0xFFFFFFE0]  }
0x5f: {  	v27 =	vld [tilespmem:s18+$0xFFFFFFE0];
	_ =	sdelay $0x1  }
0x60: {  	v28 =	vld [tilespmem:s19+$0xFFFFFFE0];
	_ =	sdelay $0x2  }
0x61: {  	v26 =	vsub.f32 v26, v20;
	v27 =	vsub.f32 v27, v21;
	_ =	sdelay $0x1  }
0x62: {  	v28 =	vsub.f32 v28, v22;
	v43 =	vmul.f32 v26, v26;
	v44 =	vmul.f32 v27, v27;
	_ =	sdelay $0x1  }
0x63: {  	v45 =	vmul.f32 v28, v28;
	v29 =	vadd.f32 v44, v43;
	_ =	sdelay $0x1  }
0x64: {  	s28 =	sadd.s32 $0xFFFFFFB0, s16;
	v29 =	vadd.f32 v45, v29  }
0x65: {  	v46 =	vor.u32 s28, v0  }
0x66: {  	vm5 =	vne.s32 v46, v19;
	vm4 =	vle.f32 v29, $1.000000000e+00  }
0x67: {  	vm1 =	vmand vm5, vm4  }
0x68: {  	v47 =	vsel vm1, $0x1, v1  }
0x69: {  	(xrf0) =	vadd.scan.msk.s32 $0xffff, v47;
	_ =	sdelay $0x3  }
0x6a: {  	v48 =	vmpcnt.ones.xlane vm0;
	_ =	sdelay $0x1  }
0x6b: {  	v25 =	vadd.s32 v25, v48;
	v49, _, _ =	vpop (xrf0)  }
0x6c: {  	v30 =	vadd.s32 v25, v49  }
0x6d: {  	vm6 =	vgt.f32 v26, $0.0e+00;
	vm7 =	vgt.f32 v27, $0.0e+00  }
0x6e: {  	vm8 =	vgt.f32 v28, $0.0e+00;
	v26 =	vsel vm6, $0x100, v1;
	v27 =	vsel vm7, $0x80, v1  }
0x6f: {  	s28 =	sadd.s32 $0xFFFFEC00, s4;
	v28 =	vsel vm8, $0x40, v1;
	v26 =	vor.u32 v26, v27;
	vm9 =	vge.f32 v29, $2.500000000e-01  }
0x70: {  	v50 =	vor.u32 s28, v2;
	v26 =	vor.u32 v28, v26;
	v27 =	vsel vm9, v23, v24  }
0x71: {  	v26 =	vor.u32 v27, v26;
	[tilespmem:v30+s25+$0x0] =	vst.idx.msk vm1, v50  }
0x72: {  	[tilespmem:v30+s26+$0x0] =	vst.idx.msk vm1, v26  }
0x73: {  	v26 =	vld [tilespmem:s17+$0xFFFFFFF0]  }
0x74: {  	v27 =	vld [tilespmem:s18+$0xFFFFFFF0];
	_ =	sdelay $0x1  }
0x75: {  	v28 =	vld [tilespmem:s19+$0xFFFFFFF0];
	_ =	sdelay $0x2  }
0x76: {  	v26 =	vsub.f32 v26, v20;
	v27 =	vsub.f32 v27, v21;
	_ =	sdelay $0x1  }
0x77: {  	v28 =	vsub.f32 v28, v22;
	v51 =	vmul.f32 v26, v26;
	v52 =	vmul.f32 v27, v27;
	_ =	sdelay $0x1  }
0x78: {  	v53 =	vmul.f32 v28, v28;
	v29 =	vadd.f32 v52, v51;
	_ =	sdelay $0x1  }
0x79: {  	s28 =	sadd.s32 $0xFFFFFFC0, s16;
	v29 =	vadd.f32 v53, v29  }
0x7a: {  	v54 =	vor.u32 s28, v0  }
0x7b: {  	vm11 =	vne.s32 v54, v19;
	vm10 =	vle.f32 v29, $1.000000000e+00  }
0x7c: {  	vm0 =	vmand vm11, vm10  }
0x7d: {  	v55 =	vsel vm0, $0x1, v1  }
0x7e: {  	(xrf0) =	vadd.scan.msk.s32 $0xffff, v55;
	_ =	sdelay $0x3  }
0x7f: {  	v56 =	vmpcnt.ones.xlane vm1;
	_ =	sdelay $0x1  }
0x80: {  	v25 =	vadd.s32 v25, v56;
	v57, _, _ =	vpop (xrf0)  }
0x81: {  	v30 =	vadd.s32 v25, v57  }
0x82: {  	vm12 =	vgt.f32 v26, $0.0e+00;
	vm13 =	vgt.f32 v27, $0.0e+00  }
0x83: {  	vm14 =	vgt.f32 v28, $0.0e+00;
	v26 =	vsel vm12, $0x100, v1;
	v27 =	vsel vm13, $0x80, v1  }
0x84: {  	s28 =	sadd.s32 $0xFFFFF000, s4;
	v28 =	vsel vm14, $0x40, v1;
	v26 =	vor.u32 v26, v27;
	vm15 =	vge.f32 v29, $2.500000000e-01  }
0x85: {  	v58 =	vor.u32 s28, v2;
	v26 =	vor.u32 v28, v26;
	v27 =	vsel vm15, v23, v24  }
0x86: {  	v26 =	vor.u32 v27, v26;
	[tilespmem:v30+s25+$0x0] =	vst.idx.msk vm0, v58  }
0x87: {  	[tilespmem:v30+s26+$0x0] =	vst.idx.msk vm0, v26  }
0x88: {  	v26 =	vld [tilespmem:s17+$0x0]  }
0x89: {  	v27 =	vld [tilespmem:s18+$0x0];
	_ =	sdelay $0x1  }
0x8a: {  	v28 =	vld [tilespmem:s19+$0x0];
	_ =	sdelay $0x2  }
0x8b: {  	v26 =	vsub.f32 v26, v20;
	v27 =	vsub.f32 v27, v21;
	_ =	sdelay $0x1  }
0x8c: {  	v28 =	vsub.f32 v28, v22;
	v59 =	vmul.f32 v26, v26;
	v60 =	vmul.f32 v27, v27;
	_ =	sdelay $0x1  }
0x8d: {  	v61 =	vmul.f32 v28, v28;
	v29 =	vadd.f32 v60, v59;
	_ =	sdelay $0x1  }
0x8e: {  	s28 =	sadd.s32 $0xFFFFFFD0, s16;
	v29 =	vadd.f32 v61, v29  }
0x8f: {  	v62 =	vor.u32 s28, v0  }
0x90: {  	vm5 =	vne.s32 v62, v19;
	vm4 =	vle.f32 v29, $1.000000000e+00  }
0x91: {  	vm1 =	vmand vm5, vm4  }
0x92: {  	v63 =	vsel vm1, $0x1, v1  }
0x93: {  	(xrf0) =	vadd.scan.msk.s32 $0xffff, v63;
	_ =	sdelay $0x3  }
0x94: {  	v33 =	vmpcnt.ones.xlane vm0;
	_ =	sdelay $0x1  }
0x95: {  	v25 =	vadd.s32 v25, v33;
	v34, _, _ =	vpop (xrf0)  }
0x96: {  	v30 =	vadd.s32 v25, v34  }
0x97: {  	vm6 =	vgt.f32 v26, $0.0e+00;
	vm7 =	vgt.f32 v27, $0.0e+00  }
0x98: {  	vm8 =	vgt.f32 v28, $0.0e+00;
	v26 =	vsel vm6, $0x100, v1;
	v27 =	vsel vm7, $0x80, v1  }
0x99: {  	s28 =	sadd.s32 $0xFFFFF400, s4;
	v28 =	vsel vm8, $0x40, v1;
	v26 =	vor.u32 v26, v27;
	vm9 =	vge.f32 v29, $2.500000000e-01  }
0x9a: {  	v35 =	vor.u32 s28, v2;
	v26 =	vor.u32 v28, v26;
	v27 =	vsel vm9, v23, v24  }
0x9b: {  	v26 =	vor.u32 v27, v26;
	[tilespmem:v30+s25+$0x0] =	vst.idx.msk vm1, v35  }
0x9c: {  	[tilespmem:v30+s26+$0x0] =	vst.idx.msk vm1, v26  }
0x9d: {  	v26 =	vld [tilespmem:s17+$0x10]  }
0x9e: {  	v27 =	vld [tilespmem:s18+$0x10];
	_ =	sdelay $0x1  }
0x9f: {  	v28 =	vld [tilespmem:s19+$0x10];
	_ =	sdelay $0x2  }
0xa0: {  	v26 =	vsub.f32 v26, v20;
	v27 =	vsub.f32 v27, v21;
	_ =	sdelay $0x1  }
0xa1: {  	v28 =	vsub.f32 v28, v22;
	v36 =	vmul.f32 v26, v26;
	v37 =	vmul.f32 v27, v27;
	_ =	sdelay $0x1  }
0xa2: {  	v38 =	vmul.f32 v28, v28;
	v29 =	vadd.f32 v37, v36;
	_ =	sdelay $0x1  }
0xa3: {  	s28 =	sadd.s32 $0xFFFFFFE0, s16;
	v29 =	vadd.f32 v38, v29  }
0xa4: {  	v39 =	vor.u32 s28, v0  }
0xa5: {  	vm11 =	vne.s32 v39, v19;
	vm10 =	vle.f32 v29, $1.000000000e+00  }
0xa6: {  	vm0 =	vmand vm11, vm10  }
0xa7: {  	v40 =	vsel vm0, $0x1, v1  }
0xa8: {  	(xrf0) =	vadd.scan.msk.s32 $0xffff, v40;
	_ =	sdelay $0x3  }
0xa9: {  	v41 =	vmpcnt.ones.xlane vm1;
	_ =	sdelay $0x1  }
0xaa: {  	v25 =	vadd.s32 v25, v41;
	v42, _, _ =	vpop (xrf0)  }
0xab: {  	v30 =	vadd.s32 v25, v42  }
0xac: {  	vm12 =	vgt.f32 v26, $0.0e+00;
	vm13 =	vgt.f32 v27, $0.0e+00  }
0xad: {  	vm14 =	vgt.f32 v28, $0.0e+00;
	v26 =	vsel vm12, $0x100, v1;
	v27 =	vsel vm13, $0x80, v1  }
0xae: {  	s28 =	sadd.s32 $0xFFFFF800, s4;
	v28 =	vsel vm14, $0x40, v1;
	v26 =	vor.u32 v26, v27;
	vm15 =	vge.f32 v29, $2.500000000e-01  }
0xaf: {  	v43 =	vor.u32 s28, v2;
	v26 =	vor.u32 v28, v26;
	v27 =	vsel vm15, v23, v24  }
0xb0: {  	v26 =	vor.u32 v27, v26;
	[tilespmem:v30+s25+$0x0] =	vst.idx.msk vm0, v43  }
0xb1: {  	[tilespmem:v30+s26+$0x0] =	vst.idx.msk vm0, v26  }
0xb2: {  	v26 =	vld [tilespmem:s17+$0x20]  }
0xb3: {  	v27 =	vld [tilespmem:s18+$0x20];
	_ =	sdelay $0x1  }
0xb4: {  	v28 =	vld [tilespmem:s19+$0x20];
	_ =	sdelay $0x2  }
0xb5: {  	v26 =	vsub.f32 v26, v20;
	v27 =	vsub.f32 v27, v21;
	_ =	sdelay $0x1  }
0xb6: {  	v28 =	vsub.f32 v28, v22;
	v44 =	vmul.f32 v26, v26;
	v45 =	vmul.f32 v27, v27;
	_ =	sdelay $0x1  }
0xb7: {  	v46 =	vmul.f32 v28, v28;
	v29 =	vadd.f32 v45, v44;
	_ =	sdelay $0x1  }
0xb8: {  	s28 =	sadd.s32 $0xFFFFFFF0, s16;
	v29 =	vadd.f32 v46, v29  }
0xb9: {  	v47 =	vor.u32 s28, v0  }
0xba: {  	vm5 =	vne.s32 v47, v19;
	vm4 =	vle.f32 v29, $1.000000000e+00  }
0xbb: {  	vm1 =	vmand vm5, vm4  }
0xbc: {  	v48 =	vsel vm1, $0x1, v1  }
0xbd: {  	(xrf0) =	vadd.scan.msk.s32 $0xffff, v48;
	_ =	sdelay $0x3  }
0xbe: {  	v49 =	vmpcnt.ones.xlane vm0;
	_ =	sdelay $0x1  }
0xbf: {  	v25 =	vadd.s32 v25, v49;
	v50, _, _ =	vpop (xrf0)  }
0xc0: {  	v30 =	vadd.s32 v25, v50  }
0xc1: {  	vm6 =	vgt.f32 v26, $0.0e+00;
	vm7 =	vgt.f32 v27, $0.0e+00  }
0xc2: {  	vm8 =	vgt.f32 v28, $0.0e+00;
	v26 =	vsel vm6, $0x100, v1;
	v27 =	vsel vm7, $0x80, v1  }
0xc3: {  	s28 =	sadd.s32 $0xFFFFFC00, s4;
	v28 =	vsel vm8, $0x40, v1;
	v26 =	vor.u32 v26, v27;
	vm9 =	vge.f32 v29, $2.500000000e-01  }
0xc4: {  	v51 =	vor.u32 s28, v2;
	v26 =	vor.u32 v28, v26;
	v27 =	vsel vm9, v23, v24  }
0xc5: {  	v26 =	vor.u32 v27, v26;
	[tilespmem:v30+s25+$0x0] =	vst.idx.msk vm1, v51  }
0xc6: {  	[tilespmem:v30+s26+$0x0] =	vst.idx.msk vm1, v26  }
0xc7: {  	v26 =	vld [tilespmem:s17+$0x30]  }
0xc8: {  	v27 =	vld [tilespmem:s18+$0x30];
	_ =	sdelay $0x1  }
0xc9: {  	v28 =	vld [tilespmem:s19+$0x30];
	_ =	sdelay $0x2  }
0xca: {  	v26 =	vsub.f32 v26, v20;
	v27 =	vsub.f32 v27, v21;
	_ =	sdelay $0x1  }
0xcb: {  	v28 =	vsub.f32 v28, v22;
	v52 =	vmul.f32 v26, v26;
	v53 =	vmul.f32 v27, v27;
	_ =	sdelay $0x1  }
0xcc: {  	v54 =	vmul.f32 v28, v28;
	v29 =	vadd.f32 v53, v52;
	_ =	sdelay $0x1  }
0xcd: {  	v29 =	vadd.f32 v54, v29  }
0xce: {  	v55 =	vor.u32 s16, v0  }
0xcf: {  	vm11 =	vne.s32 v55, v19;
	vm10 =	vle.f32 v29, $1.000000000e+00  }
0xd0: {  	vm0 =	vmand vm11, vm10  }
0xd1: {  	v56 =	vsel vm0, $0x1, v1  }
0xd2: {  	(xrf0) =	vadd.scan.msk.s32 $0xffff, v56;
	_ =	sdelay $0x3  }
0xd3: {  	v57 =	vmpcnt.ones.xlane vm1;
	_ =	sdelay $0x1  }
0xd4: {  	v25 =	vadd.s32 v25, v57;
	v58, _, _ =	vpop (xrf0)  }
0xd5: {  	vm12 =	vgt.f32 v26, $0.0e+00;
	v26 =	vadd.s32 v25, v58  }
0xd6: {  	p0 =	sne.s32 s4, $0xFC00;
	v62 =	vor.u32 s4, v2;
	vm13 =	vgt.f32 v27, $0.0e+00  }
.Ltmp2:
0xd7: {  	vm15 =	vgt.f32 v28, $0.0e+00;
	v59 =	vsel vm12, $0x100, v1;
	v27 =	vsel vm13, $0x80, v1;
	(pc) =	sbr.rel @p0 .LBB2_4-.Ltmp2, $4  }
0xd8: {  	v61 =	vsel vm15, $0x40, v1;
	v27 =	vor.u32 v59, v27;
	vm14 =	vge.f32 v29, $2.500000000e-01  }
0xd9: {  	v27 =	vor.u32 v61, v27;
	v60 =	vsel vm14, v23, v24;
	v63 =	vmpcnt.ones.xlane vm0  }
0xda: {  	s4 =	sadd.s32 $0x2000, s4;
	s16 =	sadd.s32 $0x80, s16;
	v27 =	vor.u32 v60, v27;
	[tilespmem:v26+s25+$0x0] =	vst.idx.msk vm0, v62  }
0xdb: {  	s17 =	sadd.s32 $0x80, s17;
	s18 =	sadd.s32 $0x80, s18;
	s19 =	sadd.s32 $0x80, s19;
	v25 =	vadd.s32 v25, v63;
	[tilespmem:v26+s26+$0x0] =	vst.idx.msk vm0, v27  }
0xdc: {  	v19 =	vadd.s32 $0x80000001, v25  }
0xdd: {  	(xrf0) =	vmax.scan.msk.u32 $0xffff, v19;
	_ =	sdelay $0x5  }
0xde: {  	v19, _, _ =	vpop (xrf0)  }
0xdf: {  	(v2sf) =	vpush v19, $0xF;
	_ =	sdelay $0xe  }
0xe0: {  	s4 =	spop (v2sf)  }
0xe1: {  	s4 =	sadd.s32 $0x8000000F, s4  }
0xe2: {  	s16 =	sand.u32 $0xF, s4  }
0xe3: {  	s17 =	sshra.s32 s4, $0x1F;
	p0 =	slt.s32 s4, $0x1;
	p1 =	sne.s32 s16, $0x0  }
0xe4: {  	s19 =	sshrl.u32 s17, $0x1C;
	p0 =	por !p0, !p1  }
0xe5: {  	s16 =	simm.s32 $0x1;
	s4 =	sadd.s32 s19, s4;
	p0 =	por !p0, !p0  }
0xe6: {  	v19 =	vadd.s32 $0x1, v0;
	s28 =	sshra.s32 s4, $0x4;
	s16 =	simm.s32 @!p0 $0x0  }
0xe7: {  	v19 =	vadd.s32 v19, v25;
	s19 =	ssub.s32 s28, s16  }
0xe8: {  	p0 =	slt.s32 s19, $0x1  }
.Ltmp3:
0xe9: {  	_ = 	snop;
	(pc) =	sbr.rel @p0 .LBB2_7-.Ltmp3, $4  }
0xea: {  	_ = 	snop  }
0xeb: {  	s4 =	simm.s32 $0x13000  }
0xec: {  	s17 =	simm.s32 $0x13410;
	[tilespmem:v19+s4+$0x0] =	vst.idx.msk $0xffff, v1  }
0xed: {  	[tilespmem:v19+s17+$0x0] =	vst.idx.msk $0xffff, v3  }
.LBB2_6:
0xee: {  	v23 =	vld [tilespmem:s4+$0x0];
	_ =	sdelay $0x4  }
0xef: {  	v20 =	vld [tilespmem:s17+$0x0];
	v24 =	vperm.xlane v23, v1;
	_ =	sdelay $0x1  }
0xf0: {  	v19 =	vadd.s32 v0, v24;
	_ =	sdelay $0x2  }
0xf1: {  	v25 =	vperm.xlane v20, v1;
	_ =	sdelay $0x1  }
0xf2: {  	v22 =	vadd.s32 v0, v25;
	v21 =	vld.idx.msk [tilespmem:v19+s23+$0x0], $0xffff;
	v19 =	vor.u32 $0x10, v0  }
0xf3: {  	v26 =	vadd.s32 v19, v24;
	_ =	sdelay $0x3  }
0xf4: {  	[tilespmem:v22+s24+$0x0] =	vst.idx.add.f32.msk $0xffff, v21  }
0xf5: {  	v33 =	vadd.s32 v19, v25;
	v21 =	vor.u32 $0x20, v0;
	v22 =	vld.idx.msk [tilespmem:v26+s23+$0x0], $0xffff  }
0xf6: {  	v27 =	vadd.s32 v21, v24;
	_ =	sdelay $0x3  }
0xf7: {  	[tilespmem:v33+s24+$0x0] =	vst.idx.add.f32.msk $0xffff, v22  }
0xf8: {  	v34 =	vadd.s32 v21, v25;
	v22 =	vor.u32 $0x30, v0;
	v26 =	vld.idx.msk [tilespmem:v27+s23+$0x0], $0xffff  }
0xf9: {  	v24 =	vadd.s32 v22, v24;
	_ =	sdelay $0x3  }
0xfa: {  	v35 =	vperm.xlane v23, v4;
	[tilespmem:v34+s24+$0x0] =	vst.idx.add.f32.msk $0xffff, v26  }
0xfb: {  	v25 =	vadd.s32 v22, v25;
	v24 =	vld.idx.msk [tilespmem:v24+s23+$0x0], $0xffff  }
0xfc: {  	v36 =	vadd.s32 v0, v35;
	_ =	sdelay $0x2  }
0xfd: {  	v28 =	vperm.xlane v20, v4  }
0xfe: {  	[tilespmem:v25+s24+$0x0] =	vst.idx.add.f32.msk $0xffff, v24  }
0xff: {  	v37 =	vadd.s32 v0, v28;
	v24 =	vld.idx.msk [tilespmem:v36+s23+$0x0], $0xffff  }
0x100: {  	v38 =	vadd.s32 v19, v35;
	_ =	sdelay $0x3  }
0x101: {  	[tilespmem:v37+s24+$0x0] =	vst.idx.add.f32.msk $0xffff, v24  }
0x102: {  	v39 =	vadd.s32 v19, v28;
	v24 =	vld.idx.msk [tilespmem:v38+s23+$0x0], $0xffff  }
0x103: {  	v40 =	vadd.s32 v21, v35;
	_ =	sdelay $0x3  }
0x104: {  	[tilespmem:v39+s24+$0x0] =	vst.idx.add.f32.msk $0xffff, v24  }
0x105: {  	v41 =	vadd.s32 v21, v28;
	v24 =	vld.idx.msk [tilespmem:v40+s23+$0x0], $0xffff  }
0x106: {  	v26 =	vadd.s32 v22, v35;
	_ =	sdelay $0x3  }
0x107: {  	v42 =	vperm.xlane v23, v5;
	[tilespmem:v41+s24+$0x0] =	vst.idx.add.f32.msk $0xffff, v24  }
0x108: {  	v43 =	vadd.s32 v22, v28;
	v25 =	vld.idx.msk [tilespmem:v26+s23+$0x0], $0xffff  }
0x109: {  	v44 =	vadd.s32 v0, v42;
	_ =	sdelay $0x2  }
0x10a: {  	v45 =	vperm.xlane v20, v5  }
0x10b: {  	[tilespmem:v43+s24+$0x0] =	vst.idx.add.f32.msk $0xffff, v25  }
0x10c: {  	v46 =	vadd.s32 v0, v45;
	v25 =	vld.idx.msk [tilespmem:v44+s23+$0x0], $0xffff  }
0x10d: {  	v47 =	vadd.s32 v19, v42;
	_ =	sdelay $0x3  }
0x10e: {  	[tilespmem:v46+s24+$0x0] =	vst.idx.add.f32.msk $0xffff, v25  }
0x10f: {  	v48 =	vadd.s32 v19, v45;
	v25 =	vld.idx.msk [tilespmem:v47+s23+$0x0], $0xffff  }
0x110: {  	v49 =	vadd.s32 v21, v42;
	_ =	sdelay $0x3  }
0x111: {  	[tilespmem:v48+s24+$0x0] =	vst.idx.add.f32.msk $0xffff, v25  }
0x112: {  	v50 =	vadd.s32 v21, v45;
	v25 =	vld.idx.msk [tilespmem:v49+s23+$0x0], $0xffff  }
0x113: {  	v24 =	vadd.s32 v22, v42;
	_ =	sdelay $0x3  }
0x114: {  	v51 =	vperm.xlane v23, v6;
	[tilespmem:v50+s24+$0x0] =	vst.idx.add.f32.msk $0xffff, v25  }
0x115: {  	v52 =	vadd.s32 v22, v45;
	v24 =	vld.idx.msk [tilespmem:v24+s23+$0x0], $0xffff  }
0x116: {  	v53 =	vadd.s32 v0, v51;
	_ =	sdelay $0x2  }
0x117: {  	v54 =	vperm.xlane v20, v6  }
0x118: {  	[tilespmem:v52+s24+$0x0] =	vst.idx.add.f32.msk $0xffff, v24  }
0x119: {  	v55 =	vadd.s32 v0, v54;
	v24 =	vld.idx.msk [tilespmem:v53+s23+$0x0], $0xffff  }
0x11a: {  	v56 =	vadd.s32 v19, v51;
	_ =	sdelay $0x3  }
0x11b: {  	[tilespmem:v55+s24+$0x0] =	vst.idx.add.f32.msk $0xffff, v24  }
0x11c: {  	v57 =	vadd.s32 v19, v54;
	v24 =	vld.idx.msk [tilespmem:v56+s23+$0x0], $0xffff  }
0x11d: {  	v58 =	vadd.s32 v21, v51;
	_ =	sdelay $0x3  }
0x11e: {  	[tilespmem:v57+s24+$0x0] =	vst.idx.add.f32.msk $0xffff, v24  }
0x11f: {  	v59 =	vadd.s32 v21, v54;
	v24 =	vld.idx.msk [tilespmem:v58+s23+$0x0], $0xffff  }
0x120: {  	v25 =	vadd.s32 v22, v51;
	_ =	sdelay $0x3  }
0x121: {  	v60 =	vperm.xlane v23, v7;
	[tilespmem:v59+s24+$0x0] =	vst.idx.add.f32.msk $0xffff, v24  }
0x122: {  	v61 =	vadd.s32 v22, v54;
	v25 =	vld.idx.msk [tilespmem:v25+s23+$0x0], $0xffff  }
0x123: {  	v62 =	vadd.s32 v0, v60;
	_ =	sdelay $0x2  }
0x124: {  	v63 =	vperm.xlane v20, v7  }
0x125: {  	[tilespmem:v61+s24+$0x0] =	vst.idx.add.f32.msk $0xffff, v25  }
0x126: {  	v30 =	vadd.s32 v0, v63;
	v25 =	vld.idx.msk [tilespmem:v62+s23+$0x0], $0xffff  }
0x127: {  	v31 =	vadd.s32 v19, v60;
	_ =	sdelay $0x3  }
0x128: {  	[tilespmem:v30+s24+$0x0] =	vst.idx.add.f32.msk $0xffff, v25  }
0x129: {  	v32 =	vadd.s32 v19, v63;
	v25 =	vld.idx.msk [tilespmem:v31+s23+$0x0], $0xffff  }
0x12a: {  	v33 =	vadd.s32 v21, v60;
	_ =	sdelay $0x3  }
0x12b: {  	[tilespmem:v32+s24+$0x0] =	vst.idx.add.f32.msk $0xffff, v25  }
0x12c: {  	v34 =	vadd.s32 v21, v63;
	v25 =	vld.idx.msk [tilespmem:v33+s23+$0x0], $0xffff  }
0x12d: {  	v24 =	vadd.s32 v22, v60;
	_ =	sdelay $0x3  }
0x12e: {  	v35 =	vperm.xlane v23, v8;
	[tilespmem:v34+s24+$0x0] =	vst.idx.add.f32.msk $0xffff, v25  }
0x12f: {  	v36 =	vadd.s32 v22, v63;
	v24 =	vld.idx.msk [tilespmem:v24+s23+$0x0], $0xffff  }
0x130: {  	v37 =	vadd.s32 v0, v35;
	_ =	sdelay $0x2  }
0x131: {  	v38 =	vperm.xlane v20, v8  }
0x132: {  	[tilespmem:v36+s24+$0x0] =	vst.idx.add.f32.msk $0xffff, v24  }
0x133: {  	v39 =	vadd.s32 v0, v38;
	v24 =	vld.idx.msk [tilespmem:v37+s23+$0x0], $0xffff  }
0x134: {  	v40 =	vadd.s32 v19, v35;
	_ =	sdelay $0x3  }
0x135: {  	[tilespmem:v39+s24+$0x0] =	vst.idx.add.f32.msk $0xffff, v24  }
0x136: {  	v41 =	vadd.s32 v19, v38;
	v24 =	vld.idx.msk [tilespmem:v40+s23+$0x0], $0xffff  }
0x137: {  	v42 =	vadd.s32 v21, v35;
	_ =	sdelay $0x3  }
0x138: {  	[tilespmem:v41+s24+$0x0] =	vst.idx.add.f32.msk $0xffff, v24  }
0x139: {  	v43 =	vadd.s32 v21, v38;
	v24 =	vld.idx.msk [tilespmem:v42+s23+$0x0], $0xffff  }
0x13a: {  	v25 =	vadd.s32 v22, v35;
	_ =	sdelay $0x3  }
0x13b: {  	v44 =	vperm.xlane v23, v9;
	[tilespmem:v43+s24+$0x0] =	vst.idx.add.f32.msk $0xffff, v24  }
0x13c: {  	v45 =	vadd.s32 v22, v38;
	v25 =	vld.idx.msk [tilespmem:v25+s23+$0x0], $0xffff  }
0x13d: {  	v46 =	vadd.s32 v0, v44;
	_ =	sdelay $0x2  }
0x13e: {  	v47 =	vperm.xlane v20, v9  }
0x13f: {  	[tilespmem:v45+s24+$0x0] =	vst.idx.add.f32.msk $0xffff, v25  }
0x140: {  	v48 =	vadd.s32 v0, v47;
	v25 =	vld.idx.msk [tilespmem:v46+s23+$0x0], $0xffff  }
0x141: {  	v49 =	vadd.s32 v19, v44;
	_ =	sdelay $0x3  }
0x142: {  	[tilespmem:v48+s24+$0x0] =	vst.idx.add.f32.msk $0xffff, v25  }
0x143: {  	v50 =	vadd.s32 v19, v47;
	v25 =	vld.idx.msk [tilespmem:v49+s23+$0x0], $0xffff  }
0x144: {  	v51 =	vadd.s32 v21, v44;
	_ =	sdelay $0x3  }
0x145: {  	[tilespmem:v50+s24+$0x0] =	vst.idx.add.f32.msk $0xffff, v25  }
0x146: {  	v52 =	vadd.s32 v21, v47;
	v25 =	vld.idx.msk [tilespmem:v51+s23+$0x0], $0xffff  }
0x147: {  	v24 =	vadd.s32 v22, v44;
	_ =	sdelay $0x3  }
0x148: {  	v53 =	vperm.xlane v23, v10;
	[tilespmem:v52+s24+$0x0] =	vst.idx.add.f32.msk $0xffff, v25  }
0x149: {  	v54 =	vadd.s32 v22, v47;
	v24 =	vld.idx.msk [tilespmem:v24+s23+$0x0], $0xffff  }
0x14a: {  	v55 =	vadd.s32 v0, v53;
	_ =	sdelay $0x2  }
0x14b: {  	v56 =	vperm.xlane v20, v10  }
0x14c: {  	[tilespmem:v54+s24+$0x0] =	vst.idx.add.f32.msk $0xffff, v24  }
0x14d: {  	v57 =	vadd.s32 v0, v56;
	v24 =	vld.idx.msk [tilespmem:v55+s23+$0x0], $0xffff  }
0x14e: {  	v58 =	vadd.s32 v19, v53;
	_ =	sdelay $0x3  }
0x14f: {  	[tilespmem:v57+s24+$0x0] =	vst.idx.add.f32.msk $0xffff, v24  }
0x150: {  	v59 =	vadd.s32 v19, v56;
	v24 =	vld.idx.msk [tilespmem:v58+s23+$0x0], $0xffff  }
0x151: {  	v60 =	vadd.s32 v21, v53;
	_ =	sdelay $0x3  }
0x152: {  	[tilespmem:v59+s24+$0x0] =	vst.idx.add.f32.msk $0xffff, v24  }
0x153: {  	v61 =	vadd.s32 v21, v56;
	v24 =	vld.idx.msk [tilespmem:v60+s23+$0x0], $0xffff  }
0x154: {  	v25 =	vadd.s32 v22, v53;
	_ =	sdelay $0x3  }
0x155: {  	v62 =	vperm.xlane v23, v11;
	[tilespmem:v61+s24+$0x0] =	vst.idx.add.f32.msk $0xffff, v24  }
0x156: {  	v63 =	vadd.s32 v22, v56;
	v25 =	vld.idx.msk [tilespmem:v25+s23+$0x0], $0xffff  }
0x157: {  	v32 =	vadd.s32 v0, v62;
	_ =	sdelay $0x2  }
0x158: {  	v33 =	vperm.xlane v20, v11  }
0x159: {  	[tilespmem:v63+s24+$0x0] =	vst.idx.add.f32.msk $0xffff, v25  }
0x15a: {  	v34 =	vadd.s32 v0, v33;
	v25 =	vld.idx.msk [tilespmem:v32+s23+$0x0], $0xffff  }
0x15b: {  	v35 =	vadd.s32 v19, v62;
	_ =	sdelay $0x3  }
0x15c: {  	[tilespmem:v34+s24+$0x0] =	vst.idx.add.f32.msk $0xffff, v25  }
0x15d: {  	v36 =	vadd.s32 v19, v33;
	v25 =	vld.idx.msk [tilespmem:v35+s23+$0x0], $0xffff  }
0x15e: {  	v37 =	vadd.s32 v21, v62;
	_ =	sdelay $0x3  }
0x15f: {  	[tilespmem:v36+s24+$0x0] =	vst.idx.add.f32.msk $0xffff, v25  }
0x160: {  	v38 =	vadd.s32 v21, v33;
	v25 =	vld.idx.msk [tilespmem:v37+s23+$0x0], $0xffff  }
0x161: {  	v24 =	vadd.s32 v22, v62;
	_ =	sdelay $0x3  }
0x162: {  	v39 =	vperm.xlane v23, v12;
	[tilespmem:v38+s24+$0x0] =	vst.idx.add.f32.msk $0xffff, v25  }
0x163: {  	v40 =	vadd.s32 v22, v33;
	v24 =	vld.idx.msk [tilespmem:v24+s23+$0x0], $0xffff  }
0x164: {  	v41 =	vadd.s32 v0, v39;
	_ =	sdelay $0x2  }
0x165: {  	v42 =	vperm.xlane v20, v12  }
0x166: {  	[tilespmem:v40+s24+$0x0] =	vst.idx.add.f32.msk $0xffff, v24  }
0x167: {  	v43 =	vadd.s32 v0, v42;
	v24 =	vld.idx.msk [tilespmem:v41+s23+$0x0], $0xffff  }
0x168: {  	v44 =	vadd.s32 v19, v39;
	_ =	sdelay $0x3  }
0x169: {  	[tilespmem:v43+s24+$0x0] =	vst.idx.add.f32.msk $0xffff, v24  }
0x16a: {  	v45 =	vadd.s32 v19, v42;
	v24 =	vld.idx.msk [tilespmem:v44+s23+$0x0], $0xffff  }
0x16b: {  	v46 =	vadd.s32 v21, v39;
	_ =	sdelay $0x3  }
0x16c: {  	[tilespmem:v45+s24+$0x0] =	vst.idx.add.f32.msk $0xffff, v24  }
0x16d: {  	v47 =	vadd.s32 v21, v42;
	v24 =	vld.idx.msk [tilespmem:v46+s23+$0x0], $0xffff  }
0x16e: {  	v25 =	vadd.s32 v22, v39;
	_ =	sdelay $0x3  }
0x16f: {  	v48 =	vperm.xlane v23, v13;
	[tilespmem:v47+s24+$0x0] =	vst.idx.add.f32.msk $0xffff, v24  }
0x170: {  	v49 =	vadd.s32 v22, v42;
	v25 =	vld.idx.msk [tilespmem:v25+s23+$0x0], $0xffff  }
0x171: {  	v50 =	vadd.s32 v0, v48;
	_ =	sdelay $0x2  }
0x172: {  	v51 =	vperm.xlane v20, v13  }
0x173: {  	[tilespmem:v49+s24+$0x0] =	vst.idx.add.f32.msk $0xffff, v25  }
0x174: {  	v52 =	vadd.s32 v0, v51;
	v25 =	vld.idx.msk [tilespmem:v50+s23+$0x0], $0xffff  }
0x175: {  	v53 =	vadd.s32 v19, v48;
	_ =	sdelay $0x3  }
0x176: {  	[tilespmem:v52+s24+$0x0] =	vst.idx.add.f32.msk $0xffff, v25  }
0x177: {  	v54 =	vadd.s32 v19, v51;
	v25 =	vld.idx.msk [tilespmem:v53+s23+$0x0], $0xffff  }
0x178: {  	v55 =	vadd.s32 v21, v48;
	_ =	sdelay $0x3  }
0x179: {  	[tilespmem:v54+s24+$0x0] =	vst.idx.add.f32.msk $0xffff, v25  }
0x17a: {  	v56 =	vadd.s32 v21, v51;
	v25 =	vld.idx.msk [tilespmem:v55+s23+$0x0], $0xffff  }
0x17b: {  	v24 =	vadd.s32 v22, v48;
	_ =	sdelay $0x3  }
0x17c: {  	v57 =	vperm.xlane v23, v14;
	[tilespmem:v56+s24+$0x0] =	vst.idx.add.f32.msk $0xffff, v25  }
0x17d: {  	v58 =	vadd.s32 v22, v51;
	v24 =	vld.idx.msk [tilespmem:v24+s23+$0x0], $0xffff  }
0x17e: {  	v59 =	vadd.s32 v0, v57;
	_ =	sdelay $0x2  }
0x17f: {  	v60 =	vperm.xlane v20, v14  }
0x180: {  	[tilespmem:v58+s24+$0x0] =	vst.idx.add.f32.msk $0xffff, v24  }
0x181: {  	v61 =	vadd.s32 v0, v60;
	v24 =	vld.idx.msk [tilespmem:v59+s23+$0x0], $0xffff  }
0x182: {  	v62 =	vadd.s32 v19, v57;
	_ =	sdelay $0x3  }
0x183: {  	[tilespmem:v61+s24+$0x0] =	vst.idx.add.f32.msk $0xffff, v24  }
0x184: {  	v63 =	vadd.s32 v19, v60;
	v24 =	vld.idx.msk [tilespmem:v62+s23+$0x0], $0xffff  }
0x185: {  	v30 =	vadd.s32 v21, v57;
	_ =	sdelay $0x3  }
0x186: {  	[tilespmem:v63+s24+$0x0] =	vst.idx.add.f32.msk $0xffff, v24  }
0x187: {  	v31 =	vadd.s32 v21, v60;
	v24 =	vld.idx.msk [tilespmem:v30+s23+$0x0], $0xffff  }
0x188: {  	v25 =	vadd.s32 v22, v57;
	_ =	sdelay $0x3  }
0x189: {  	v32 =	vperm.xlane v23, v15;
	[tilespmem:v31+s24+$0x0] =	vst.idx.add.f32.msk $0xffff, v24  }
0x18a: {  	v33 =	vadd.s32 v22, v60;
	v25 =	vld.idx.msk [tilespmem:v25+s23+$0x0], $0xffff  }
0x18b: {  	v34 =	vadd.s32 v0, v32;
	_ =	sdelay $0x2  }
0x18c: {  	v35 =	vperm.xlane v20, v15  }
0x18d: {  	[tilespmem:v33+s24+$0x0] =	vst.idx.add.f32.msk $0xffff, v25  }
0x18e: {  	v36 =	vadd.s32 v0, v35;
	v25 =	vld.idx.msk [tilespmem:v34+s23+$0x0], $0xffff  }
0x18f: {  	v37 =	vadd.s32 v19, v32;
	_ =	sdelay $0x3  }
0x190: {  	[tilespmem:v36+s24+$0x0] =	vst.idx.add.f32.msk $0xffff, v25  }
0x191: {  	v38 =	vadd.s32 v19, v35;
	v25 =	vld.idx.msk [tilespmem:v37+s23+$0x0], $0xffff  }
0x192: {  	v39 =	vadd.s32 v21, v32;
	_ =	sdelay $0x3  }
0x193: {  	[tilespmem:v38+s24+$0x0] =	vst.idx.add.f32.msk $0xffff, v25  }
0x194: {  	v40 =	vadd.s32 v21, v35;
	v25 =	vld.idx.msk [tilespmem:v39+s23+$0x0], $0xffff  }
0x195: {  	v24 =	vadd.s32 v22, v32;
	_ =	sdelay $0x3  }
0x196: {  	v41 =	vperm.xlane v23, v16;
	[tilespmem:v40+s24+$0x0] =	vst.idx.add.f32.msk $0xffff, v25  }
0x197: {  	v42 =	vadd.s32 v22, v35;
	v24 =	vld.idx.msk [tilespmem:v24+s23+$0x0], $0xffff  }
0x198: {  	v43 =	vadd.s32 v0, v41;
	_ =	sdelay $0x2  }
0x199: {  	v44 =	vperm.xlane v20, v16  }
0x19a: {  	[tilespmem:v42+s24+$0x0] =	vst.idx.add.f32.msk $0xffff, v24  }
0x19b: {  	v45 =	vadd.s32 v0, v44;
	v24 =	vld.idx.msk [tilespmem:v43+s23+$0x0], $0xffff  }
0x19c: {  	v46 =	vadd.s32 v19, v41;
	_ =	sdelay $0x3  }
0x19d: {  	[tilespmem:v45+s24+$0x0] =	vst.idx.add.f32.msk $0xffff, v24  }
0x19e: {  	v47 =	vadd.s32 v19, v44;
	v24 =	vld.idx.msk [tilespmem:v46+s23+$0x0], $0xffff  }
0x19f: {  	v48 =	vadd.s32 v21, v41;
	_ =	sdelay $0x3  }
0x1a0: {  	[tilespmem:v47+s24+$0x0] =	vst.idx.add.f32.msk $0xffff, v24  }
0x1a1: {  	v49 =	vadd.s32 v21, v44;
	v24 =	vld.idx.msk [tilespmem:v48+s23+$0x0], $0xffff  }
0x1a2: {  	v25 =	vadd.s32 v22, v41;
	_ =	sdelay $0x3  }
0x1a3: {  	v50 =	vperm.xlane v23, v17;
	[tilespmem:v49+s24+$0x0] =	vst.idx.add.f32.msk $0xffff, v24  }
0x1a4: {  	v51 =	vadd.s32 v22, v44;
	v25 =	vld.idx.msk [tilespmem:v25+s23+$0x0], $0xffff  }
0x1a5: {  	v52 =	vadd.s32 v0, v50;
	_ =	sdelay $0x2  }
0x1a6: {  	v53 =	vperm.xlane v20, v17  }
0x1a7: {  	[tilespmem:v51+s24+$0x0] =	vst.idx.add.f32.msk $0xffff, v25  }
0x1a8: {  	v54 =	vadd.s32 v0, v53;
	v25 =	vld.idx.msk [tilespmem:v52+s23+$0x0], $0xffff  }
0x1a9: {  	v55 =	vadd.s32 v19, v50;
	_ =	sdelay $0x3  }
0x1aa: {  	[tilespmem:v54+s24+$0x0] =	vst.idx.add.f32.msk $0xffff, v25  }
0x1ab: {  	v56 =	vadd.s32 v19, v53;
	v25 =	vld.idx.msk [tilespmem:v55+s23+$0x0], $0xffff  }
0x1ac: {  	v57 =	vadd.s32 v21, v50;
	_ =	sdelay $0x3  }
0x1ad: {  	[tilespmem:v56+s24+$0x0] =	vst.idx.add.f32.msk $0xffff, v25  }
0x1ae: {  	v58 =	vadd.s32 v21, v53;
	v25 =	vld.idx.msk [tilespmem:v57+s23+$0x0], $0xffff  }
0x1af: {  	v24 =	vadd.s32 v22, v50;
	_ =	sdelay $0x3  }
0x1b0: {  	v23 =	vperm.xlane v23, v18;
	[tilespmem:v58+s24+$0x0] =	vst.idx.add.f32.msk $0xffff, v25  }
0x1b1: {  	v59 =	vadd.s32 v22, v53;
	v24 =	vld.idx.msk [tilespmem:v24+s23+$0x0], $0xffff  }
0x1b2: {  	v60 =	vadd.s32 v0, v23;
	_ =	sdelay $0x2  }
0x1b3: {  	v20 =	vperm.xlane v20, v18  }
0x1b4: {  	[tilespmem:v59+s24+$0x0] =	vst.idx.add.f32.msk $0xffff, v24  }
0x1b5: {  	v61 =	vadd.s32 v0, v20;
	v24 =	vld.idx.msk [tilespmem:v60+s23+$0x0], $0xffff  }
0x1b6: {  	v62 =	vadd.s32 v19, v23;
	_ =	sdelay $0x3  }
0x1b7: {  	[tilespmem:v61+s24+$0x0] =	vst.idx.add.f32.msk $0xffff, v24  }
0x1b8: {  	v19 =	vadd.s32 v19, v20;
	v24 =	vld.idx.msk [tilespmem:v62+s23+$0x0], $0xffff  }
0x1b9: {  	v63 =	vadd.s32 v21, v23;
	_ =	sdelay $0x3  }
0x1ba: {  	[tilespmem:v19+s24+$0x0] =	vst.idx.add.f32.msk $0xffff, v24  }
0x1bb: {  	v21 =	vadd.s32 v21, v20;
	v19 =	vld.idx.msk [tilespmem:v63+s23+$0x0], $0xffff  }
0x1bc: {  	v23 =	vadd.s32 v22, v23;
	_ =	sdelay $0x3  }
0x1bd: {  	[tilespmem:v21+s24+$0x0] =	vst.idx.add.f32.msk $0xffff, v19  }
0x1be: {  	p0 =	sne.s32 s19, $0x1;
	v20 =	vadd.s32 v22, v20;
	v19 =	vld.idx.msk [tilespmem:v23+s23+$0x0], $0xffff  }
.Ltmp4:
0x1bf: {  	_ = 	snop;
	(pc) =	sbr.rel @p0 .LBB2_6-.Ltmp4, $2  }
0x1c0: {  	_ =	sdelay $0x2  }
0x1c1: {  	s4 =	sadd.s32 $0x10, s4;
	s17 =	sadd.s32 $0x10, s17;
	s19 =	sadd.s32 $0xFFFFFFFF, s19;
	[tilespmem:v20+s24+$0x0] =	vst.idx.add.f32.msk $0xffff, v19  }
.Ltmp5:
0x1c2: {  	_ = 	snop;
	(pc) =	sbr.rel .LBB2_7-.Ltmp5, $1  }
0x1c3: {  	_ =	sdelay $0x3  }
.LBB2_8:
0x1c4: {  	[spmem:s9] =	stream.linear.scatter [tilespmem:s24], [sflag:$0x1], $0x4000, $0x38;
	[tilespmem:$0x1B860] =	vst v63  }
0x1c5: {  	_ =	swait.ge [sflag:s20], $0x4000  }
0x1c6: {  	[sflag:s20] =	ssyncset.done $0x0  }
0x1c7: {  	[sflag:s20] =	ssyncadd.s32 $0xFFFFC000  }
0x1c8: {  	[bflag:$0x0] =	sbarrier.arrive $0xFFFF  }
0x1c9: {  	[tilespmem:s24], [sflag:$0x1] =	stream.linear.gather [spmem:s10], $0x1000, $0x38;
	[tilespmem:$0x1B860] =	vst v63  }
0x1ca: {  	_ =	swait.ge [sflag:s20], $0x1000  }
0x1cb: {  	[sflag:s20] =	ssyncset.done $0x0  }
0x1cc: {  	s3 =	simm.s32 $0x14820;
	[sflag:s20] =	ssyncadd.s32 $0xFFFFF000  }
0x1cd: {  	[tilespmem:s3], [sflag:$0x1] =	stream.linear.gather [spmem:s11], $0x1000, $0x38;
	[tilespmem:$0x1B860] =	vst v63  }
0x1ce: {  	_ =	swait.ge [sflag:s20], $0x1000  }
0x1cf: {  	[sflag:s20] =	ssyncset.done $0x0  }
0x1d0: {  	[sflag:s20] =	ssyncadd.s32 $0xFFFFF000  }
0x1d1: {  	[tilespmem:s29], [sflag:$0x1] =	stream.linear.gather [spmem:s12], $0x1000, $0x38;
	[tilespmem:$0x1B860] =	vst v63  }
0x1d2: {  	_ =	swait.ge [sflag:s20], $0x1000  }
0x1d3: {  	[sflag:s20] =	ssyncset.done $0x0  }
0x1d4: {  	[sflag:s20] =	ssyncadd.s32 $0xFFFFF000  }
0x1d5: {  	[tilespmem:s30], [sflag:$0x1] =	stream.linear.gather [spmem:s13], $0x1000, $0x38;
	[tilespmem:$0x1B860] =	vst v63  }
0x1d6: {  	_ =	swait.ge [sflag:s20], $0x1000  }
0x1d7: {  	[sflag:s20] =	ssyncset.done $0x0  }
0x1d8: {  	s3 =	simm.s32 $0x0;
	[sflag:s20] =	ssyncadd.s32 $0xFFFFF000  }
0x1d9: {  	s4 =	simm.s32 $0x40;
	v19 =	vld [tilespmem:s3+$0x14820]  }
.LBB2_9:
0x1da: {  	p0 =	sne.s32 s4, $0x3FC0;
	v20 =	vld [tilespmem:s3+$0x13820];
	_ =	sdelay $0x1  }
0x1db: {  	v21 =	vld [tilespmem:s3+$0x15820];
	_ =	sdelay $0x1  }
0x1dc: {  	v22 =	vld [tilespmem:s3+$0x16820]  }
0x1dd: {  	v19 =	vadd.f32 v19, v20;
	_ =	sdelay $0x1  }
.Ltmp6:
0x1de: {  	v19 =	vadd.f32 v21, v19;
	(pc) =	sbr.rel @p0 .LBB2_9-.Ltmp6, $4  }
0x1df: {  	_ = 	snop  }
0x1e0: {  	v20 =	vadd.f32 v22, v19  }
0x1e1: {  	s16 =	sshra.s32 s4, $0x2  }
0x1e2: {  	s4 =	sadd.s32 $0x40, s4;
	v19 =	vld [tilespmem:s16+$0x14820];
	[tilespmem:s3+$0x13820] =	vst v20;
	s3 =	smov.u32 s16  }
0x1e3: {  	v20 =	vld [tilespmem:s3+$0x13820];
	_ =	sdelay $0x1  }
0x1e4: {  	v21 =	vld [tilespmem:s3+$0x15820];
	_ =	sdelay $0x1  }
0x1e5: {  	v22 =	vld [tilespmem:s3+$0x16820]  }
0x1e6: {  	v19 =	vadd.f32 v19, v20;
	_ =	sdelay $0x1  }
0x1e7: {  	v19 =	vadd.f32 v21, v19;
	_ =	sdelay $0x1  }
0x1e8: {  	v19 =	vadd.f32 v22, v19  }
0x1e9: {  	s1 =	sshll.u32 s1, $0x7;
	s0 =	sadd.s32 $0x1, s0  }
0x1ea: {  	s1 =	sadd.s32 s1, s14;
	p0 =	sne.s32 s0, $0x4;
	[tilespmem:s3+$0x13820] =	vst v19  }
0x1eb: {  	[hbm4b:s1+s2] =	stream.linear.scatter [tilespmem:s24], [sflag:$0x1], $0x1000, $0x38;
	[tilespmem:$0x1B860] =	vst v63  }
.Ltmp7:
0x1ec: {  	_ =	swait.ge [sflag:s20], $0x1000;
	(pc) =	sbr.rel @p0 .LBB2_2-.Ltmp7, $3  }
0x1ed: {  	[sflag:s20] =	ssyncset.done $0x0  }
0x1ee: {  	[sflag:s20] =	ssyncadd.s32 $0xFFFFF000  }
0x1ef: {  	[bflag:$0x0] =	sbarrier.arrive $0xFFFF;
	_ =	sdelay $0x1  }
0x1f0: {  	s1 =	rddreg [dreg:$0x9]  }
0x1f1: {  	s0 =	rddreg [dreg:$0x8];
	s1 =	sadd.s32 $0x1, s1  }
0x1f2: {  	p0 =	sne.s32 s1, s0  }
.Ltmp8:
0x1f3: {  	_ = 	snop;
	(pc) =	sbr.rel @p0 .LBB2_1-.Ltmp8, $1  }
0x1f4: {  	_ =	sdelay $0x3  }
0x1f5: {  	_ =	sfence.sel $0x180000  }
0x1f6: {  	[bflag:$0x0] =	sbarrier.arrive $0xFFFF  }
0x1f7: {  	_ =	strace $0x90000047  }
0x1f8: {  	s0 =	stileid.u32;
	[bflag:$0x2] =	sbarrier.arrive $0xFFFF  }
0x1f9: {  	p0 =	sne.s32 s0, $0x0;
	s0 =	rddreg [dreg:$0x3]  }
0x1fa: {  	s0 =	sadd.s32 @!p0 $0x100000, s0  }
0x1fb: {  	[sflag:s0] =	ssyncadd.tile.s32 @!p0 $0x1;
	_ =	shalt  }
.Lfunc_end2:
_tile_overlayer_lowered:
.L_overlay_start_2:
0x1fc: {  	(tag) =	ssettag $0x2  }
0x1fd: {  	s0 =	rddreg [dreg:$0x0];
	s2 =	stileid.u32  }
0x1fe: {  	s1 =	rddreg [dreg:$0x1];
	p0 =	sne.s32 s2, $0x0  }
0x1ff: {  	s3 =	rddreg [dreg:$0x2];
	[bflag:$0x3] =	sbarrier.arrive $0xFFFF;
	s2 =	simm.s32 @!p0 $0x1C01  }
0x200: {  	[timem:s3], [sflag:s2] =	dma.local @!p0 [hbm:s0], s1  }
0x201: {  	s0 =	simm.s32 @!p0 $0x1  }
0x202: {  	_ =	swait.ge @!p0 [sflag:s0], s1  }
0x203: {  	s1 =	ssub.s32 @!p0 $0x0, s1;
	[sflag:s0] =	ssyncset.done @!p0 $0x0  }
0x204: {  	[sflag:s0] =	ssyncadd.s32 @!p0 s1  }
0x205: {  	[bflag:$0x3] =	sbarrier.arrive $0xFFFF  }
0x206: {  	_ =	shalt  }

</sc_bundles>
